<compile_context>
chip_gen: v7x
topology: tpu7x:2x2x1
jax: 0.10.2.dev20260603
libtpu: 0.0.44.dev20260713+nightly
codegen_flags: <defaults>
</compile_context>

<pallas_src>
import functools

import jax
import jax.numpy as jnp
from jax import lax
from jax.experimental import pallas as pl
from jax.experimental.pallas import tpu as pltpu
from jax.experimental.pallas import tpu_sc as plsc

_NC = 2
_NS = 16
_NW = _NC * _NS
_L = 16


def _make_sc_assign(E, N):
    per = E // _NW
    C = 5000 if per % 5000 == 0 else per
    n_chunks = per // C
    n_vec = (C + _L - 1) // _L
    c_pad = n_vec * _L

    mesh = plsc.VectorSubcoreMesh(core_axis_name="c", subcore_axis_name="s")

    idx_buf = pltpu.VMEM((c_pad,), jnp.int32)
    col_buf = pltpu.VMEM((N,), jnp.float32)

    @functools.partial(
        pl.kernel,
        mesh=mesh,
        out_type=jax.ShapeDtypeStruct((E,), jnp.int32),
        compiler_params=pltpu.CompilerParams(needs_layout_passes=False),
        scratch_types=[
            idx_buf, idx_buf,
            idx_buf, idx_buf,
            col_buf, col_buf,
            pltpu.VMEM((c_pad,), jnp.int32),
            pltpu.VMEM((c_pad,), jnp.int32),
            pltpu.VMEM((6 * _L,), jnp.float32),
            pltpu.SemaphoreType.DMA,
            pltpu.SemaphoreType.DMA,
            pltpu.SemaphoreType.DMA,
            pltpu.SemaphoreType.DMA,
            pltpu.SemaphoreType.DMA,
        ],
    )
    def sc_assign(rx_hbm, ry_hbm, rz_hbm, qx_hbm, qy_hbm, qz_hbm,
                  eref_hbm, equery_hbm, kp_hbm, out_hbm,
                  er0, er1, eq0, eq1, rcol, qcol, out0, out1, kp_v,
                  sem_c, isem0, isem1, osem0, osem1):
        wid = (lax.axis_index("s").astype(jnp.int32) * jnp.int32(_NC)
               + lax.axis_index("c").astype(jnp.int32))
        tile_base = wid * jnp.int32(per)

        pltpu.sync_copy(kp_hbm, kp_v)
        zero = jnp.full((_L,), 0, jnp.int32)
        if c_pad > C:
            tail = pl.ds(jnp.int32(c_pad - _L), _L)
            er0[tail] = zero
            er1[tail] = zero
            eq0[tail] = zero
            eq1[tail] = zero

        ibufs = [(er0, eq0, out0, isem0, osem0),
                 (er1, eq1, out1, isem1, osem1)]

        axes = [
            (0, 9, rx_hbm, qx_hbm),
            (1, 3, ry_hbm, qy_hbm),
            (2, 1, rz_hbm, qz_hbm),
        ]
        for a, w, rcol_hbm, qcol_hbm in axes:
            cp_r = pltpu.async_copy(rcol_hbm, rcol, sem_c)
            cp_q = pltpu.async_copy(qcol_hbm, qcol, sem_c)

            def stage(j, owrite_cp):
                er, eq, out_v, isem, _ = ibufs[j % 2]
                base_e = tile_base + jnp.int32(j * C)
                if owrite_cp is not None:
                    owrite_cp.wait()
                cps = [
                    pltpu.async_copy(eref_hbm.at[pl.ds(base_e, C)],
                                     er.at[pl.ds(0, C)], isem),
                    pltpu.async_copy(equery_hbm.at[pl.ds(base_e, C)],
                                     eq.at[pl.ds(0, C)], isem),
                ]
                if a > 0:
                    cps.append(
                        pltpu.async_copy(out_hbm.at[pl.ds(base_e, C)],
                                         out_v.at[pl.ds(0, C)], isem))
                return cps

            pending = {0: stage(0, None)}
            owrites = {}
            cp_r.wait()
            cp_q.wait()

            hv = kp_v[pl.ds(a * _L, _L)]
            nhv = kp_v[pl.ds((3 + a) * _L, _L)]
            wv = jnp.full((_L,), w, jnp.int32)

            for j in range(n_chunks):
                if j + 1 < n_chunks:
                    pending[j + 1] = stage(j + 1, owrites.pop(j - 1, None))
                for cp in pending.pop(j):
                    cp.wait()
                er, eq, out_v, _, osem = ibufs[j % 2]

                def body(i, carry):
                    sl = pl.ds(i * jnp.int32(_L), _L)
                    t = (plsc.load_gather(rcol, [er[sl]])
                         - plsc.load_gather(qcol, [eq[sl]]))
                    contrib = (jnp.where(t > nhv, wv, zero)
                               + jnp.where(t > hv, wv, zero))
                    if a > 0:
                        contrib = contrib + out_v[sl]
                    out_v[sl] = contrib
                    return carry

                lax.fori_loop(jnp.int32(0), jnp.int32(n_vec), body, 0,
                              unroll=False)
                base_e = tile_base + jnp.int32(j * C)
                owrites[j] = pltpu.async_copy(
                    out_v.at[pl.ds(0, C)], out_hbm.at[pl.ds(base_e, C)],
                    osem)
            for cp in owrites.values():
                cp.wait()

    return sc_assign


def kernel(ref_bxyz, query_bxyz, e_ref, e_query, kernel_pos):
    E = e_ref.shape[0]
    N = ref_bxyz.shape[0]
    er = e_ref.astype(jnp.int32)
    eq = e_query.astype(jnp.int32)
    rx, ry, rz = ref_bxyz[:, 1], ref_bxyz[:, 2], ref_bxyz[:, 3]
    qx, qy, qz = query_bxyz[:, 1], query_bxyz[:, 2], query_bxyz[:, 3]
    h = kernel_pos[26, :].astype(jnp.float32) * jnp.float32(0.5)
    kp_pad = jnp.concatenate([jnp.repeat(h, _L), jnp.repeat(-h, _L)])
    out32 = _make_sc_assign(E, N)(rx, ry, rz, qx, qy, qz, er, eq, kp_pad)
    return out32.astype(jnp.int64)

# --- scband reference (transcript-rebuilt; emitter-appended) ---
"""Pipeline reference for scband-geometric-assigner-67997922230571 (READ-ONLY COPY).

The authoritative reference and input builder live on the scoring server;
editing this copy changes nothing except your own understanding.
"""

import jax, jax.numpy as jnp
import numpy as np
jax.config.update("jax_enable_x64", True)


def compute_conv3d_positions(voxel_size):
    vx, vy, vz = voxel_size
    kernel_pos = []
    for dx in [-vx, 0.0, vx]:
        for dy in [-vy, 0.0, vy]:
            for dz in [-vz, 0.0, vz]:
                kernel_pos.append([dx, dy, dz])
    return jnp.asarray(np.array(kernel_pos, dtype=np.float32))


def setup_inputs(seed: int = 0) -> dict:
    key = jax.random.key(seed)
    k1, k2, k3, k4 = jax.random.split(key, 4)
    N = 50000
    E = 800000
    ref_bxyz = jax.random.uniform(k1, (N, 4), dtype=jnp.float32)
    query_bxyz = jax.random.uniform(k2, (N, 4), dtype=jnp.float32)
    e_ref = jax.random.randint(k3, (E,), 0, N, dtype=jnp.int64)
    e_query = jax.random.randint(k4, (E,), 0, N, dtype=jnp.int64)
    kernel_pos = compute_conv3d_positions([0.1, 0.1, 0.1])
    return {
        "ref_bxyz": ref_bxyz,
        "query_bxyz": query_bxyz,
        "e_ref": e_ref,
        "e_query": e_query,
        "kernel_pos": kernel_pos,
    }


def reference(ref_bxyz, query_bxyz, e_ref, e_query, kernel_pos):
    # gather endpoint coordinates per edge
    relative_bxyz = ref_bxyz[e_ref] - query_bxyz[e_query]
    relative_xyz = relative_bxyz[:, 1:4]
    # distance from each edge offset to each of the 27 geometric kernel positions
    diff = relative_xyz[:, None, :] - kernel_pos[None, :, :]
    dist = jnp.linalg.norm(diff, axis=-1)
    return jnp.argmin(dist, axis=1).astype(jnp.int64)

if __name__ == "__main__":
    import jax
    _d = setup_inputs()
    print(jax.jit(kernel)(*tuple(_d.values())))

</pallas_src>

<mosaic_0001>
#map = affine_map<(d0, d1) -> (0)>
module attributes {stable_mosaic.version = 14 : i64} {
  func.func @sc_assign(%arg0: i32, %arg1: i32, %arg2: memref<50000xf32, #tpu.memory_space<hbm>>, %arg3: memref<50000xf32, #tpu.memory_space<hbm>>, %arg4: memref<50000xf32, #tpu.memory_space<hbm>>, %arg5: memref<50000xf32, #tpu.memory_space<hbm>>, %arg6: memref<50000xf32, #tpu.memory_space<hbm>>, %arg7: memref<50000xf32, #tpu.memory_space<hbm>>, %arg8: memref<800000xi32, #tpu.memory_space<hbm>>, %arg9: memref<800000xi32, #tpu.memory_space<hbm>>, %arg10: memref<96xf32, #tpu.memory_space<hbm>>, %arg11: memref<800000xi32, #tpu.memory_space<hbm>>, %arg12: memref<5008xi32, #tpu.memory_space<vmem>>, %arg13: memref<5008xi32, #tpu.memory_space<vmem>>, %arg14: memref<5008xi32, #tpu.memory_space<vmem>>, %arg15: memref<5008xi32, #tpu.memory_space<vmem>>, %arg16: memref<50000xf32, #tpu.memory_space<vmem>>, %arg17: memref<50000xf32, #tpu.memory_space<vmem>>, %arg18: memref<5008xi32, #tpu.memory_space<vmem>>, %arg19: memref<5008xi32, #tpu.memory_space<vmem>>, %arg20: memref<96xf32, #tpu.memory_space<vmem>>, %arg21: memref<!tpu.dma_semaphore, #tpu.memory_space<semaphore_mem>>, %arg22: memref<!tpu.dma_semaphore, #tpu.memory_space<semaphore_mem>>, %arg23: memref<!tpu.dma_semaphore, #tpu.memory_space<semaphore_mem>>, %arg24: memref<!tpu.dma_semaphore, #tpu.memory_space<semaphore_mem>>, %arg25: memref<!tpu.dma_semaphore, #tpu.memory_space<semaphore_mem>>) attributes {dimension_semantics = [#tpu.dimension_semantics<core_parallel>, #tpu.dimension_semantics<subcore_parallel>], iteration_bounds = array<i64: 2, 16>, scalar_prefetch = 0 : i64, scratch_operands = 14 : i64, tpu.core_type = #tpu.core_type<sc_vector_subcore>, window_params = [{transform_indices = #map}, {transform_indices = #map}, {transform_indices = #map}, {transform_indices = #map}, {transform_indices = #map}, {transform_indices = #map}, {transform_indices = #map}, {transform_indices = #map}, {transform_indices = #map}, {transform_indices = #map}]} {
    %mul3A = arith.constant 2 : i32
    %mul3A_0 = arith.muli %arg1, %mul3A : i32
    %add3A = arith.addi %mul3A_0, %arg0 : i32
    %mul3A_1 = arith.constant 25000 : i32
    %mul3A_2 = arith.muli %add3A, %mul3A_1 : i32
    "tpu.region"() ({
      %run_scoped3A = tpu.sem_alloc : memref<!tpu.dma_semaphore, #tpu.memory_space<semaphore_mem>>
      tpu.enqueue_dma source(%arg10 : memref<96xf32, #tpu.memory_space<hbm>>) target(%arg20 : memref<96xf32, #tpu.memory_space<vmem>>) target_semaphore(%run_scoped3A : memref<!tpu.dma_semaphore, #tpu.memory_space<semaphore_mem>>)
      tpu.wait_dma2 semaphore(%run_scoped3A : memref<!tpu.dma_semaphore, #tpu.memory_space<semaphore_mem>>) src(%arg10 : memref<96xf32, #tpu.memory_space<hbm>>) dst(%arg20 : memref<96xf32, #tpu.memory_space<vmem>>)
      tpu.yield
    }) : () -> ()
    %broadcast_in_dim3A = arith.constant 0 : i32
    %broadcast_in_dim3A_3 = vector.broadcast %broadcast_in_dim3A : i32 to vector<16xi32>
    %swap3A = arith.constant 4992 : i32
    %swap3A_4 = arith.index_cast %swap3A : i32 to index
    %swap3A_5 = tpu.vector_load %arg12[%swap3A_4] {strides = array<i32>} : memref<5008xi32, #tpu.memory_space<vmem>>, vector<16xi32>,
    tpu.vector_store %arg12[%swap3A_4], %broadcast_in_dim3A_3 {strides = array<i32>} : memref<5008xi32, #tpu.memory_space<vmem>>, vector<16xi32>,
    %swap3A_6 = arith.constant 4992 : i32
    %swap3A_7 = arith.index_cast %swap3A_6 : i32 to index
    %swap3A_8 = tpu.vector_load %arg13[%swap3A_7] {strides = array<i32>} : memref<5008xi32, #tpu.memory_space<vmem>>, vector<16xi32>,
    tpu.vector_store %arg13[%swap3A_7], %broadcast_in_dim3A_3 {strides = array<i32>} : memref<5008xi32, #tpu.memory_space<vmem>>, vector<16xi32>,
    %swap3A_9 = arith.constant 4992 : i32
    %swap3A_10 = arith.index_cast %swap3A_9 : i32 to index
    %swap3A_11 = tpu.vector_load %arg14[%swap3A_10] {strides = array<i32>} : memref<5008xi32, #tpu.memory_space<vmem>>, vector<16xi32>,
    tpu.vector_store %arg14[%swap3A_10], %broadcast_in_dim3A_3 {strides = array<i32>} : memref<5008xi32, #tpu.memory_space<vmem>>, vector<16xi32>,
    %swap3A_12 = arith.constant 4992 : i32
    %swap3A_13 = arith.index_cast %swap3A_12 : i32 to index
    %swap3A_14 = tpu.vector_load %arg15[%swap3A_13] {strides = array<i32>} : memref<5008xi32, #tpu.memory_space<vmem>>, vector<16xi32>,
    tpu.vector_store %arg15[%swap3A_13], %broadcast_in_dim3A_3 {strides = array<i32>} : memref<5008xi32, #tpu.memory_space<vmem>>, vector<16xi32>,
    tpu.enqueue_dma source(%arg2 : memref<50000xf32, #tpu.memory_space<hbm>>) target(%arg16 : memref<50000xf32, #tpu.memory_space<vmem>>) target_semaphore(%arg21 : memref<!tpu.dma_semaphore, #tpu.memory_space<semaphore_mem>>)
    tpu.enqueue_dma source(%arg5 : memref<50000xf32, #tpu.memory_space<hbm>>) target(%arg17 : memref<50000xf32, #tpu.memory_space<vmem>>) target_semaphore(%arg21 : memref<!tpu.dma_semaphore, #tpu.memory_space<semaphore_mem>>)
    %add3A_15 = arith.constant 0 : i32
    %add3A_16 = arith.addi %mul3A_2, %add3A_15 : i32
    %dma_start3A = arith.constant 0 : i32
    %dma_start3A_17 = tpu.memref_slice %arg12[%dma_start3A] : memref<5008xi32, #tpu.memory_space<vmem>> -> memref<5000xi32, #tpu.memory_space<vmem>>
    %dma_start3A_18 = tpu.memref_slice %arg8[%add3A_16] : memref<800000xi32, #tpu.memory_space<hbm>> -> memref<5000xi32, #tpu.memory_space<hbm>>
    %dma_start3A_19 = arith.constant 0 : i32
    %dma_start3A_20 = tpu.memref_slice %arg12[%dma_start3A_19] : memref<5008xi32, #tpu.memory_space<vmem>> -> memref<5000xi32, #tpu.memory_space<vmem>>
    %dma_start3A_21 = tpu.memref_slice %arg8[%add3A_16] : memref<800000xi32, #tpu.memory_space<hbm>> -> memref<5000xi32, #tpu.memory_space<hbm>>
    tpu.enqueue_dma source(%dma_start3A_21 : memref<5000xi32, #tpu.memory_space<hbm>>) target(%dma_start3A_20 : memref<5000xi32, #tpu.memory_space<vmem>>) target_semaphore(%arg22 : memref<!tpu.dma_semaphore, #tpu.memory_space<semaphore_mem>>)
    %dma_start3A_22 = arith.constant 0 : i32
    %dma_start3A_23 = tpu.memref_slice %arg14[%dma_start3A_22] : memref<5008xi32, #tpu.memory_space<vmem>> -> memref<5000xi32, #tpu.memory_space<vmem>>
    %dma_start3A_24 = tpu.memref_slice %arg9[%add3A_16] : memref<800000xi32, #tpu.memory_space<hbm>> -> memref<5000xi32, #tpu.memory_space<hbm>>
    %dma_start3A_25 = arith.constant 0 : i32
    %dma_start3A_26 = tpu.memref_slice %arg14[%dma_start3A_25] : memref<5008xi32, #tpu.memory_space<vmem>> -> memref<5000xi32, #tpu.memory_space<vmem>>
    %dma_start3A_27 = tpu.memref_slice %arg9[%add3A_16] : memref<800000xi32, #tpu.memory_space<hbm>> -> memref<5000xi32, #tpu.memory_space<hbm>>
    tpu.enqueue_dma source(%dma_start3A_27 : memref<5000xi32, #tpu.memory_space<hbm>>) target(%dma_start3A_26 : memref<5000xi32, #tpu.memory_space<vmem>>) target_semaphore(%arg22 : memref<!tpu.dma_semaphore, #tpu.memory_space<semaphore_mem>>)
    tpu.wait_dma2 semaphore(%arg21 : memref<!tpu.dma_semaphore, #tpu.memory_space<semaphore_mem>>) src(%arg2 : memref<50000xf32, #tpu.memory_space<hbm>>) dst(%arg16 : memref<50000xf32, #tpu.memory_space<vmem>>)
    tpu.wait_dma2 semaphore(%arg21 : memref<!tpu.dma_semaphore, #tpu.memory_space<semaphore_mem>>) src(%arg5 : memref<50000xf32, #tpu.memory_space<hbm>>) dst(%arg17 : memref<50000xf32, #tpu.memory_space<vmem>>)
    %get3A = arith.constant 0 : index
    %get3A_28 = tpu.vector_load %arg20[%get3A] {strides = array<i32>} : memref<96xf32, #tpu.memory_space<vmem>>, vector<16xf32>,
    %get3A_29 = arith.constant 48 : index
    %get3A_30 = tpu.vector_load %arg20[%get3A_29] {strides = array<i32>} : memref<96xf32, #tpu.memory_space<vmem>>, vector<16xf32>,
    %broadcast_in_dim3A_31 = arith.constant 9 : i32
    %broadcast_in_dim3A_32 = vector.broadcast %broadcast_in_dim3A_31 : i32 to vector<16xi32>
    %add3A_33 = arith.constant 5000 : i32
    %add3A_34 = arith.addi %mul3A_2, %add3A_33 : i32
    %dma_start3A_35 = arith.constant 0 : i32
    %dma_start3A_36 = tpu.memref_slice %arg13[%dma_start3A_35] : memref<5008xi32, #tpu.memory_space<vmem>> -> memref<5000xi32, #tpu.memory_space<vmem>>
    %dma_start3A_37 = tpu.memref_slice %arg8[%add3A_34] : memref<800000xi32, #tpu.memory_space<hbm>> -> memref<5000xi32, #tpu.memory_space<hbm>>
    %dma_start3A_38 = arith.constant 0 : i32
    %dma_start3A_39 = tpu.memref_slice %arg13[%dma_start3A_38] : memref<5008xi32, #tpu.memory_space<vmem>> -> memref<5000xi32, #tpu.memory_space<vmem>>
    %dma_start3A_40 = tpu.memref_slice %arg8[%add3A_34] : memref<800000xi32, #tpu.memory_space<hbm>> -> memref<5000xi32, #tpu.memory_space<hbm>>
    tpu.enqueue_dma source(%dma_start3A_40 : memref<5000xi32, #tpu.memory_space<hbm>>) target(%dma_start3A_39 : memref<5000xi32, #tpu.memory_space<vmem>>) target_semaphore(%arg23 : memref<!tpu.dma_semaphore, #tpu.memory_space<semaphore_mem>>)
    %dma_start3A_41 = arith.constant 0 : i32
    %dma_start3A_42 = tpu.memref_slice %arg15[%dma_start3A_41] : memref<5008xi32, #tpu.memory_space<vmem>> -> memref<5000xi32, #tpu.memory_space<vmem>>
    %dma_start3A_43 = tpu.memref_slice %arg9[%add3A_34] : memref<800000xi32, #tpu.memory_space<hbm>> -> memref<5000xi32, #tpu.memory_space<hbm>>
    %dma_start3A_44 = arith.constant 0 : i32
    %dma_start3A_45 = tpu.memref_slice %arg15[%dma_start3A_44] : memref<5008xi32, #tpu.memory_space<vmem>> -> memref<5000xi32, #tpu.memory_space<vmem>>
    %dma_start3A_46 = tpu.memref_slice %arg9[%add3A_34] : memref<800000xi32, #tpu.memory_space<hbm>> -> memref<5000xi32, #tpu.memory_space<hbm>>
    tpu.enqueue_dma source(%dma_start3A_46 : memref<5000xi32, #tpu.memory_space<hbm>>) target(%dma_start3A_45 : memref<5000xi32, #tpu.memory_space<vmem>>) target_semaphore(%arg23 : memref<!tpu.dma_semaphore, #tpu.memory_space<semaphore_mem>>)
    %dma_wait3A = arith.constant 0 : i32
    %dma_wait3A_47 = tpu.memref_slice %arg12[%dma_wait3A] : memref<5008xi32, #tpu.memory_space<vmem>> -> memref<5000xi32, #tpu.memory_space<vmem>>
    %dma_wait3A_48 = tpu.memref_slice %arg8[%add3A_16] : memref<800000xi32, #tpu.memory_space<hbm>> -> memref<5000xi32, #tpu.memory_space<hbm>>
    %dma_wait3A_49 = arith.constant 0 : i32
    %dma_wait3A_50 = tpu.memref_slice %arg12[%dma_wait3A_49] : memref<5008xi32, #tpu.memory_space<vmem>> -> memref<5000xi32, #tpu.memory_space<vmem>>
    %dma_wait3A_51 = tpu.memref_slice %arg8[%add3A_16] : memref<800000xi32, #tpu.memory_space<hbm>> -> memref<5000xi32, #tpu.memory_space<hbm>>
    tpu.wait_dma2 semaphore(%arg22 : memref<!tpu.dma_semaphore, #tpu.memory_space<semaphore_mem>>) src(%dma_wait3A_51 : memref<5000xi32, #tpu.memory_space<hbm>>) dst(%dma_wait3A_50 : memref<5000xi32, #tpu.memory_space<vmem>>)
    %dma_wait3A_52 = arith.constant 0 : i32
    %dma_wait3A_53 = tpu.memref_slice %arg14[%dma_wait3A_52] : memref<5008xi32, #tpu.memory_space<vmem>> -> memref<5000xi32, #tpu.memory_space<vmem>>
    %dma_wait3A_54 = tpu.memref_slice %arg9[%add3A_16] : memref<800000xi32, #tpu.memory_space<hbm>> -> memref<5000xi32, #tpu.memory_space<hbm>>
    %dma_wait3A_55 = arith.constant 0 : i32
    %dma_wait3A_56 = tpu.memref_slice %arg14[%dma_wait3A_55] : memref<5008xi32, #tpu.memory_space<vmem>> -> memref<5000xi32, #tpu.memory_space<vmem>>
    %dma_wait3A_57 = tpu.memref_slice %arg9[%add3A_16] : memref<800000xi32, #tpu.memory_space<hbm>> -> memref<5000xi32, #tpu.memory_space<hbm>>
    tpu.wait_dma2 semaphore(%arg22 : memref<!tpu.dma_semaphore, #tpu.memory_space<semaphore_mem>>) src(%dma_wait3A_57 : memref<5000xi32, #tpu.memory_space<hbm>>) dst(%dma_wait3A_56 : memref<5000xi32, #tpu.memory_space<vmem>>)
    %while3A = arith.constant 0 : i64
    %while3A_58 = arith.constant 0 : i32
    %while3A_59 = arith.constant 313 : i32
    %while3A_60 = arith.subi %while3A_59, %while3A_58 : i32
    %while3A_61 = arith.addi %while3A_58, %while3A_60 : i32
    %while3A_62 = arith.constant 1 : i32
    %while3A_63 = arith.divsi %while3A_60, %while3A_62 : i32
    %while3A_64 = arith.muli %while3A_63, %while3A_62 : i32
    %while3A_65 = arith.addi %while3A_58, %while3A_64 : i32
    %while3A_66 = arith.constant 1 : i32
    scf.for %while3A_914 = %while3A_58 to %while3A_65 step %while3A_66  : i32 {
      %mul3A_915 = arith.constant 16 : i32
      %mul3A_916 = arith.muli %while3A_914, %mul3A_915 : i32
      %get3A_917 = arith.index_cast %mul3A_916 : i32 to index
      %get3A_918 = tpu.vector_load %arg12[%get3A_917] {strides = array<i32>} : memref<5008xi32, #tpu.memory_space<vmem>>, vector<16xi32>,
      %gather3A = tpu.vector_load_idx %arg16[%get3A_918] : memref<50000xf32, #tpu.memory_space<vmem>>[vector<16xi32>], vector<16xf32>,
      %get3A_919 = arith.index_cast %mul3A_916 : i32 to index
      %get3A_920 = tpu.vector_load %arg14[%get3A_919] {strides = array<i32>} : memref<5008xi32, #tpu.memory_space<vmem>>, vector<16xi32>,
      %gather3A_921 = tpu.vector_load_idx %arg17[%get3A_920] : memref<50000xf32, #tpu.memory_space<vmem>>[vector<16xi32>], vector<16xf32>,
      %sub3A = arith.subf %gather3A, %gather3A_921 : vector<16xf32>
      %gt3A = arith.cmpf ogt, %sub3A, %get3A_30 : vector<16xf32>
      %select_n3A = arith.select %gt3A, %broadcast_in_dim3A_32, %broadcast_in_dim3A_3 : vector<16xi1>, vector<16xi32>
      %gt3A_922 = arith.cmpf ogt, %sub3A, %get3A_28 : vector<16xf32>
      %select_n3A_923 = arith.select %gt3A_922, %broadcast_in_dim3A_32, %broadcast_in_dim3A_3 : vector<16xi1>, vector<16xi32>
      %add3A_924 = arith.addi %select_n3A, %select_n3A_923 : vector<16xi32>
      %swap3A_925 = arith.index_cast %mul3A_916 : i32 to index
      %swap3A_926 = tpu.vector_load %arg18[%swap3A_925] {strides = array<i32>} : memref<5008xi32, #tpu.memory_space<vmem>>, vector<16xi32>,
      tpu.vector_store %arg18[%swap3A_925], %add3A_924 {strides = array<i32>} : memref<5008xi32, #tpu.memory_space<vmem>>, vector<16xi32>,
    }
    %while3A_67 = arith.constant 1 : i32
    scf.for %while3A_914 = %while3A_65 to %while3A_61 step %while3A_67  : i32 {
      %mul3A_915 = arith.constant 16 : i32
      %mul3A_916 = arith.muli %while3A_914, %mul3A_915 : i32
      %get3A_917 = arith.index_cast %mul3A_916 : i32 to index
      %get3A_918 = tpu.vector_load %arg12[%get3A_917] {strides = array<i32>} : memref<5008xi32, #tpu.memory_space<vmem>>, vector<16xi32>,
      %gather3A = tpu.vector_load_idx %arg16[%get3A_918] : memref<50000xf32, #tpu.memory_space<vmem>>[vector<16xi32>], vector<16xf32>,
      %get3A_919 = arith.index_cast %mul3A_916 : i32 to index
      %get3A_920 = tpu.vector_load %arg14[%get3A_919] {strides = array<i32>} : memref<5008xi32, #tpu.memory_space<vmem>>, vector<16xi32>,
      %gather3A_921 = tpu.vector_load_idx %arg17[%get3A_920] : memref<50000xf32, #tpu.memory_space<vmem>>[vector<16xi32>], vector<16xf32>,
      %sub3A = arith.subf %gather3A, %gather3A_921 : vector<16xf32>
      %gt3A = arith.cmpf ogt, %sub3A, %get3A_30 : vector<16xf32>
      %select_n3A = arith.select %gt3A, %broadcast_in_dim3A_32, %broadcast_in_dim3A_3 : vector<16xi1>, vector<16xi32>
      %gt3A_922 = arith.cmpf ogt, %sub3A, %get3A_28 : vector<16xf32>
      %select_n3A_923 = arith.select %gt3A_922, %broadcast_in_dim3A_32, %broadcast_in_dim3A_3 : vector<16xi1>, vector<16xi32>
      %add3A_924 = arith.addi %select_n3A, %select_n3A_923 : vector<16xi32>
      %swap3A_925 = arith.index_cast %mul3A_916 : i32 to index
      %swap3A_926 = tpu.vector_load %arg18[%swap3A_925] {strides = array<i32>} : memref<5008xi32, #tpu.memory_space<vmem>>, vector<16xi32>,
      tpu.vector_store %arg18[%swap3A_925], %add3A_924 {strides = array<i32>} : memref<5008xi32, #tpu.memory_space<vmem>>, vector<16xi32>,
    }
    %add3A_68 = arith.constant 0 : i32
    %add3A_69 = arith.addi %mul3A_2, %add3A_68 : i32
    %dma_start3A_70 = arith.constant 0 : i32
    %dma_start3A_71 = tpu.memref_slice %arg18[%dma_start3A_70] : memref<5008xi32, #tpu.memory_space<vmem>> -> memref<5000xi32, #tpu.memory_space<vmem>>
    %dma_start3A_72 = tpu.memref_slice %arg11[%add3A_69] : memref<800000xi32, #tpu.memory_space<hbm>> -> memref<5000xi32, #tpu.memory_space<hbm>>
    %dma_start3A_73 = tpu.memref_slice %arg11[%add3A_69] : memref<800000xi32, #tpu.memory_space<hbm>> -> memref<5000xi32, #tpu.memory_space<hbm>>
    %dma_start3A_74 = arith.constant 0 : i32
    %dma_start3A_75 = tpu.memref_slice %arg18[%dma_start3A_74] : memref<5008xi32, #tpu.memory_space<vmem>> -> memref<5000xi32, #tpu.memory_space<vmem>>
    tpu.enqueue_dma source(%dma_start3A_75 : memref<5000xi32, #tpu.memory_space<vmem>>) target(%dma_start3A_73 : memref<5000xi32, #tpu.memory_space<hbm>>) target_semaphore(%arg24 : memref<!tpu.dma_semaphore, #tpu.memory_space<semaphore_mem>>)
    %add3A_76 = arith.constant 10000 : i32
    %add3A_77 = arith.addi %mul3A_2, %add3A_76 : i32
    %dma_wait3A_78 = arith.constant 0 : i32
    %dma_wait3A_79 = tpu.memref_slice %arg18[%dma_wait3A_78] : memref<5008xi32, #tpu.memory_space<vmem>> -> memref<5000xi32, #tpu.memory_space<vmem>>
    %dma_wait3A_80 = tpu.memref_slice %arg11[%add3A_69] : memref<800000xi32, #tpu.memory_space<hbm>> -> memref<5000xi32, #tpu.memory_space<hbm>>
    %dma_wait3A_81 = tpu.memref_slice %arg11[%add3A_69] : memref<800000xi32, #tpu.memory_space<hbm>> -> memref<5000xi32, #tpu.memory_space<hbm>>
    %dma_wait3A_82 = arith.constant 0 : i32
    %dma_wait3A_83 = tpu.memref_slice %arg18[%dma_wait3A_82] : memref<5008xi32, #tpu.memory_space<vmem>> -> memref<5000xi32, #tpu.memory_space<vmem>>
    tpu.wait_dma2 semaphore(%arg24 : memref<!tpu.dma_semaphore, #tpu.memory_space<semaphore_mem>>) src(%dma_wait3A_83 : memref<5000xi32, #tpu.memory_space<vmem>>) dst(%dma_wait3A_81 : memref<5000xi32, #tpu.memory_space<hbm>>)
    %dma_start3A_84 = arith.constant 0 : i32
    %dma_start3A_85 = tpu.memref_slice %arg12[%dma_start3A_84] : memref<5008xi32, #tpu.memory_space<vmem>> -> memref<5000xi32, #tpu.memory_space<vmem>>
    %dma_start3A_86 = tpu.memref_slice %arg8[%add3A_77] : memref<800000xi32, #tpu.memory_space<hbm>> -> memref<5000xi32, #tpu.memory_space<hbm>>
    %dma_start3A_87 = arith.constant 0 : i32
    %dma_start3A_88 = tpu.memref_slice %arg12[%dma_start3A_87] : memref<5008xi32, #tpu.memory_space<vmem>> -> memref<5000xi32, #tpu.memory_space<vmem>>
    %dma_start3A_89 = tpu.memref_slice %arg8[%add3A_77] : memref<800000xi32, #tpu.memory_space<hbm>> -> memref<5000xi32, #tpu.memory_space<hbm>>
    tpu.enqueue_dma source(%dma_start3A_89 : memref<5000xi32, #tpu.memory_space<hbm>>) target(%dma_start3A_88 : memref<5000xi32, #tpu.memory_space<vmem>>) target_semaphore(%arg22 : memref<!tpu.dma_semaphore, #tpu.memory_space<semaphore_mem>>)
    %dma_start3A_90 = arith.constant 0 : i32
    %dma_start3A_91 = tpu.memref_slice %arg14[%dma_start3A_90] : memref<5008xi32, #tpu.memory_space<vmem>> -> memref<5000xi32, #tpu.memory_space<vmem>>
    %dma_start3A_92 = tpu.memref_slice %arg9[%add3A_77] : memref<800000xi32, #tpu.memory_space<hbm>> -> memref<5000xi32, #tpu.memory_space<hbm>>
    %dma_start3A_93 = arith.constant 0 : i32
    %dma_start3A_94 = tpu.memref_slice %arg14[%dma_start3A_93] : memref<5008xi32, #tpu.memory_space<vmem>> -> memref<5000xi32, #tpu.memory_space<vmem>>
    %dma_start3A_95 = tpu.memref_slice %arg9[%add3A_77] : memref<800000xi32, #tpu.memory_space<hbm>> -> memref<5000xi32, #tpu.memory_space<hbm>>
    tpu.enqueue_dma source(%dma_start3A_95 : memref<5000xi32, #tpu.memory_space<hbm>>) target(%dma_start3A_94 : memref<5000xi32, #tpu.memory_space<vmem>>) target_semaphore(%arg22 : memref<!tpu.dma_semaphore, #tpu.memory_space<semaphore_mem>>)
    %dma_wait3A_96 = arith.constant 0 : i32
    %dma_wait3A_97 = tpu.memref_slice %arg13[%dma_wait3A_96] : memref<5008xi32, #tpu.memory_space<vmem>> -> memref<5000xi32, #tpu.memory_space<vmem>>
    %dma_wait3A_98 = tpu.memref_slice %arg8[%add3A_34] : memref<800000xi32, #tpu.memory_space<hbm>> -> memref<5000xi32, #tpu.memory_space<hbm>>
    %dma_wait3A_99 = arith.constant 0 : i32
    %dma_wait3A_100 = tpu.memref_slice %arg13[%dma_wait3A_99] : memref<5008xi32, #tpu.memory_space<vmem>> -> memref<5000xi32, #tpu.memory_space<vmem>>
    %dma_wait3A_101 = tpu.memref_slice %arg8[%add3A_34] : memref<800000xi32, #tpu.memory_space<hbm>> -> memref<5000xi32, #tpu.memory_space<hbm>>
    tpu.wait_dma2 semaphore(%arg23 : memref<!tpu.dma_semaphore, #tpu.memory_space<semaphore_mem>>) src(%dma_wait3A_101 : memref<5000xi32, #tpu.memory_space<hbm>>) dst(%dma_wait3A_100 : memref<5000xi32, #tpu.memory_space<vmem>>)
    %dma_wait3A_102 = arith.constant 0 : i32
    %dma_wait3A_103 = tpu.memref_slice %arg15[%dma_wait3A_102] : memref<5008xi32, #tpu.memory_space<vmem>> -> memref<5000xi32, #tpu.memory_space<vmem>>
    %dma_wait3A_104 = tpu.memref_slice %arg9[%add3A_34] : memref<800000xi32, #tpu.memory_space<hbm>> -> memref<5000xi32, #tpu.memory_space<hbm>>
    %dma_wait3A_105 = arith.constant 0 : i32
    %dma_wait3A_106 = tpu.memref_slice %arg15[%dma_wait3A_105] : memref<5008xi32, #tpu.memory_space<vmem>> -> memref<5000xi32, #tpu.memory_space<vmem>>
    %dma_wait3A_107 = tpu.memref_slice %arg9[%add3A_34] : memref<800000xi32, #tpu.memory_space<hbm>> -> memref<5000xi32, #tpu.memory_space<hbm>>
    tpu.wait_dma2 semaphore(%arg23 : memref<!tpu.dma_semaphore, #tpu.memory_space<semaphore_mem>>) src(%dma_wait3A_107 : memref<5000xi32, #tpu.memory_space<hbm>>) dst(%dma_wait3A_106 : memref<5000xi32, #tpu.memory_space<vmem>>)
    %while3A_108 = arith.constant 0 : i64
    %while3A_109 = arith.constant 0 : i32
    %while3A_110 = arith.constant 313 : i32
    %while3A_111 = arith.subi %while3A_110, %while3A_109 : i32
    %while3A_112 = arith.addi %while3A_109, %while3A_111 : i32
    %while3A_113 = arith.constant 1 : i32
    %while3A_114 = arith.divsi %while3A_111, %while3A_113 : i32
    %while3A_115 = arith.muli %while3A_114, %while3A_113 : i32
    %while3A_116 = arith.addi %while3A_109, %while3A_115 : i32
    %while3A_117 = arith.constant 1 : i32
    scf.for %while3A_914 = %while3A_109 to %while3A_116 step %while3A_117  : i32 {
      %mul3A_915 = arith.constant 16 : i32
      %mul3A_916 = arith.muli %while3A_914, %mul3A_915 : i32
      %get3A_917 = arith.index_cast %mul3A_916 : i32 to index
      %get3A_918 = tpu.vector_load %arg13[%get3A_917] {strides = array<i32>} : memref<5008xi32, #tpu.memory_space<vmem>>, vector<16xi32>,
      %gather3A = tpu.vector_load_idx %arg16[%get3A_918] : memref<50000xf32, #tpu.memory_space<vmem>>[vector<16xi32>], vector<16xf32>,
      %get3A_919 = arith.index_cast %mul3A_916 : i32 to index
      %get3A_920 = tpu.vector_load %arg15[%get3A_919] {strides = array<i32>} : memref<5008xi32, #tpu.memory_space<vmem>>, vector<16xi32>,
      %gather3A_921 = tpu.vector_load_idx %arg17[%get3A_920] : memref<50000xf32, #tpu.memory_space<vmem>>[vector<16xi32>], vector<16xf32>,
      %sub3A = arith.subf %gather3A, %gather3A_921 : vector<16xf32>
      %gt3A = arith.cmpf ogt, %sub3A, %get3A_30 : vector<16xf32>
      %select_n3A = arith.select %gt3A, %broadcast_in_dim3A_32, %broadcast_in_dim3A_3 : vector<16xi1>, vector<16xi32>
      %gt3A_922 = arith.cmpf ogt, %sub3A, %get3A_28 : vector<16xf32>
      %select_n3A_923 = arith.select %gt3A_922, %broadcast_in_dim3A_32, %broadcast_in_dim3A_3 : vector<16xi1>, vector<16xi32>
      %add3A_924 = arith.addi %select_n3A, %select_n3A_923 : vector<16xi32>
      %swap3A_925 = arith.index_cast %mul3A_916 : i32 to index
      %swap3A_926 = tpu.vector_load %arg19[%swap3A_925] {strides = array<i32>} : memref<5008xi32, #tpu.memory_space<vmem>>, vector<16xi32>,
      tpu.vector_store %arg19[%swap3A_925], %add3A_924 {strides = array<i32>} : memref<5008xi32, #tpu.memory_space<vmem>>, vector<16xi32>,
    }
    %while3A_118 = arith.constant 1 : i32
    scf.for %while3A_914 = %while3A_116 to %while3A_112 step %while3A_118  : i32 {
      %mul3A_915 = arith.constant 16 : i32
      %mul3A_916 = arith.muli %while3A_914, %mul3A_915 : i32
      %get3A_917 = arith.index_cast %mul3A_916 : i32 to index
      %get3A_918 = tpu.vector_load %arg13[%get3A_917] {strides = array<i32>} : memref<5008xi32, #tpu.memory_space<vmem>>, vector<16xi32>,
      %gather3A = tpu.vector_load_idx %arg16[%get3A_918] : memref<50000xf32, #tpu.memory_space<vmem>>[vector<16xi32>], vector<16xf32>,
      %get3A_919 = arith.index_cast %mul3A_916 : i32 to index
      %get3A_920 = tpu.vector_load %arg15[%get3A_919] {strides = array<i32>} : memref<5008xi32, #tpu.memory_space<vmem>>, vector<16xi32>,
      %gather3A_921 = tpu.vector_load_idx %arg17[%get3A_920] : memref<50000xf32, #tpu.memory_space<vmem>>[vector<16xi32>], vector<16xf32>,
      %sub3A = arith.subf %gather3A, %gather3A_921 : vector<16xf32>
      %gt3A = arith.cmpf ogt, %sub3A, %get3A_30 : vector<16xf32>
      %select_n3A = arith.select %gt3A, %broadcast_in_dim3A_32, %broadcast_in_dim3A_3 : vector<16xi1>, vector<16xi32>
      %gt3A_922 = arith.cmpf ogt, %sub3A, %get3A_28 : vector<16xf32>
      %select_n3A_923 = arith.select %gt3A_922, %broadcast_in_dim3A_32, %broadcast_in_dim3A_3 : vector<16xi1>, vector<16xi32>
      %add3A_924 = arith.addi %select_n3A, %select_n3A_923 : vector<16xi32>
      %swap3A_925 = arith.index_cast %mul3A_916 : i32 to index
      %swap3A_926 = tpu.vector_load %arg19[%swap3A_925] {strides = array<i32>} : memref<5008xi32, #tpu.memory_space<vmem>>, vector<16xi32>,
      tpu.vector_store %arg19[%swap3A_925], %add3A_924 {strides = array<i32>} : memref<5008xi32, #tpu.memory_space<vmem>>, vector<16xi32>,
    }
    %add3A_119 = arith.constant 5000 : i32
    %add3A_120 = arith.addi %mul3A_2, %add3A_119 : i32
    %dma_start3A_121 = arith.constant 0 : i32
    %dma_start3A_122 = tpu.memref_slice %arg19[%dma_start3A_121] : memref<5008xi32, #tpu.memory_space<vmem>> -> memref<5000xi32, #tpu.memory_space<vmem>>
    %dma_start3A_123 = tpu.memref_slice %arg11[%add3A_120] : memref<800000xi32, #tpu.memory_space<hbm>> -> memref<5000xi32, #tpu.memory_space<hbm>>
    %dma_start3A_124 = tpu.memref_slice %arg11[%add3A_120] : memref<800000xi32, #tpu.memory_space<hbm>> -> memref<5000xi32, #tpu.memory_space<hbm>>
    %dma_start3A_125 = arith.constant 0 : i32
    %dma_start3A_126 = tpu.memref_slice %arg19[%dma_start3A_125] : memref<5008xi32, #tpu.memory_space<vmem>> -> memref<5000xi32, #tpu.memory_space<vmem>>
    tpu.enqueue_dma source(%dma_start3A_126 : memref<5000xi32, #tpu.memory_space<vmem>>) target(%dma_start3A_124 : memref<5000xi32, #tpu.memory_space<hbm>>) target_semaphore(%arg25 : memref<!tpu.dma_semaphore, #tpu.memory_space<semaphore_mem>>)
    %add3A_127 = arith.constant 15000 : i32
    %add3A_128 = arith.addi %mul3A_2, %add3A_127 : i32
    %dma_wait3A_129 = arith.constant 0 : i32
    %dma_wait3A_130 = tpu.memref_slice %arg19[%dma_wait3A_129] : memref<5008xi32, #tpu.memory_space<vmem>> -> memref<5000xi32, #tpu.memory_space<vmem>>
    %dma_wait3A_131 = tpu.memref_slice %arg11[%add3A_120] : memref<800000xi32, #tpu.memory_space<hbm>> -> memref<5000xi32, #tpu.memory_space<hbm>>
    %dma_wait3A_132 = tpu.memref_slice %arg11[%add3A_120] : memref<800000xi32, #tpu.memory_space<hbm>> -> memref<5000xi32, #tpu.memory_space<hbm>>
    %dma_wait3A_133 = arith.constant 0 : i32
    %dma_wait3A_134 = tpu.memref_slice %arg19[%dma_wait3A_133] : memref<5008xi32, #tpu.memory_space<vmem>> -> memref<5000xi32, #tpu.memory_space<vmem>>
    tpu.wait_dma2 semaphore(%arg25 : memref<!tpu.dma_semaphore, #tpu.memory_space<semaphore_mem>>) src(%dma_wait3A_134 : memref<5000xi32, #tpu.memory_space<vmem>>) dst(%dma_wait3A_132 : memref<5000xi32, #tpu.memory_space<hbm>>)
    %dma_start3A_135 = arith.constant 0 : i32
    %dma_start3A_136 = tpu.memref_slice %arg13[%dma_start3A_135] : memref<5008xi32, #tpu.memory_space<vmem>> -> memref<5000xi32, #tpu.memory_space<vmem>>
    %dma_start3A_137 = tpu.memref_slice %arg8[%add3A_128] : memref<800000xi32, #tpu.memory_space<hbm>> -> memref<5000xi32, #tpu.memory_space<hbm>>
    %dma_start3A_138 = arith.constant 0 : i32
    %dma_start3A_139 = tpu.memref_slice %arg13[%dma_start3A_138] : memref<5008xi32, #tpu.memory_space<vmem>> -> memref<5000xi32, #tpu.memory_space<vmem>>
    %dma_start3A_140 = tpu.memref_slice %arg8[%add3A_128] : memref<800000xi32, #tpu.memory_space<hbm>> -> memref<5000xi32, #tpu.memory_space<hbm>>
    tpu.enqueue_dma source(%dma_start3A_140 : memref<5000xi32, #tpu.memory_space<hbm>>) target(%dma_start3A_139 : memref<5000xi32, #tpu.memory_space<vmem>>) target_semaphore(%arg23 : memref<!tpu.dma_semaphore, #tpu.memory_space<semaphore_mem>>)
    %dma_start3A_141 = arith.constant 0 : i32
    %dma_start3A_142 = tpu.memref_slice %arg15[%dma_start3A_141] : memref<5008xi32, #tpu.memory_space<vmem>> -> memref<5000xi32, #tpu.memory_space<vmem>>
    %dma_start3A_143 = tpu.memref_slice %arg9[%add3A_128] : memref<800000xi32, #tpu.memory_space<hbm>> -> memref<5000xi32, #tpu.memory_space<hbm>>
    %dma_start3A_144 = arith.constant 0 : i32
    %dma_start3A_145 = tpu.memref_slice %arg15[%dma_start3A_144] : memref<5008xi32, #tpu.memory_space<vmem>> -> memref<5000xi32, #tpu.memory_space<vmem>>
    %dma_start3A_146 = tpu.memref_slice %arg9[%add3A_128] : memref<800000xi32, #tpu.memory_space<hbm>> -> memref<5000xi32, #tpu.memory_space<hbm>>
    tpu.enqueue_dma source(%dma_start3A_146 : memref<5000xi32, #tpu.memory_space<hbm>>) target(%dma_start3A_145 : memref<5000xi32, #tpu.memory_space<vmem>>) target_semaphore(%arg23 : memref<!tpu.dma_semaphore, #tpu.memory_space<semaphore_mem>>)
    %dma_wait3A_147 = arith.constant 0 : i32
    %dma_wait3A_148 = tpu.memref_slice %arg12[%dma_wait3A_147] : memref<5008xi32, #tpu.memory_space<vmem>> -> memref<5000xi32, #tpu.memory_space<vmem>>
    %dma_wait3A_149 = tpu.memref_slice %arg8[%add3A_77] : memref<800000xi32, #tpu.memory_space<hbm>> -> memref<5000xi32, #tpu.memory_space<hbm>>
    %dma_wait3A_150 = arith.constant 0 : i32
    %dma_wait3A_151 = tpu.memref_slice %arg12[%dma_wait3A_150] : memref<5008xi32, #tpu.memory_space<vmem>> -> memref<5000xi32, #tpu.memory_space<vmem>>
    %dma_wait3A_152 = tpu.memref_slice %arg8[%add3A_77] : memref<800000xi32, #tpu.memory_space<hbm>> -> memref<5000xi32, #tpu.memory_space<hbm>>
    tpu.wait_dma2 semaphore(%arg22 : memref<!tpu.dma_semaphore, #tpu.memory_space<semaphore_mem>>) src(%dma_wait3A_152 : memref<5000xi32, #tpu.memory_space<hbm>>) dst(%dma_wait3A_151 : memref<5000xi32, #tpu.memory_space<vmem>>)
    %dma_wait3A_153 = arith.constant 0 : i32
    %dma_wait3A_154 = tpu.memref_slice %arg14[%dma_wait3A_153] : memref<5008xi32, #tpu.memory_space<vmem>> -> memref<5000xi32, #tpu.memory_space<vmem>>
    %dma_wait3A_155 = tpu.memref_slice %arg9[%add3A_77] : memref<800000xi32, #tpu.memory_space<hbm>> -> memref<5000xi32, #tpu.memory_space<hbm>>
    %dma_wait3A_156 = arith.constant 0 : i32
    %dma_wait3A_157 = tpu.memref_slice %arg14[%dma_wait3A_156] : memref<5008xi32, #tpu.memory_space<vmem>> -> memref<5000xi32, #tpu.memory_space<vmem>>
    %dma_wait3A_158 = tpu.memref_slice %arg9[%add3A_77] : memref<800000xi32, #tpu.memory_space<hbm>> -> memref<5000xi32, #tpu.memory_space<hbm>>
    tpu.wait_dma2 semaphore(%arg22 : memref<!tpu.dma_semaphore, #tpu.memory_space<semaphore_mem>>) src(%dma_wait3A_158 : memref<5000xi32, #tpu.memory_space<hbm>>) dst(%dma_wait3A_157 : memref<5000xi32, #tpu.memory_space<vmem>>)
    %while3A_159 = arith.constant 0 : i64
    %while3A_160 = arith.constant 0 : i32
    %while3A_161 = arith.constant 313 : i32
    %while3A_162 = arith.subi %while3A_161, %while3A_160 : i32
    %while3A_163 = arith.addi %while3A_160, %while3A_162 : i32
    %while3A_164 = arith.constant 1 : i32
    %while3A_165 = arith.divsi %while3A_162, %while3A_164 : i32
    %while3A_166 = arith.muli %while3A_165, %while3A_164 : i32
    %while3A_167 = arith.addi %while3A_160, %while3A_166 : i32
    %while3A_168 = arith.constant 1 : i32
    scf.for %while3A_914 = %while3A_160 to %while3A_167 step %while3A_168  : i32 {
      %mul3A_915 = arith.constant 16 : i32
      %mul3A_916 = arith.muli %while3A_914, %mul3A_915 : i32
      %get3A_917 = arith.index_cast %mul3A_916 : i32 to index
      %get3A_918 = tpu.vector_load %arg12[%get3A_917] {strides = array<i32>} : memref<5008xi32, #tpu.memory_space<vmem>>, vector<16xi32>,
      %gather3A = tpu.vector_load_idx %arg16[%get3A_918] : memref<50000xf32, #tpu.memory_space<vmem>>[vector<16xi32>], vector<16xf32>,
      %get3A_919 = arith.index_cast %mul3A_916 : i32 to index
      %get3A_920 = tpu.vector_load %arg14[%get3A_919] {strides = array<i32>} : memref<5008xi32, #tpu.memory_space<vmem>>, vector<16xi32>,
      %gather3A_921 = tpu.vector_load_idx %arg17[%get3A_920] : memref<50000xf32, #tpu.memory_space<vmem>>[vector<16xi32>], vector<16xf32>,
      %sub3A = arith.subf %gather3A, %gather3A_921 : vector<16xf32>
      %gt3A = arith.cmpf ogt, %sub3A, %get3A_30 : vector<16xf32>
      %select_n3A = arith.select %gt3A, %broadcast_in_dim3A_32, %broadcast_in_dim3A_3 : vector<16xi1>, vector<16xi32>
      %gt3A_922 = arith.cmpf ogt, %sub3A, %get3A_28 : vector<16xf32>
      %select_n3A_923 = arith.select %gt3A_922, %broadcast_in_dim3A_32, %broadcast_in_dim3A_3 : vector<16xi1>, vector<16xi32>
      %add3A_924 = arith.addi %select_n3A, %select_n3A_923 : vector<16xi32>
      %swap3A_925 = arith.index_cast %mul3A_916 : i32 to index
      %swap3A_926 = tpu.vector_load %arg18[%swap3A_925] {strides = array<i32>} : memref<5008xi32, #tpu.memory_space<vmem>>, vector<16xi32>,
      tpu.vector_store %arg18[%swap3A_925], %add3A_924 {strides = array<i32>} : memref<5008xi32, #tpu.memory_space<vmem>>, vector<16xi32>,
    }
    %while3A_169 = arith.constant 1 : i32
    scf.for %while3A_914 = %while3A_167 to %while3A_163 step %while3A_169  : i32 {
      %mul3A_915 = arith.constant 16 : i32
      %mul3A_916 = arith.muli %while3A_914, %mul3A_915 : i32
      %get3A_917 = arith.index_cast %mul3A_916 : i32 to index
      %get3A_918 = tpu.vector_load %arg12[%get3A_917] {strides = array<i32>} : memref<5008xi32, #tpu.memory_space<vmem>>, vector<16xi32>,
      %gather3A = tpu.vector_load_idx %arg16[%get3A_918] : memref<50000xf32, #tpu.memory_space<vmem>>[vector<16xi32>], vector<16xf32>,
      %get3A_919 = arith.index_cast %mul3A_916 : i32 to index
      %get3A_920 = tpu.vector_load %arg14[%get3A_919] {strides = array<i32>} : memref<5008xi32, #tpu.memory_space<vmem>>, vector<16xi32>,
      %gather3A_921 = tpu.vector_load_idx %arg17[%get3A_920] : memref<50000xf32, #tpu.memory_space<vmem>>[vector<16xi32>], vector<16xf32>,
      %sub3A = arith.subf %gather3A, %gather3A_921 : vector<16xf32>
      %gt3A = arith.cmpf ogt, %sub3A, %get3A_30 : vector<16xf32>
      %select_n3A = arith.select %gt3A, %broadcast_in_dim3A_32, %broadcast_in_dim3A_3 : vector<16xi1>, vector<16xi32>
      %gt3A_922 = arith.cmpf ogt, %sub3A, %get3A_28 : vector<16xf32>
      %select_n3A_923 = arith.select %gt3A_922, %broadcast_in_dim3A_32, %broadcast_in_dim3A_3 : vector<16xi1>, vector<16xi32>
      %add3A_924 = arith.addi %select_n3A, %select_n3A_923 : vector<16xi32>
      %swap3A_925 = arith.index_cast %mul3A_916 : i32 to index
      %swap3A_926 = tpu.vector_load %arg18[%swap3A_925] {strides = array<i32>} : memref<5008xi32, #tpu.memory_space<vmem>>, vector<16xi32>,
      tpu.vector_store %arg18[%swap3A_925], %add3A_924 {strides = array<i32>} : memref<5008xi32, #tpu.memory_space<vmem>>, vector<16xi32>,
    }
    %add3A_170 = arith.constant 10000 : i32
    %add3A_171 = arith.addi %mul3A_2, %add3A_170 : i32
    %dma_start3A_172 = arith.constant 0 : i32
    %dma_start3A_173 = tpu.memref_slice %arg18[%dma_start3A_172] : memref<5008xi32, #tpu.memory_space<vmem>> -> memref<5000xi32, #tpu.memory_space<vmem>>
    %dma_start3A_174 = tpu.memref_slice %arg11[%add3A_171] : memref<800000xi32, #tpu.memory_space<hbm>> -> memref<5000xi32, #tpu.memory_space<hbm>>
    %dma_start3A_175 = tpu.memref_slice %arg11[%add3A_171] : memref<800000xi32, #tpu.memory_space<hbm>> -> memref<5000xi32, #tpu.memory_space<hbm>>
    %dma_start3A_176 = arith.constant 0 : i32
    %dma_start3A_177 = tpu.memref_slice %arg18[%dma_start3A_176] : memref<5008xi32, #tpu.memory_space<vmem>> -> memref<5000xi32, #tpu.memory_space<vmem>>
    tpu.enqueue_dma source(%dma_start3A_177 : memref<5000xi32, #tpu.memory_space<vmem>>) target(%dma_start3A_175 : memref<5000xi32, #tpu.memory_space<hbm>>) target_semaphore(%arg24 : memref<!tpu.dma_semaphore, #tpu.memory_space<semaphore_mem>>)
    %add3A_178 = arith.constant 20000 : i32
    %add3A_179 = arith.addi %mul3A_2, %add3A_178 : i32
    %dma_wait3A_180 = arith.constant 0 : i32
    %dma_wait3A_181 = tpu.memref_slice %arg18[%dma_wait3A_180] : memref<5008xi32, #tpu.memory_space<vmem>> -> memref<5000xi32, #tpu.memory_space<vmem>>
    %dma_wait3A_182 = tpu.memref_slice %arg11[%add3A_171] : memref<800000xi32, #tpu.memory_space<hbm>> -> memref<5000xi32, #tpu.memory_space<hbm>>
    %dma_wait3A_183 = tpu.memref_slice %arg11[%add3A_171] : memref<800000xi32, #tpu.memory_space<hbm>> -> memref<5000xi32, #tpu.memory_space<hbm>>
    %dma_wait3A_184 = arith.constant 0 : i32
    %dma_wait3A_185 = tpu.memref_slice %arg18[%dma_wait3A_184] : memref<5008xi32, #tpu.memory_space<vmem>> -> memref<5000xi32, #tpu.memory_space<vmem>>
    tpu.wait_dma2 semaphore(%arg24 : memref<!tpu.dma_semaphore, #tpu.memory_space<semaphore_mem>>) src(%dma_wait3A_185 : memref<5000xi32, #tpu.memory_space<vmem>>) dst(%dma_wait3A_183 : memref<5000xi32, #tpu.memory_space<hbm>>)
    %dma_start3A_186 = arith.constant 0 : i32
    %dma_start3A_187 = tpu.memref_slice %arg12[%dma_start3A_186] : memref<5008xi32, #tpu.memory_space<vmem>> -> memref<5000xi32, #tpu.memory_space<vmem>>
    %dma_start3A_188 = tpu.memref_slice %arg8[%add3A_179] : memref<800000xi32, #tpu.memory_space<hbm>> -> memref<5000xi32, #tpu.memory_space<hbm>>
    %dma_start3A_189 = arith.constant 0 : i32
    %dma_start3A_190 = tpu.memref_slice %arg12[%dma_start3A_189] : memref<5008xi32, #tpu.memory_space<vmem>> -> memref<5000xi32, #tpu.memory_space<vmem>>
    %dma_start3A_191 = tpu.memref_slice %arg8[%add3A_179] : memref<800000xi32, #tpu.memory_space<hbm>> -> memref<5000xi32, #tpu.memory_space<hbm>>
    tpu.enqueue_dma source(%dma_start3A_191 : memref<5000xi32, #tpu.memory_space<hbm>>) target(%dma_start3A_190 : memref<5000xi32, #tpu.memory_space<vmem>>) target_semaphore(%arg22 : memref<!tpu.dma_semaphore, #tpu.memory_space<semaphore_mem>>)
    %dma_start3A_192 = arith.constant 0 : i32
    %dma_start3A_193 = tpu.memref_slice %arg14[%dma_start3A_192] : memref<5008xi32, #tpu.memory_space<vmem>> -> memref<5000xi32, #tpu.memory_space<vmem>>
    %dma_start3A_194 = tpu.memref_slice %arg9[%add3A_179] : memref<800000xi32, #tpu.memory_space<hbm>> -> memref<5000xi32, #tpu.memory_space<hbm>>
    %dma_start3A_195 = arith.constant 0 : i32
    %dma_start3A_196 = tpu.memref_slice %arg14[%dma_start3A_195] : memref<5008xi32, #tpu.memory_space<vmem>> -> memref<5000xi32, #tpu.memory_space<vmem>>
    %dma_start3A_197 = tpu.memref_slice %arg9[%add3A_179] : memref<800000xi32, #tpu.memory_space<hbm>> -> memref<5000xi32, #tpu.memory_space<hbm>>
    tpu.enqueue_dma source(%dma_start3A_197 : memref<5000xi32, #tpu.memory_space<hbm>>) target(%dma_start3A_196 : memref<5000xi32, #tpu.memory_space<vmem>>) target_semaphore(%arg22 : memref<!tpu.dma_semaphore, #tpu.memory_space<semaphore_mem>>)
    %dma_wait3A_198 = arith.constant 0 : i32
    %dma_wait3A_199 = tpu.memref_slice %arg13[%dma_wait3A_198] : memref<5008xi32, #tpu.memory_space<vmem>> -> memref<5000xi32, #tpu.memory_space<vmem>>
    %dma_wait3A_200 = tpu.memref_slice %arg8[%add3A_128] : memref<800000xi32, #tpu.memory_space<hbm>> -> memref<5000xi32, #tpu.memory_space<hbm>>
    %dma_wait3A_201 = arith.constant 0 : i32
    %dma_wait3A_202 = tpu.memref_slice %arg13[%dma_wait3A_201] : memref<5008xi32, #tpu.memory_space<vmem>> -> memref<5000xi32, #tpu.memory_space<vmem>>
    %dma_wait3A_203 = tpu.memref_slice %arg8[%add3A_128] : memref<800000xi32, #tpu.memory_space<hbm>> -> memref<5000xi32, #tpu.memory_space<hbm>>
    tpu.wait_dma2 semaphore(%arg23 : memref<!tpu.dma_semaphore, #tpu.memory_space<semaphore_mem>>) src(%dma_wait3A_203 : memref<5000xi32, #tpu.memory_space<hbm>>) dst(%dma_wait3A_202 : memref<5000xi32, #tpu.memory_space<vmem>>)
    %dma_wait3A_204 = arith.constant 0 : i32
    %dma_wait3A_205 = tpu.memref_slice %arg15[%dma_wait3A_204] : memref<5008xi32, #tpu.memory_space<vmem>> -> memref<5000xi32, #tpu.memory_space<vmem>>
    %dma_wait3A_206 = tpu.memref_slice %arg9[%add3A_128] : memref<800000xi32, #tpu.memory_space<hbm>> -> memref<5000xi32, #tpu.memory_space<hbm>>
    %dma_wait3A_207 = arith.constant 0 : i32
    %dma_wait3A_208 = tpu.memref_slice %arg15[%dma_wait3A_207] : memref<5008xi32, #tpu.memory_space<vmem>> -> memref<5000xi32, #tpu.memory_space<vmem>>
    %dma_wait3A_209 = tpu.memref_slice %arg9[%add3A_128] : memref<800000xi32, #tpu.memory_space<hbm>> -> memref<5000xi32, #tpu.memory_space<hbm>>
    tpu.wait_dma2 semaphore(%arg23 : memref<!tpu.dma_semaphore, #tpu.memory_space<semaphore_mem>>) src(%dma_wait3A_209 : memref<5000xi32, #tpu.memory_space<hbm>>) dst(%dma_wait3A_208 : memref<5000xi32, #tpu.memory_space<vmem>>)
    %while3A_210 = arith.constant 0 : i64
    %while3A_211 = arith.constant 0 : i32
    %while3A_212 = arith.constant 313 : i32
    %while3A_213 = arith.subi %while3A_212, %while3A_211 : i32
    %while3A_214 = arith.addi %while3A_211, %while3A_213 : i32
    %while3A_215 = arith.constant 1 : i32
    %while3A_216 = arith.divsi %while3A_213, %while3A_215 : i32
    %while3A_217 = arith.muli %while3A_216, %while3A_215 : i32
    %while3A_218 = arith.addi %while3A_211, %while3A_217 : i32
    %while3A_219 = arith.constant 1 : i32
    scf.for %while3A_914 = %while3A_211 to %while3A_218 step %while3A_219  : i32 {
      %mul3A_915 = arith.constant 16 : i32
      %mul3A_916 = arith.muli %while3A_914, %mul3A_915 : i32
      %get3A_917 = arith.index_cast %mul3A_916 : i32 to index
      %get3A_918 = tpu.vector_load %arg13[%get3A_917] {strides = array<i32>} : memref<5008xi32, #tpu.memory_space<vmem>>, vector<16xi32>,
      %gather3A = tpu.vector_load_idx %arg16[%get3A_918] : memref<50000xf32, #tpu.memory_space<vmem>>[vector<16xi32>], vector<16xf32>,
      %get3A_919 = arith.index_cast %mul3A_916 : i32 to index
      %get3A_920 = tpu.vector_load %arg15[%get3A_919] {strides = array<i32>} : memref<5008xi32, #tpu.memory_space<vmem>>, vector<16xi32>,
      %gather3A_921 = tpu.vector_load_idx %arg17[%get3A_920] : memref<50000xf32, #tpu.memory_space<vmem>>[vector<16xi32>], vector<16xf32>,
      %sub3A = arith.subf %gather3A, %gather3A_921 : vector<16xf32>
      %gt3A = arith.cmpf ogt, %sub3A, %get3A_30 : vector<16xf32>
      %select_n3A = arith.select %gt3A, %broadcast_in_dim3A_32, %broadcast_in_dim3A_3 : vector<16xi1>, vector<16xi32>
      %gt3A_922 = arith.cmpf ogt, %sub3A, %get3A_28 : vector<16xf32>
      %select_n3A_923 = arith.select %gt3A_922, %broadcast_in_dim3A_32, %broadcast_in_dim3A_3 : vector<16xi1>, vector<16xi32>
      %add3A_924 = arith.addi %select_n3A, %select_n3A_923 : vector<16xi32>
      %swap3A_925 = arith.index_cast %mul3A_916 : i32 to index
      %swap3A_926 = tpu.vector_load %arg19[%swap3A_925] {strides = array<i32>} : memref<5008xi32, #tpu.memory_space<vmem>>, vector<16xi32>,
      tpu.vector_store %arg19[%swap3A_925], %add3A_924 {strides = array<i32>} : memref<5008xi32, #tpu.memory_space<vmem>>, vector<16xi32>,
    }
    %while3A_220 = arith.constant 1 : i32
    scf.for %while3A_914 = %while3A_218 to %while3A_214 step %while3A_220  : i32 {
      %mul3A_915 = arith.constant 16 : i32
      %mul3A_916 = arith.muli %while3A_914, %mul3A_915 : i32
      %get3A_917 = arith.index_cast %mul3A_916 : i32 to index
      %get3A_918 = tpu.vector_load %arg13[%get3A_917] {strides = array<i32>} : memref<5008xi32, #tpu.memory_space<vmem>>, vector<16xi32>,
      %gather3A = tpu.vector_load_idx %arg16[%get3A_918] : memref<50000xf32, #tpu.memory_space<vmem>>[vector<16xi32>], vector<16xf32>,
      %get3A_919 = arith.index_cast %mul3A_916 : i32 to index
      %get3A_920 = tpu.vector_load %arg15[%get3A_919] {strides = array<i32>} : memref<5008xi32, #tpu.memory_space<vmem>>, vector<16xi32>,
      %gather3A_921 = tpu.vector_load_idx %arg17[%get3A_920] : memref<50000xf32, #tpu.memory_space<vmem>>[vector<16xi32>], vector<16xf32>,
      %sub3A = arith.subf %gather3A, %gather3A_921 : vector<16xf32>
      %gt3A = arith.cmpf ogt, %sub3A, %get3A_30 : vector<16xf32>
      %select_n3A = arith.select %gt3A, %broadcast_in_dim3A_32, %broadcast_in_dim3A_3 : vector<16xi1>, vector<16xi32>
      %gt3A_922 = arith.cmpf ogt, %sub3A, %get3A_28 : vector<16xf32>
      %select_n3A_923 = arith.select %gt3A_922, %broadcast_in_dim3A_32, %broadcast_in_dim3A_3 : vector<16xi1>, vector<16xi32>
      %add3A_924 = arith.addi %select_n3A, %select_n3A_923 : vector<16xi32>
      %swap3A_925 = arith.index_cast %mul3A_916 : i32 to index
      %swap3A_926 = tpu.vector_load %arg19[%swap3A_925] {strides = array<i32>} : memref<5008xi32, #tpu.memory_space<vmem>>, vector<16xi32>,
      tpu.vector_store %arg19[%swap3A_925], %add3A_924 {strides = array<i32>} : memref<5008xi32, #tpu.memory_space<vmem>>, vector<16xi32>,
    }
    %add3A_221 = arith.constant 15000 : i32
    %add3A_222 = arith.addi %mul3A_2, %add3A_221 : i32
    %dma_start3A_223 = arith.constant 0 : i32
    %dma_start3A_224 = tpu.memref_slice %arg19[%dma_start3A_223] : memref<5008xi32, #tpu.memory_space<vmem>> -> memref<5000xi32, #tpu.memory_space<vmem>>
    %dma_start3A_225 = tpu.memref_slice %arg11[%add3A_222] : memref<800000xi32, #tpu.memory_space<hbm>> -> memref<5000xi32, #tpu.memory_space<hbm>>
    %dma_start3A_226 = tpu.memref_slice %arg11[%add3A_222] : memref<800000xi32, #tpu.memory_space<hbm>> -> memref<5000xi32, #tpu.memory_space<hbm>>
    %dma_start3A_227 = arith.constant 0 : i32
    %dma_start3A_228 = tpu.memref_slice %arg19[%dma_start3A_227] : memref<5008xi32, #tpu.memory_space<vmem>> -> memref<5000xi32, #tpu.memory_space<vmem>>
    tpu.enqueue_dma source(%dma_start3A_228 : memref<5000xi32, #tpu.memory_space<vmem>>) target(%dma_start3A_226 : memref<5000xi32, #tpu.memory_space<hbm>>) target_semaphore(%arg25 : memref<!tpu.dma_semaphore, #tpu.memory_space<semaphore_mem>>)
    %dma_wait3A_229 = arith.constant 0 : i32
    %dma_wait3A_230 = tpu.memref_slice %arg12[%dma_wait3A_229] : memref<5008xi32, #tpu.memory_space<vmem>> -> memref<5000xi32, #tpu.memory_space<vmem>>
    %dma_wait3A_231 = tpu.memref_slice %arg8[%add3A_179] : memref<800000xi32, #tpu.memory_space<hbm>> -> memref<5000xi32, #tpu.memory_space<hbm>>
    %dma_wait3A_232 = arith.constant 0 : i32
    %dma_wait3A_233 = tpu.memref_slice %arg12[%dma_wait3A_232] : memref<5008xi32, #tpu.memory_space<vmem>> -> memref<5000xi32, #tpu.memory_space<vmem>>
    %dma_wait3A_234 = tpu.memref_slice %arg8[%add3A_179] : memref<800000xi32, #tpu.memory_space<hbm>> -> memref<5000xi32, #tpu.memory_space<hbm>>
    tpu.wait_dma2 semaphore(%arg22 : memref<!tpu.dma_semaphore, #tpu.memory_space<semaphore_mem>>) src(%dma_wait3A_234 : memref<5000xi32, #tpu.memory_space<hbm>>) dst(%dma_wait3A_233 : memref<5000xi32, #tpu.memory_space<vmem>>)
    %dma_wait3A_235 = arith.constant 0 : i32
    %dma_wait3A_236 = tpu.memref_slice %arg14[%dma_wait3A_235] : memref<5008xi32, #tpu.memory_space<vmem>> -> memref<5000xi32, #tpu.memory_space<vmem>>
    %dma_wait3A_237 = tpu.memref_slice %arg9[%add3A_179] : memref<800000xi32, #tpu.memory_space<hbm>> -> memref<5000xi32, #tpu.memory_space<hbm>>
    %dma_wait3A_238 = arith.constant 0 : i32
    %dma_wait3A_239 = tpu.memref_slice %arg14[%dma_wait3A_238] : memref<5008xi32, #tpu.memory_space<vmem>> -> memref<5000xi32, #tpu.memory_space<vmem>>
    %dma_wait3A_240 = tpu.memref_slice %arg9[%add3A_179] : memref<800000xi32, #tpu.memory_space<hbm>> -> memref<5000xi32, #tpu.memory_space<hbm>>
    tpu.wait_dma2 semaphore(%arg22 : memref<!tpu.dma_semaphore, #tpu.memory_space<semaphore_mem>>) src(%dma_wait3A_240 : memref<5000xi32, #tpu.memory_space<hbm>>) dst(%dma_wait3A_239 : memref<5000xi32, #tpu.memory_space<vmem>>)
    %while3A_241 = arith.constant 0 : i64
    %while3A_242 = arith.constant 0 : i32
    %while3A_243 = arith.constant 313 : i32
    %while3A_244 = arith.subi %while3A_243, %while3A_242 : i32
    %while3A_245 = arith.addi %while3A_242, %while3A_244 : i32
    %while3A_246 = arith.constant 1 : i32
    %while3A_247 = arith.divsi %while3A_244, %while3A_246 : i32
    %while3A_248 = arith.muli %while3A_247, %while3A_246 : i32
    %while3A_249 = arith.addi %while3A_242, %while3A_248 : i32
    %while3A_250 = arith.constant 1 : i32
    scf.for %while3A_914 = %while3A_242 to %while3A_249 step %while3A_250  : i32 {
      %mul3A_915 = arith.constant 16 : i32
      %mul3A_916 = arith.muli %while3A_914, %mul3A_915 : i32
      %get3A_917 = arith.index_cast %mul3A_916 : i32 to index
      %get3A_918 = tpu.vector_load %arg12[%get3A_917] {strides = array<i32>} : memref<5008xi32, #tpu.memory_space<vmem>>, vector<16xi32>,
      %gather3A = tpu.vector_load_idx %arg16[%get3A_918] : memref<50000xf32, #tpu.memory_space<vmem>>[vector<16xi32>], vector<16xf32>,
      %get3A_919 = arith.index_cast %mul3A_916 : i32 to index
      %get3A_920 = tpu.vector_load %arg14[%get3A_919] {strides = array<i32>} : memref<5008xi32, #tpu.memory_space<vmem>>, vector<16xi32>,
      %gather3A_921 = tpu.vector_load_idx %arg17[%get3A_920] : memref<50000xf32, #tpu.memory_space<vmem>>[vector<16xi32>], vector<16xf32>,
      %sub3A = arith.subf %gather3A, %gather3A_921 : vector<16xf32>
      %gt3A = arith.cmpf ogt, %sub3A, %get3A_30 : vector<16xf32>
      %select_n3A = arith.select %gt3A, %broadcast_in_dim3A_32, %broadcast_in_dim3A_3 : vector<16xi1>, vector<16xi32>
      %gt3A_922 = arith.cmpf ogt, %sub3A, %get3A_28 : vector<16xf32>
      %select_n3A_923 = arith.select %gt3A_922, %broadcast_in_dim3A_32, %broadcast_in_dim3A_3 : vector<16xi1>, vector<16xi32>
      %add3A_924 = arith.addi %select_n3A, %select_n3A_923 : vector<16xi32>
      %swap3A_925 = arith.index_cast %mul3A_916 : i32 to index
      %swap3A_926 = tpu.vector_load %arg18[%swap3A_925] {strides = array<i32>} : memref<5008xi32, #tpu.memory_space<vmem>>, vector<16xi32>,
      tpu.vector_store %arg18[%swap3A_925], %add3A_924 {strides = array<i32>} : memref<5008xi32, #tpu.memory_space<vmem>>, vector<16xi32>,
    }
    %while3A_251 = arith.constant 1 : i32
    scf.for %while3A_914 = %while3A_249 to %while3A_245 step %while3A_251  : i32 {
      %mul3A_915 = arith.constant 16 : i32
      %mul3A_916 = arith.muli %while3A_914, %mul3A_915 : i32
      %get3A_917 = arith.index_cast %mul3A_916 : i32 to index
      %get3A_918 = tpu.vector_load %arg12[%get3A_917] {strides = array<i32>} : memref<5008xi32, #tpu.memory_space<vmem>>, vector<16xi32>,
      %gather3A = tpu.vector_load_idx %arg16[%get3A_918] : memref<50000xf32, #tpu.memory_space<vmem>>[vector<16xi32>], vector<16xf32>,
      %get3A_919 = arith.index_cast %mul3A_916 : i32 to index
      %get3A_920 = tpu.vector_load %arg14[%get3A_919] {strides = array<i32>} : memref<5008xi32, #tpu.memory_space<vmem>>, vector<16xi32>,
      %gather3A_921 = tpu.vector_load_idx %arg17[%get3A_920] : memref<50000xf32, #tpu.memory_space<vmem>>[vector<16xi32>], vector<16xf32>,
      %sub3A = arith.subf %gather3A, %gather3A_921 : vector<16xf32>
      %gt3A = arith.cmpf ogt, %sub3A, %get3A_30 : vector<16xf32>
      %select_n3A = arith.select %gt3A, %broadcast_in_dim3A_32, %broadcast_in_dim3A_3 : vector<16xi1>, vector<16xi32>
      %gt3A_922 = arith.cmpf ogt, %sub3A, %get3A_28 : vector<16xf32>
      %select_n3A_923 = arith.select %gt3A_922, %broadcast_in_dim3A_32, %broadcast_in_dim3A_3 : vector<16xi1>, vector<16xi32>
      %add3A_924 = arith.addi %select_n3A, %select_n3A_923 : vector<16xi32>
      %swap3A_925 = arith.index_cast %mul3A_916 : i32 to index
      %swap3A_926 = tpu.vector_load %arg18[%swap3A_925] {strides = array<i32>} : memref<5008xi32, #tpu.memory_space<vmem>>, vector<16xi32>,
      tpu.vector_store %arg18[%swap3A_925], %add3A_924 {strides = array<i32>} : memref<5008xi32, #tpu.memory_space<vmem>>, vector<16xi32>,
    }
    %add3A_252 = arith.constant 20000 : i32
    %add3A_253 = arith.addi %mul3A_2, %add3A_252 : i32
    %dma_start3A_254 = arith.constant 0 : i32
    %dma_start3A_255 = tpu.memref_slice %arg18[%dma_start3A_254] : memref<5008xi32, #tpu.memory_space<vmem>> -> memref<5000xi32, #tpu.memory_space<vmem>>
    %dma_start3A_256 = tpu.memref_slice %arg11[%add3A_253] : memref<800000xi32, #tpu.memory_space<hbm>> -> memref<5000xi32, #tpu.memory_space<hbm>>
    %dma_start3A_257 = tpu.memref_slice %arg11[%add3A_253] : memref<800000xi32, #tpu.memory_space<hbm>> -> memref<5000xi32, #tpu.memory_space<hbm>>
    %dma_start3A_258 = arith.constant 0 : i32
    %dma_start3A_259 = tpu.memref_slice %arg18[%dma_start3A_258] : memref<5008xi32, #tpu.memory_space<vmem>> -> memref<5000xi32, #tpu.memory_space<vmem>>
    tpu.enqueue_dma source(%dma_start3A_259 : memref<5000xi32, #tpu.memory_space<vmem>>) target(%dma_start3A_257 : memref<5000xi32, #tpu.memory_space<hbm>>) target_semaphore(%arg24 : memref<!tpu.dma_semaphore, #tpu.memory_space<semaphore_mem>>)
    %dma_wait3A_260 = arith.constant 0 : i32
    %dma_wait3A_261 = tpu.memref_slice %arg19[%dma_wait3A_260] : memref<5008xi32, #tpu.memory_space<vmem>> -> memref<5000xi32, #tpu.memory_space<vmem>>
    %dma_wait3A_262 = tpu.memref_slice %arg11[%add3A_222] : memref<800000xi32, #tpu.memory_space<hbm>> -> memref<5000xi32, #tpu.memory_space<hbm>>
    %dma_wait3A_263 = tpu.memref_slice %arg11[%add3A_222] : memref<800000xi32, #tpu.memory_space<hbm>> -> memref<5000xi32, #tpu.memory_space<hbm>>
    %dma_wait3A_264 = arith.constant 0 : i32
    %dma_wait3A_265 = tpu.memref_slice %arg19[%dma_wait3A_264] : memref<5008xi32, #tpu.memory_space<vmem>> -> memref<5000xi32, #tpu.memory_space<vmem>>
    tpu.wait_dma2 semaphore(%arg25 : memref<!tpu.dma_semaphore, #tpu.memory_space<semaphore_mem>>) src(%dma_wait3A_265 : memref<5000xi32, #tpu.memory_space<vmem>>) dst(%dma_wait3A_263 : memref<5000xi32, #tpu.memory_space<hbm>>)
    %dma_wait3A_266 = arith.constant 0 : i32
    %dma_wait3A_267 = tpu.memref_slice %arg18[%dma_wait3A_266] : memref<5008xi32, #tpu.memory_space<vmem>> -> memref<5000xi32, #tpu.memory_space<vmem>>
    %dma_wait3A_268 = tpu.memref_slice %arg11[%add3A_253] : memref<800000xi32, #tpu.memory_space<hbm>> -> memref<5000xi32, #tpu.memory_space<hbm>>
    %dma_wait3A_269 = tpu.memref_slice %arg11[%add3A_253] : memref<800000xi32, #tpu.memory_space<hbm>> -> memref<5000xi32, #tpu.memory_space<hbm>>
    %dma_wait3A_270 = arith.constant 0 : i32
    %dma_wait3A_271 = tpu.memref_slice %arg18[%dma_wait3A_270] : memref<5008xi32, #tpu.memory_space<vmem>> -> memref<5000xi32, #tpu.memory_space<vmem>>
    tpu.wait_dma2 semaphore(%arg24 : memref<!tpu.dma_semaphore, #tpu.memory_space<semaphore_mem>>) src(%dma_wait3A_271 : memref<5000xi32, #tpu.memory_space<vmem>>) dst(%dma_wait3A_269 : memref<5000xi32, #tpu.memory_space<hbm>>)
    tpu.enqueue_dma source(%arg3 : memref<50000xf32, #tpu.memory_space<hbm>>) target(%arg16 : memref<50000xf32, #tpu.memory_space<vmem>>) target_semaphore(%arg21 : memref<!tpu.dma_semaphore, #tpu.memory_space<semaphore_mem>>)
    tpu.enqueue_dma source(%arg6 : memref<50000xf32, #tpu.memory_space<hbm>>) target(%arg17 : memref<50000xf32, #tpu.memory_space<vmem>>) target_semaphore(%arg21 : memref<!tpu.dma_semaphore, #tpu.memory_space<semaphore_mem>>)
    %add3A_272 = arith.constant 0 : i32
    %add3A_273 = arith.addi %mul3A_2, %add3A_272 : i32
    %dma_start3A_274 = arith.constant 0 : i32
    %dma_start3A_275 = tpu.memref_slice %arg12[%dma_start3A_274] : memref<5008xi32, #tpu.memory_space<vmem>> -> memref<5000xi32, #tpu.memory_space<vmem>>
    %dma_start3A_276 = tpu.memref_slice %arg8[%add3A_273] : memref<800000xi32, #tpu.memory_space<hbm>> -> memref<5000xi32, #tpu.memory_space<hbm>>
    %dma_start3A_277 = arith.constant 0 : i32
    %dma_start3A_278 = tpu.memref_slice %arg12[%dma_start3A_277] : memref<5008xi32, #tpu.memory_space<vmem>> -> memref<5000xi32, #tpu.memory_space<vmem>>
    %dma_start3A_279 = tpu.memref_slice %arg8[%add3A_273] : memref<800000xi32, #tpu.memory_space<hbm>> -> memref<5000xi32, #tpu.memory_space<hbm>>
    tpu.enqueue_dma source(%dma_start3A_279 : memref<5000xi32, #tpu.memory_space<hbm>>) target(%dma_start3A_278 : memref<5000xi32, #tpu.memory_space<vmem>>) target_semaphore(%arg22 : memref<!tpu.dma_semaphore, #tpu.memory_space<semaphore_mem>>)
    %dma_start3A_280 = arith.constant 0 : i32
    %dma_start3A_281 = tpu.memref_slice %arg14[%dma_start3A_280] : memref<5008xi32, #tpu.memory_space<vmem>> -> memref<5000xi32, #tpu.memory_space<vmem>>
    %dma_start3A_282 = tpu.memref_slice %arg9[%add3A_273] : memref<800000xi32, #tpu.memory_space<hbm>> -> memref<5000xi32, #tpu.memory_space<hbm>>
    %dma_start3A_283 = arith.constant 0 : i32
    %dma_start3A_284 = tpu.memref_slice %arg14[%dma_start3A_283] : memref<5008xi32, #tpu.memory_space<vmem>> -> memref<5000xi32, #tpu.memory_space<vmem>>
    %dma_start3A_285 = tpu.memref_slice %arg9[%add3A_273] : memref<800000xi32, #tpu.memory_space<hbm>> -> memref<5000xi32, #tpu.memory_space<hbm>>
    tpu.enqueue_dma source(%dma_start3A_285 : memref<5000xi32, #tpu.memory_space<hbm>>) target(%dma_start3A_284 : memref<5000xi32, #tpu.memory_space<vmem>>) target_semaphore(%arg22 : memref<!tpu.dma_semaphore, #tpu.memory_space<semaphore_mem>>)
    %dma_start3A_286 = arith.constant 0 : i32
    %dma_start3A_287 = tpu.memref_slice %arg18[%dma_start3A_286] : memref<5008xi32, #tpu.memory_space<vmem>> -> memref<5000xi32, #tpu.memory_space<vmem>>
    %dma_start3A_288 = tpu.memref_slice %arg11[%add3A_273] : memref<800000xi32, #tpu.memory_space<hbm>> -> memref<5000xi32, #tpu.memory_space<hbm>>
    %dma_start3A_289 = arith.constant 0 : i32
    %dma_start3A_290 = tpu.memref_slice %arg18[%dma_start3A_289] : memref<5008xi32, #tpu.memory_space<vmem>> -> memref<5000xi32, #tpu.memory_space<vmem>>
    %dma_start3A_291 = tpu.memref_slice %arg11[%add3A_273] : memref<800000xi32, #tpu.memory_space<hbm>> -> memref<5000xi32, #tpu.memory_space<hbm>>
    tpu.enqueue_dma source(%dma_start3A_291 : memref<5000xi32, #tpu.memory_space<hbm>>) target(%dma_start3A_290 : memref<5000xi32, #tpu.memory_space<vmem>>) target_semaphore(%arg22 : memref<!tpu.dma_semaphore, #tpu.memory_space<semaphore_mem>>)
    tpu.wait_dma2 semaphore(%arg21 : memref<!tpu.dma_semaphore, #tpu.memory_space<semaphore_mem>>) src(%arg3 : memref<50000xf32, #tpu.memory_space<hbm>>) dst(%arg16 : memref<50000xf32, #tpu.memory_space<vmem>>)
    tpu.wait_dma2 semaphore(%arg21 : memref<!tpu.dma_semaphore, #tpu.memory_space<semaphore_mem>>) src(%arg6 : memref<50000xf32, #tpu.memory_space<hbm>>) dst(%arg17 : memref<50000xf32, #tpu.memory_space<vmem>>)
    %get3A_292 = arith.constant 16 : index
    %get3A_293 = tpu.vector_load %arg20[%get3A_292] {strides = array<i32>} : memref<96xf32, #tpu.memory_space<vmem>>, vector<16xf32>,
    %get3A_294 = arith.constant 64 : index
    %get3A_295 = tpu.vector_load %arg20[%get3A_294] {strides = array<i32>} : memref<96xf32, #tpu.memory_space<vmem>>, vector<16xf32>,
    %broadcast_in_dim3A_296 = arith.constant 3 : i32
    %broadcast_in_dim3A_297 = vector.broadcast %broadcast_in_dim3A_296 : i32 to vector<16xi32>
    %add3A_298 = arith.constant 5000 : i32
    %add3A_299 = arith.addi %mul3A_2, %add3A_298 : i32
    %dma_start3A_300 = arith.constant 0 : i32
    %dma_start3A_301 = tpu.memref_slice %arg13[%dma_start3A_300] : memref<5008xi32, #tpu.memory_space<vmem>> -> memref<5000xi32, #tpu.memory_space<vmem>>
    %dma_start3A_302 = tpu.memref_slice %arg8[%add3A_299] : memref<800000xi32, #tpu.memory_space<hbm>> -> memref<5000xi32, #tpu.memory_space<hbm>>
    %dma_start3A_303 = arith.constant 0 : i32
    %dma_start3A_304 = tpu.memref_slice %arg13[%dma_start3A_303] : memref<5008xi32, #tpu.memory_space<vmem>> -> memref<5000xi32, #tpu.memory_space<vmem>>
    %dma_start3A_305 = tpu.memref_slice %arg8[%add3A_299] : memref<800000xi32, #tpu.memory_space<hbm>> -> memref<5000xi32, #tpu.memory_space<hbm>>
    tpu.enqueue_dma source(%dma_start3A_305 : memref<5000xi32, #tpu.memory_space<hbm>>) target(%dma_start3A_304 : memref<5000xi32, #tpu.memory_space<vmem>>) target_semaphore(%arg23 : memref<!tpu.dma_semaphore, #tpu.memory_space<semaphore_mem>>)
    %dma_start3A_306 = arith.constant 0 : i32
    %dma_start3A_307 = tpu.memref_slice %arg15[%dma_start3A_306] : memref<5008xi32, #tpu.memory_space<vmem>> -> memref<5000xi32, #tpu.memory_space<vmem>>
    %dma_start3A_308 = tpu.memref_slice %arg9[%add3A_299] : memref<800000xi32, #tpu.memory_space<hbm>> -> memref<5000xi32, #tpu.memory_space<hbm>>
    %dma_start3A_309 = arith.constant 0 : i32
    %dma_start3A_310 = tpu.memref_slice %arg15[%dma_start3A_309] : memref<5008xi32, #tpu.memory_space<vmem>> -> memref<5000xi32, #tpu.memory_space<vmem>>
    %dma_start3A_311 = tpu.memref_slice %arg9[%add3A_299] : memref<800000xi32, #tpu.memory_space<hbm>> -> memref<5000xi32, #tpu.memory_space<hbm>>
    tpu.enqueue_dma source(%dma_start3A_311 : memref<5000xi32, #tpu.memory_space<hbm>>) target(%dma_start3A_310 : memref<5000xi32, #tpu.memory_space<vmem>>) target_semaphore(%arg23 : memref<!tpu.dma_semaphore, #tpu.memory_space<semaphore_mem>>)
    %dma_start3A_312 = arith.constant 0 : i32
    %dma_start3A_313 = tpu.memref_slice %arg19[%dma_start3A_312] : memref<5008xi32, #tpu.memory_space<vmem>> -> memref<5000xi32, #tpu.memory_space<vmem>>
    %dma_start3A_314 = tpu.memref_slice %arg11[%add3A_299] : memref<800000xi32, #tpu.memory_space<hbm>> -> memref<5000xi32, #tpu.memory_space<hbm>>
    %dma_start3A_315 = arith.constant 0 : i32
    %dma_start3A_316 = tpu.memref_slice %arg19[%dma_start3A_315] : memref<5008xi32, #tpu.memory_space<vmem>> -> memref<5000xi32, #tpu.memory_space<vmem>>
    %dma_start3A_317 = tpu.memref_slice %arg11[%add3A_299] : memref<800000xi32, #tpu.memory_space<hbm>> -> memref<5000xi32, #tpu.memory_space<hbm>>
    tpu.enqueue_dma source(%dma_start3A_317 : memref<5000xi32, #tpu.memory_space<hbm>>) target(%dma_start3A_316 : memref<5000xi32, #tpu.memory_space<vmem>>) target_semaphore(%arg23 : memref<!tpu.dma_semaphore, #tpu.memory_space<semaphore_mem>>)
    %dma_wait3A_318 = arith.constant 0 : i32
    %dma_wait3A_319 = tpu.memref_slice %arg12[%dma_wait3A_318] : memref<5008xi32, #tpu.memory_space<vmem>> -> memref<5000xi32, #tpu.memory_space<vmem>>
    %dma_wait3A_320 = tpu.memref_slice %arg8[%add3A_273] : memref<800000xi32, #tpu.memory_space<hbm>> -> memref<5000xi32, #tpu.memory_space<hbm>>
    %dma_wait3A_321 = arith.constant 0 : i32
    %dma_wait3A_322 = tpu.memref_slice %arg12[%dma_wait3A_321] : memref<5008xi32, #tpu.memory_space<vmem>> -> memref<5000xi32, #tpu.memory_space<vmem>>
    %dma_wait3A_323 = tpu.memref_slice %arg8[%add3A_273] : memref<800000xi32, #tpu.memory_space<hbm>> -> memref<5000xi32, #tpu.memory_space<hbm>>
    tpu.wait_dma2 semaphore(%arg22 : memref<!tpu.dma_semaphore, #tpu.memory_space<semaphore_mem>>) src(%dma_wait3A_323 : memref<5000xi32, #tpu.memory_space<hbm>>) dst(%dma_wait3A_322 : memref<5000xi32, #tpu.memory_space<vmem>>)
    %dma_wait3A_324 = arith.constant 0 : i32
    %dma_wait3A_325 = tpu.memref_slice %arg14[%dma_wait3A_324] : memref<5008xi32, #tpu.memory_space<vmem>> -> memref<5000xi32, #tpu.memory_space<vmem>>
    %dma_wait3A_326 = tpu.memref_slice %arg9[%add3A_273] : memref<800000xi32, #tpu.memory_space<hbm>> -> memref<5000xi32, #tpu.memory_space<hbm>>
    %dma_wait3A_327 = arith.constant 0 : i32
    %dma_wait3A_328 = tpu.memref_slice %arg14[%dma_wait3A_327] : memref<5008xi32, #tpu.memory_space<vmem>> -> memref<5000xi32, #tpu.memory_space<vmem>>
    %dma_wait3A_329 = tpu.memref_slice %arg9[%add3A_273] : memref<800000xi32, #tpu.memory_space<hbm>> -> memref<5000xi32, #tpu.memory_space<hbm>>
    tpu.wait_dma2 semaphore(%arg22 : memref<!tpu.dma_semaphore, #tpu.memory_space<semaphore_mem>>) src(%dma_wait3A_329 : memref<5000xi32, #tpu.memory_space<hbm>>) dst(%dma_wait3A_328 : memref<5000xi32, #tpu.memory_space<vmem>>)
    %dma_wait3A_330 = arith.constant 0 : i32
    %dma_wait3A_331 = tpu.memref_slice %arg18[%dma_wait3A_330] : memref<5008xi32, #tpu.memory_space<vmem>> -> memref<5000xi32, #tpu.memory_space<vmem>>
    %dma_wait3A_332 = tpu.memref_slice %arg11[%add3A_273] : memref<800000xi32, #tpu.memory_space<hbm>> -> memref<5000xi32, #tpu.memory_space<hbm>>
    %dma_wait3A_333 = arith.constant 0 : i32
    %dma_wait3A_334 = tpu.memref_slice %arg18[%dma_wait3A_333] : memref<5008xi32, #tpu.memory_space<vmem>> -> memref<5000xi32, #tpu.memory_space<vmem>>
    %dma_wait3A_335 = tpu.memref_slice %arg11[%add3A_273] : memref<800000xi32, #tpu.memory_space<hbm>> -> memref<5000xi32, #tpu.memory_space<hbm>>
    tpu.wait_dma2 semaphore(%arg22 : memref<!tpu.dma_semaphore, #tpu.memory_space<semaphore_mem>>) src(%dma_wait3A_335 : memref<5000xi32, #tpu.memory_space<hbm>>) dst(%dma_wait3A_334 : memref<5000xi32, #tpu.memory_space<vmem>>)
    %while3A_336 = arith.constant 0 : i64
    %while3A_337 = arith.constant 0 : i32
    %while3A_338 = arith.constant 313 : i32
    %while3A_339 = arith.subi %while3A_338, %while3A_337 : i32
    %while3A_340 = arith.addi %while3A_337, %while3A_339 : i32
    %while3A_341 = arith.constant 1 : i32
    %while3A_342 = arith.divsi %while3A_339, %while3A_341 : i32
    %while3A_343 = arith.muli %while3A_342, %while3A_341 : i32
    %while3A_344 = arith.addi %while3A_337, %while3A_343 : i32
    %while3A_345 = arith.constant 1 : i32
    scf.for %while3A_914 = %while3A_337 to %while3A_344 step %while3A_345  : i32 {
      %mul3A_915 = arith.constant 16 : i32
      %mul3A_916 = arith.muli %while3A_914, %mul3A_915 : i32
      %get3A_917 = arith.index_cast %mul3A_916 : i32 to index
      %get3A_918 = tpu.vector_load %arg12[%get3A_917] {strides = array<i32>} : memref<5008xi32, #tpu.memory_space<vmem>>, vector<16xi32>,
      %gather3A = tpu.vector_load_idx %arg16[%get3A_918] : memref<50000xf32, #tpu.memory_space<vmem>>[vector<16xi32>], vector<16xf32>,
      %get3A_919 = arith.index_cast %mul3A_916 : i32 to index
      %get3A_920 = tpu.vector_load %arg14[%get3A_919] {strides = array<i32>} : memref<5008xi32, #tpu.memory_space<vmem>>, vector<16xi32>,
      %gather3A_921 = tpu.vector_load_idx %arg17[%get3A_920] : memref<50000xf32, #tpu.memory_space<vmem>>[vector<16xi32>], vector<16xf32>,
      %sub3A = arith.subf %gather3A, %gather3A_921 : vector<16xf32>
      %gt3A = arith.cmpf ogt, %sub3A, %get3A_295 : vector<16xf32>
      %select_n3A = arith.select %gt3A, %broadcast_in_dim3A_297, %broadcast_in_dim3A_3 : vector<16xi1>, vector<16xi32>
      %gt3A_922 = arith.cmpf ogt, %sub3A, %get3A_293 : vector<16xf32>
      %select_n3A_923 = arith.select %gt3A_922, %broadcast_in_dim3A_297, %broadcast_in_dim3A_3 : vector<16xi1>, vector<16xi32>
      %add3A_924 = arith.addi %select_n3A, %select_n3A_923 : vector<16xi32>
      %get3A_925 = arith.index_cast %mul3A_916 : i32 to index
      %get3A_926 = tpu.vector_load %arg18[%get3A_925] {strides = array<i32>} : memref<5008xi32, #tpu.memory_space<vmem>>, vector<16xi32>,
      %add3A_927 = arith.addi %add3A_924, %get3A_926 : vector<16xi32>
      %swap3A_928 = arith.index_cast %mul3A_916 : i32 to index
      %swap3A_929 = tpu.vector_load %arg18[%swap3A_928] {strides = array<i32>} : memref<5008xi32, #tpu.memory_space<vmem>>, vector<16xi32>,
      tpu.vector_store %arg18[%swap3A_928], %add3A_927 {strides = array<i32>} : memref<5008xi32, #tpu.memory_space<vmem>>, vector<16xi32>,
    }
    %while3A_346 = arith.constant 1 : i32
    scf.for %while3A_914 = %while3A_344 to %while3A_340 step %while3A_346  : i32 {
      %mul3A_915 = arith.constant 16 : i32
      %mul3A_916 = arith.muli %while3A_914, %mul3A_915 : i32
      %get3A_917 = arith.index_cast %mul3A_916 : i32 to index
      %get3A_918 = tpu.vector_load %arg12[%get3A_917] {strides = array<i32>} : memref<5008xi32, #tpu.memory_space<vmem>>, vector<16xi32>,
      %gather3A = tpu.vector_load_idx %arg16[%get3A_918] : memref<50000xf32, #tpu.memory_space<vmem>>[vector<16xi32>], vector<16xf32>,
      %get3A_919 = arith.index_cast %mul3A_916 : i32 to index
      %get3A_920 = tpu.vector_load %arg14[%get3A_919] {strides = array<i32>} : memref<5008xi32, #tpu.memory_space<vmem>>, vector<16xi32>,
      %gather3A_921 = tpu.vector_load_idx %arg17[%get3A_920] : memref<50000xf32, #tpu.memory_space<vmem>>[vector<16xi32>], vector<16xf32>,
      %sub3A = arith.subf %gather3A, %gather3A_921 : vector<16xf32>
      %gt3A = arith.cmpf ogt, %sub3A, %get3A_295 : vector<16xf32>
      %select_n3A = arith.select %gt3A, %broadcast_in_dim3A_297, %broadcast_in_dim3A_3 : vector<16xi1>, vector<16xi32>
      %gt3A_922 = arith.cmpf ogt, %sub3A, %get3A_293 : vector<16xf32>
      %select_n3A_923 = arith.select %gt3A_922, %broadcast_in_dim3A_297, %broadcast_in_dim3A_3 : vector<16xi1>, vector<16xi32>
      %add3A_924 = arith.addi %select_n3A, %select_n3A_923 : vector<16xi32>
      %get3A_925 = arith.index_cast %mul3A_916 : i32 to index
      %get3A_926 = tpu.vector_load %arg18[%get3A_925] {strides = array<i32>} : memref<5008xi32, #tpu.memory_space<vmem>>, vector<16xi32>,
      %add3A_927 = arith.addi %add3A_924, %get3A_926 : vector<16xi32>
      %swap3A_928 = arith.index_cast %mul3A_916 : i32 to index
      %swap3A_929 = tpu.vector_load %arg18[%swap3A_928] {strides = array<i32>} : memref<5008xi32, #tpu.memory_space<vmem>>, vector<16xi32>,
      tpu.vector_store %arg18[%swap3A_928], %add3A_927 {strides = array<i32>} : memref<5008xi32, #tpu.memory_space<vmem>>, vector<16xi32>,
    }
    %add3A_347 = arith.constant 0 : i32
    %add3A_348 = arith.addi %mul3A_2, %add3A_347 : i32
    %dma_start3A_349 = arith.constant 0 : i32
    %dma_start3A_350 = tpu.memref_slice %arg18[%dma_start3A_349] : memref<5008xi32, #tpu.memory_space<vmem>> -> memref<5000xi32, #tpu.memory_space<vmem>>
    %dma_start3A_351 = tpu.memref_slice %arg11[%add3A_348] : memref<800000xi32, #tpu.memory_space<hbm>> -> memref<5000xi32, #tpu.memory_space<hbm>>
    %dma_start3A_352 = tpu.memref_slice %arg11[%add3A_348] : memref<800000xi32, #tpu.memory_space<hbm>> -> memref<5000xi32, #tpu.memory_space<hbm>>
    %dma_start3A_353 = arith.constant 0 : i32
    %dma_start3A_354 = tpu.memref_slice %arg18[%dma_start3A_353] : memref<5008xi32, #tpu.memory_space<vmem>> -> memref<5000xi32, #tpu.memory_space<vmem>>
    tpu.enqueue_dma source(%dma_start3A_354 : memref<5000xi32, #tpu.memory_space<vmem>>) target(%dma_start3A_352 : memref<5000xi32, #tpu.memory_space<hbm>>) target_semaphore(%arg24 : memref<!tpu.dma_semaphore, #tpu.memory_space<semaphore_mem>>)
    %add3A_355 = arith.constant 10000 : i32
    %add3A_356 = arith.addi %mul3A_2, %add3A_355 : i32
    %dma_wait3A_357 = arith.constant 0 : i32
    %dma_wait3A_358 = tpu.memref_slice %arg18[%dma_wait3A_357] : memref<5008xi32, #tpu.memory_space<vmem>> -> memref<5000xi32, #tpu.memory_space<vmem>>
    %dma_wait3A_359 = tpu.memref_slice %arg11[%add3A_348] : memref<800000xi32, #tpu.memory_space<hbm>> -> memref<5000xi32, #tpu.memory_space<hbm>>
    %dma_wait3A_360 = tpu.memref_slice %arg11[%add3A_348] : memref<800000xi32, #tpu.memory_space<hbm>> -> memref<5000xi32, #tpu.memory_space<hbm>>
    %dma_wait3A_361 = arith.constant 0 : i32
    %dma_wait3A_362 = tpu.memref_slice %arg18[%dma_wait3A_361] : memref<5008xi32, #tpu.memory_space<vmem>> -> memref<5000xi32, #tpu.memory_space<vmem>>
    tpu.wait_dma2 semaphore(%arg24 : memref<!tpu.dma_semaphore, #tpu.memory_space<semaphore_mem>>) src(%dma_wait3A_362 : memref<5000xi32, #tpu.memory_space<vmem>>) dst(%dma_wait3A_360 : memref<5000xi32, #tpu.memory_space<hbm>>)
    %dma_start3A_363 = arith.constant 0 : i32
    %dma_start3A_364 = tpu.memref_slice %arg12[%dma_start3A_363] : memref<5008xi32, #tpu.memory_space<vmem>> -> memref<5000xi32, #tpu.memory_space<vmem>>
    %dma_start3A_365 = tpu.memref_slice %arg8[%add3A_356] : memref<800000xi32, #tpu.memory_space<hbm>> -> memref<5000xi32, #tpu.memory_space<hbm>>
    %dma_start3A_366 = arith.constant 0 : i32
    %dma_start3A_367 = tpu.memref_slice %arg12[%dma_start3A_366] : memref<5008xi32, #tpu.memory_space<vmem>> -> memref<5000xi32, #tpu.memory_space<vmem>>
    %dma_start3A_368 = tpu.memref_slice %arg8[%add3A_356] : memref<800000xi32, #tpu.memory_space<hbm>> -> memref<5000xi32, #tpu.memory_space<hbm>>
    tpu.enqueue_dma source(%dma_start3A_368 : memref<5000xi32, #tpu.memory_space<hbm>>) target(%dma_start3A_367 : memref<5000xi32, #tpu.memory_space<vmem>>) target_semaphore(%arg22 : memref<!tpu.dma_semaphore, #tpu.memory_space<semaphore_mem>>)
    %dma_start3A_369 = arith.constant 0 : i32
    %dma_start3A_370 = tpu.memref_slice %arg14[%dma_start3A_369] : memref<5008xi32, #tpu.memory_space<vmem>> -> memref<5000xi32, #tpu.memory_space<vmem>>
    %dma_start3A_371 = tpu.memref_slice %arg9[%add3A_356] : memref<800000xi32, #tpu.memory_space<hbm>> -> memref<5000xi32, #tpu.memory_space<hbm>>
    %dma_start3A_372 = arith.constant 0 : i32
    %dma_start3A_373 = tpu.memref_slice %arg14[%dma_start3A_372] : memref<5008xi32, #tpu.memory_space<vmem>> -> memref<5000xi32, #tpu.memory_space<vmem>>
    %dma_start3A_374 = tpu.memref_slice %arg9[%add3A_356] : memref<800000xi32, #tpu.memory_space<hbm>> -> memref<5000xi32, #tpu.memory_space<hbm>>
    tpu.enqueue_dma source(%dma_start3A_374 : memref<5000xi32, #tpu.memory_space<hbm>>) target(%dma_start3A_373 : memref<5000xi32, #tpu.memory_space<vmem>>) target_semaphore(%arg22 : memref<!tpu.dma_semaphore, #tpu.memory_space<semaphore_mem>>)
    %dma_start3A_375 = arith.constant 0 : i32
    %dma_start3A_376 = tpu.memref_slice %arg18[%dma_start3A_375] : memref<5008xi32, #tpu.memory_space<vmem>> -> memref<5000xi32, #tpu.memory_space<vmem>>
    %dma_start3A_377 = tpu.memref_slice %arg11[%add3A_356] : memref<800000xi32, #tpu.memory_space<hbm>> -> memref<5000xi32, #tpu.memory_space<hbm>>
    %dma_start3A_378 = arith.constant 0 : i32
    %dma_start3A_379 = tpu.memref_slice %arg18[%dma_start3A_378] : memref<5008xi32, #tpu.memory_space<vmem>> -> memref<5000xi32, #tpu.memory_space<vmem>>
    %dma_start3A_380 = tpu.memref_slice %arg11[%add3A_356] : memref<800000xi32, #tpu.memory_space<hbm>> -> memref<5000xi32, #tpu.memory_space<hbm>>
    tpu.enqueue_dma source(%dma_start3A_380 : memref<5000xi32, #tpu.memory_space<hbm>>) target(%dma_start3A_379 : memref<5000xi32, #tpu.memory_space<vmem>>) target_semaphore(%arg22 : memref<!tpu.dma_semaphore, #tpu.memory_space<semaphore_mem>>)
    %dma_wait3A_381 = arith.constant 0 : i32
    %dma_wait3A_382 = tpu.memref_slice %arg13[%dma_wait3A_381] : memref<5008xi32, #tpu.memory_space<vmem>> -> memref<5000xi32, #tpu.memory_space<vmem>>
    %dma_wait3A_383 = tpu.memref_slice %arg8[%add3A_299] : memref<800000xi32, #tpu.memory_space<hbm>> -> memref<5000xi32, #tpu.memory_space<hbm>>
    %dma_wait3A_384 = arith.constant 0 : i32
    %dma_wait3A_385 = tpu.memref_slice %arg13[%dma_wait3A_384] : memref<5008xi32, #tpu.memory_space<vmem>> -> memref<5000xi32, #tpu.memory_space<vmem>>
    %dma_wait3A_386 = tpu.memref_slice %arg8[%add3A_299] : memref<800000xi32, #tpu.memory_space<hbm>> -> memref<5000xi32, #tpu.memory_space<hbm>>
    tpu.wait_dma2 semaphore(%arg23 : memref<!tpu.dma_semaphore, #tpu.memory_space<semaphore_mem>>) src(%dma_wait3A_386 : memref<5000xi32, #tpu.memory_space<hbm>>) dst(%dma_wait3A_385 : memref<5000xi32, #tpu.memory_space<vmem>>)
    %dma_wait3A_387 = arith.constant 0 : i32
    %dma_wait3A_388 = tpu.memref_slice %arg15[%dma_wait3A_387] : memref<5008xi32, #tpu.memory_space<vmem>> -> memref<5000xi32, #tpu.memory_space<vmem>>
    %dma_wait3A_389 = tpu.memref_slice %arg9[%add3A_299] : memref<800000xi32, #tpu.memory_space<hbm>> -> memref<5000xi32, #tpu.memory_space<hbm>>
    %dma_wait3A_390 = arith.constant 0 : i32
    %dma_wait3A_391 = tpu.memref_slice %arg15[%dma_wait3A_390] : memref<5008xi32, #tpu.memory_space<vmem>> -> memref<5000xi32, #tpu.memory_space<vmem>>
    %dma_wait3A_392 = tpu.memref_slice %arg9[%add3A_299] : memref<800000xi32, #tpu.memory_space<hbm>> -> memref<5000xi32, #tpu.memory_space<hbm>>
    tpu.wait_dma2 semaphore(%arg23 : memref<!tpu.dma_semaphore, #tpu.memory_space<semaphore_mem>>) src(%dma_wait3A_392 : memref<5000xi32, #tpu.memory_space<hbm>>) dst(%dma_wait3A_391 : memref<5000xi32, #tpu.memory_space<vmem>>)
    %dma_wait3A_393 = arith.constant 0 : i32
    %dma_wait3A_394 = tpu.memref_slice %arg19[%dma_wait3A_393] : memref<5008xi32, #tpu.memory_space<vmem>> -> memref<5000xi32, #tpu.memory_space<vmem>>
    %dma_wait3A_395 = tpu.memref_slice %arg11[%add3A_299] : memref<800000xi32, #tpu.memory_space<hbm>> -> memref<5000xi32, #tpu.memory_space<hbm>>
    %dma_wait3A_396 = arith.constant 0 : i32
    %dma_wait3A_397 = tpu.memref_slice %arg19[%dma_wait3A_396] : memref<5008xi32, #tpu.memory_space<vmem>> -> memref<5000xi32, #tpu.memory_space<vmem>>
    %dma_wait3A_398 = tpu.memref_slice %arg11[%add3A_299] : memref<800000xi32, #tpu.memory_space<hbm>> -> memref<5000xi32, #tpu.memory_space<hbm>>
    tpu.wait_dma2 semaphore(%arg23 : memref<!tpu.dma_semaphore, #tpu.memory_space<semaphore_mem>>) src(%dma_wait3A_398 : memref<5000xi32, #tpu.memory_space<hbm>>) dst(%dma_wait3A_397 : memref<5000xi32, #tpu.memory_space<vmem>>)
    %while3A_399 = arith.constant 0 : i64
    %while3A_400 = arith.constant 0 : i32
    %while3A_401 = arith.constant 313 : i32
    %while3A_402 = arith.subi %while3A_401, %while3A_400 : i32
    %while3A_403 = arith.addi %while3A_400, %while3A_402 : i32
    %while3A_404 = arith.constant 1 : i32
    %while3A_405 = arith.divsi %while3A_402, %while3A_404 : i32
    %while3A_406 = arith.muli %while3A_405, %while3A_404 : i32
    %while3A_407 = arith.addi %while3A_400, %while3A_406 : i32
    %while3A_408 = arith.constant 1 : i32
    scf.for %while3A_914 = %while3A_400 to %while3A_407 step %while3A_408  : i32 {
      %mul3A_915 = arith.constant 16 : i32
      %mul3A_916 = arith.muli %while3A_914, %mul3A_915 : i32
      %get3A_917 = arith.index_cast %mul3A_916 : i32 to index
      %get3A_918 = tpu.vector_load %arg13[%get3A_917] {strides = array<i32>} : memref<5008xi32, #tpu.memory_space<vmem>>, vector<16xi32>,
      %gather3A = tpu.vector_load_idx %arg16[%get3A_918] : memref<50000xf32, #tpu.memory_space<vmem>>[vector<16xi32>], vector<16xf32>,
      %get3A_919 = arith.index_cast %mul3A_916 : i32 to index
      %get3A_920 = tpu.vector_load %arg15[%get3A_919] {strides = array<i32>} : memref<5008xi32, #tpu.memory_space<vmem>>, vector<16xi32>,
      %gather3A_921 = tpu.vector_load_idx %arg17[%get3A_920] : memref<50000xf32, #tpu.memory_space<vmem>>[vector<16xi32>], vector<16xf32>,
      %sub3A = arith.subf %gather3A, %gather3A_921 : vector<16xf32>
      %gt3A = arith.cmpf ogt, %sub3A, %get3A_295 : vector<16xf32>
      %select_n3A = arith.select %gt3A, %broadcast_in_dim3A_297, %broadcast_in_dim3A_3 : vector<16xi1>, vector<16xi32>
      %gt3A_922 = arith.cmpf ogt, %sub3A, %get3A_293 : vector<16xf32>
      %select_n3A_923 = arith.select %gt3A_922, %broadcast_in_dim3A_297, %broadcast_in_dim3A_3 : vector<16xi1>, vector<16xi32>
      %add3A_924 = arith.addi %select_n3A, %select_n3A_923 : vector<16xi32>
      %get3A_925 = arith.index_cast %mul3A_916 : i32 to index
      %get3A_926 = tpu.vector_load %arg19[%get3A_925] {strides = array<i32>} : memref<5008xi32, #tpu.memory_space<vmem>>, vector<16xi32>,
      %add3A_927 = arith.addi %add3A_924, %get3A_926 : vector<16xi32>
      %swap3A_928 = arith.index_cast %mul3A_916 : i32 to index
      %swap3A_929 = tpu.vector_load %arg19[%swap3A_928] {strides = array<i32>} : memref<5008xi32, #tpu.memory_space<vmem>>, vector<16xi32>,
      tpu.vector_store %arg19[%swap3A_928], %add3A_927 {strides = array<i32>} : memref<5008xi32, #tpu.memory_space<vmem>>, vector<16xi32>,
    }
    %while3A_409 = arith.constant 1 : i32
    scf.for %while3A_914 = %while3A_407 to %while3A_403 step %while3A_409  : i32 {
      %mul3A_915 = arith.constant 16 : i32
      %mul3A_916 = arith.muli %while3A_914, %mul3A_915 : i32
      %get3A_917 = arith.index_cast %mul3A_916 : i32 to index
      %get3A_918 = tpu.vector_load %arg13[%get3A_917] {strides = array<i32>} : memref<5008xi32, #tpu.memory_space<vmem>>, vector<16xi32>,
      %gather3A = tpu.vector_load_idx %arg16[%get3A_918] : memref<50000xf32, #tpu.memory_space<vmem>>[vector<16xi32>], vector<16xf32>,
      %get3A_919 = arith.index_cast %mul3A_916 : i32 to index
      %get3A_920 = tpu.vector_load %arg15[%get3A_919] {strides = array<i32>} : memref<5008xi32, #tpu.memory_space<vmem>>, vector<16xi32>,
      %gather3A_921 = tpu.vector_load_idx %arg17[%get3A_920] : memref<50000xf32, #tpu.memory_space<vmem>>[vector<16xi32>], vector<16xf32>,
      %sub3A = arith.subf %gather3A, %gather3A_921 : vector<16xf32>
      %gt3A = arith.cmpf ogt, %sub3A, %get3A_295 : vector<16xf32>
      %select_n3A = arith.select %gt3A, %broadcast_in_dim3A_297, %broadcast_in_dim3A_3 : vector<16xi1>, vector<16xi32>
      %gt3A_922 = arith.cmpf ogt, %sub3A, %get3A_293 : vector<16xf32>
      %select_n3A_923 = arith.select %gt3A_922, %broadcast_in_dim3A_297, %broadcast_in_dim3A_3 : vector<16xi1>, vector<16xi32>
      %add3A_924 = arith.addi %select_n3A, %select_n3A_923 : vector<16xi32>
      %get3A_925 = arith.index_cast %mul3A_916 : i32 to index
      %get3A_926 = tpu.vector_load %arg19[%get3A_925] {strides = array<i32>} : memref<5008xi32, #tpu.memory_space<vmem>>, vector<16xi32>,
      %add3A_927 = arith.addi %add3A_924, %get3A_926 : vector<16xi32>
      %swap3A_928 = arith.index_cast %mul3A_916 : i32 to index
      %swap3A_929 = tpu.vector_load %arg19[%swap3A_928] {strides = array<i32>} : memref<5008xi32, #tpu.memory_space<vmem>>, vector<16xi32>,
      tpu.vector_store %arg19[%swap3A_928], %add3A_927 {strides = array<i32>} : memref<5008xi32, #tpu.memory_space<vmem>>, vector<16xi32>,
    }
    %add3A_410 = arith.constant 5000 : i32
    %add3A_411 = arith.addi %mul3A_2, %add3A_410 : i32
    %dma_start3A_412 = arith.constant 0 : i32
    %dma_start3A_413 = tpu.memref_slice %arg19[%dma_start3A_412] : memref<5008xi32, #tpu.memory_space<vmem>> -> memref<5000xi32, #tpu.memory_space<vmem>>
    %dma_start3A_414 = tpu.memref_slice %arg11[%add3A_411] : memref<800000xi32, #tpu.memory_space<hbm>> -> memref<5000xi32, #tpu.memory_space<hbm>>
    %dma_start3A_415 = tpu.memref_slice %arg11[%add3A_411] : memref<800000xi32, #tpu.memory_space<hbm>> -> memref<5000xi32, #tpu.memory_space<hbm>>
    %dma_start3A_416 = arith.constant 0 : i32
    %dma_start3A_417 = tpu.memref_slice %arg19[%dma_start3A_416] : memref<5008xi32, #tpu.memory_space<vmem>> -> memref<5000xi32, #tpu.memory_space<vmem>>
    tpu.enqueue_dma source(%dma_start3A_417 : memref<5000xi32, #tpu.memory_space<vmem>>) target(%dma_start3A_415 : memref<5000xi32, #tpu.memory_space<hbm>>) target_semaphore(%arg25 : memref<!tpu.dma_semaphore, #tpu.memory_space<semaphore_mem>>)
    %add3A_418 = arith.constant 15000 : i32
    %add3A_419 = arith.addi %mul3A_2, %add3A_418 : i32
    %dma_wait3A_420 = arith.constant 0 : i32
    %dma_wait3A_421 = tpu.memref_slice %arg19[%dma_wait3A_420] : memref<5008xi32, #tpu.memory_space<vmem>> -> memref<5000xi32, #tpu.memory_space<vmem>>
    %dma_wait3A_422 = tpu.memref_slice %arg11[%add3A_411] : memref<800000xi32, #tpu.memory_space<hbm>> -> memref<5000xi32, #tpu.memory_space<hbm>>
    %dma_wait3A_423 = tpu.memref_slice %arg11[%add3A_411] : memref<800000xi32, #tpu.memory_space<hbm>> -> memref<5000xi32, #tpu.memory_space<hbm>>
    %dma_wait3A_424 = arith.constant 0 : i32
    %dma_wait3A_425 = tpu.memref_slice %arg19[%dma_wait3A_424] : memref<5008xi32, #tpu.memory_space<vmem>> -> memref<5000xi32, #tpu.memory_space<vmem>>
    tpu.wait_dma2 semaphore(%arg25 : memref<!tpu.dma_semaphore, #tpu.memory_space<semaphore_mem>>) src(%dma_wait3A_425 : memref<5000xi32, #tpu.memory_space<vmem>>) dst(%dma_wait3A_423 : memref<5000xi32, #tpu.memory_space<hbm>>)
    %dma_start3A_426 = arith.constant 0 : i32
    %dma_start3A_427 = tpu.memref_slice %arg13[%dma_start3A_426] : memref<5008xi32, #tpu.memory_space<vmem>> -> memref<5000xi32, #tpu.memory_space<vmem>>
    %dma_start3A_428 = tpu.memref_slice %arg8[%add3A_419] : memref<800000xi32, #tpu.memory_space<hbm>> -> memref<5000xi32, #tpu.memory_space<hbm>>
    %dma_start3A_429 = arith.constant 0 : i32
    %dma_start3A_430 = tpu.memref_slice %arg13[%dma_start3A_429] : memref<5008xi32, #tpu.memory_space<vmem>> -> memref<5000xi32, #tpu.memory_space<vmem>>
    %dma_start3A_431 = tpu.memref_slice %arg8[%add3A_419] : memref<800000xi32, #tpu.memory_space<hbm>> -> memref<5000xi32, #tpu.memory_space<hbm>>
    tpu.enqueue_dma source(%dma_start3A_431 : memref<5000xi32, #tpu.memory_space<hbm>>) target(%dma_start3A_430 : memref<5000xi32, #tpu.memory_space<vmem>>) target_semaphore(%arg23 : memref<!tpu.dma_semaphore, #tpu.memory_space<semaphore_mem>>)
    %dma_start3A_432 = arith.constant 0 : i32
    %dma_start3A_433 = tpu.memref_slice %arg15[%dma_start3A_432] : memref<5008xi32, #tpu.memory_space<vmem>> -> memref<5000xi32, #tpu.memory_space<vmem>>
    %dma_start3A_434 = tpu.memref_slice %arg9[%add3A_419] : memref<800000xi32, #tpu.memory_space<hbm>> -> memref<5000xi32, #tpu.memory_space<hbm>>
    %dma_start3A_435 = arith.constant 0 : i32
    %dma_start3A_436 = tpu.memref_slice %arg15[%dma_start3A_435] : memref<5008xi32, #tpu.memory_space<vmem>> -> memref<5000xi32, #tpu.memory_space<vmem>>
    %dma_start3A_437 = tpu.memref_slice %arg9[%add3A_419] : memref<800000xi32, #tpu.memory_space<hbm>> -> memref<5000xi32, #tpu.memory_space<hbm>>
    tpu.enqueue_dma source(%dma_start3A_437 : memref<5000xi32, #tpu.memory_space<hbm>>) target(%dma_start3A_436 : memref<5000xi32, #tpu.memory_space<vmem>>) target_semaphore(%arg23 : memref<!tpu.dma_semaphore, #tpu.memory_space<semaphore_mem>>)
    %dma_start3A_438 = arith.constant 0 : i32
    %dma_start3A_439 = tpu.memref_slice %arg19[%dma_start3A_438] : memref<5008xi32, #tpu.memory_space<vmem>> -> memref<5000xi32, #tpu.memory_space<vmem>>
    %dma_start3A_440 = tpu.memref_slice %arg11[%add3A_419] : memref<800000xi32, #tpu.memory_space<hbm>> -> memref<5000xi32, #tpu.memory_space<hbm>>
    %dma_start3A_441 = arith.constant 0 : i32
    %dma_start3A_442 = tpu.memref_slice %arg19[%dma_start3A_441] : memref<5008xi32, #tpu.memory_space<vmem>> -> memref<5000xi32, #tpu.memory_space<vmem>>
    %dma_start3A_443 = tpu.memref_slice %arg11[%add3A_419] : memref<800000xi32, #tpu.memory_space<hbm>> -> memref<5000xi32, #tpu.memory_space<hbm>>
    tpu.enqueue_dma source(%dma_start3A_443 : memref<5000xi32, #tpu.memory_space<hbm>>) target(%dma_start3A_442 : memref<5000xi32, #tpu.memory_space<vmem>>) target_semaphore(%arg23 : memref<!tpu.dma_semaphore, #tpu.memory_space<semaphore_mem>>)
    %dma_wait3A_444 = arith.constant 0 : i32
    %dma_wait3A_445 = tpu.memref_slice %arg12[%dma_wait3A_444] : memref<5008xi32, #tpu.memory_space<vmem>> -> memref<5000xi32, #tpu.memory_space<vmem>>
    %dma_wait3A_446 = tpu.memref_slice %arg8[%add3A_356] : memref<800000xi32, #tpu.memory_space<hbm>> -> memref<5000xi32, #tpu.memory_space<hbm>>
    %dma_wait3A_447 = arith.constant 0 : i32
    %dma_wait3A_448 = tpu.memref_slice %arg12[%dma_wait3A_447] : memref<5008xi32, #tpu.memory_space<vmem>> -> memref<5000xi32, #tpu.memory_space<vmem>>
    %dma_wait3A_449 = tpu.memref_slice %arg8[%add3A_356] : memref<800000xi32, #tpu.memory_space<hbm>> -> memref<5000xi32, #tpu.memory_space<hbm>>
    tpu.wait_dma2 semaphore(%arg22 : memref<!tpu.dma_semaphore, #tpu.memory_space<semaphore_mem>>) src(%dma_wait3A_449 : memref<5000xi32, #tpu.memory_space<hbm>>) dst(%dma_wait3A_448 : memref<5000xi32, #tpu.memory_space<vmem>>)
    %dma_wait3A_450 = arith.constant 0 : i32
    %dma_wait3A_451 = tpu.memref_slice %arg14[%dma_wait3A_450] : memref<5008xi32, #tpu.memory_space<vmem>> -> memref<5000xi32, #tpu.memory_space<vmem>>
    %dma_wait3A_452 = tpu.memref_slice %arg9[%add3A_356] : memref<800000xi32, #tpu.memory_space<hbm>> -> memref<5000xi32, #tpu.memory_space<hbm>>
    %dma_wait3A_453 = arith.constant 0 : i32
    %dma_wait3A_454 = tpu.memref_slice %arg14[%dma_wait3A_453] : memref<5008xi32, #tpu.memory_space<vmem>> -> memref<5000xi32, #tpu.memory_space<vmem>>
    %dma_wait3A_455 = tpu.memref_slice %arg9[%add3A_356] : memref<800000xi32, #tpu.memory_space<hbm>> -> memref<5000xi32, #tpu.memory_space<hbm>>
    tpu.wait_dma2 semaphore(%arg22 : memref<!tpu.dma_semaphore, #tpu.memory_space<semaphore_mem>>) src(%dma_wait3A_455 : memref<5000xi32, #tpu.memory_space<hbm>>) dst(%dma_wait3A_454 : memref<5000xi32, #tpu.memory_space<vmem>>)
    %dma_wait3A_456 = arith.constant 0 : i32
    %dma_wait3A_457 = tpu.memref_slice %arg18[%dma_wait3A_456] : memref<5008xi32, #tpu.memory_space<vmem>> -> memref<5000xi32, #tpu.memory_space<vmem>>
    %dma_wait3A_458 = tpu.memref_slice %arg11[%add3A_356] : memref<800000xi32, #tpu.memory_space<hbm>> -> memref<5000xi32, #tpu.memory_space<hbm>>
    %dma_wait3A_459 = arith.constant 0 : i32
    %dma_wait3A_460 = tpu.memref_slice %arg18[%dma_wait3A_459] : memref<5008xi32, #tpu.memory_space<vmem>> -> memref<5000xi32, #tpu.memory_space<vmem>>
    %dma_wait3A_461 = tpu.memref_slice %arg11[%add3A_356] : memref<800000xi32, #tpu.memory_space<hbm>> -> memref<5000xi32, #tpu.memory_space<hbm>>
    tpu.wait_dma2 semaphore(%arg22 : memref<!tpu.dma_semaphore, #tpu.memory_space<semaphore_mem>>) src(%dma_wait3A_461 : memref<5000xi32, #tpu.memory_space<hbm>>) dst(%dma_wait3A_460 : memref<5000xi32, #tpu.memory_space<vmem>>)
    %while3A_462 = arith.constant 0 : i64
    %while3A_463 = arith.constant 0 : i32
    %while3A_464 = arith.constant 313 : i32
    %while3A_465 = arith.subi %while3A_464, %while3A_463 : i32
    %while3A_466 = arith.addi %while3A_463, %while3A_465 : i32
    %while3A_467 = arith.constant 1 : i32
    %while3A_468 = arith.divsi %while3A_465, %while3A_467 : i32
    %while3A_469 = arith.muli %while3A_468, %while3A_467 : i32
    %while3A_470 = arith.addi %while3A_463, %while3A_469 : i32
    %while3A_471 = arith.constant 1 : i32
    scf.for %while3A_914 = %while3A_463 to %while3A_470 step %while3A_471  : i32 {
      %mul3A_915 = arith.constant 16 : i32
      %mul3A_916 = arith.muli %while3A_914, %mul3A_915 : i32
      %get3A_917 = arith.index_cast %mul3A_916 : i32 to index
      %get3A_918 = tpu.vector_load %arg12[%get3A_917] {strides = array<i32>} : memref<5008xi32, #tpu.memory_space<vmem>>, vector<16xi32>,
      %gather3A = tpu.vector_load_idx %arg16[%get3A_918] : memref<50000xf32, #tpu.memory_space<vmem>>[vector<16xi32>], vector<16xf32>,
      %get3A_919 = arith.index_cast %mul3A_916 : i32 to index
      %get3A_920 = tpu.vector_load %arg14[%get3A_919] {strides = array<i32>} : memref<5008xi32, #tpu.memory_space<vmem>>, vector<16xi32>,
      %gather3A_921 = tpu.vector_load_idx %arg17[%get3A_920] : memref<50000xf32, #tpu.memory_space<vmem>>[vector<16xi32>], vector<16xf32>,
      %sub3A = arith.subf %gather3A, %gather3A_921 : vector<16xf32>
      %gt3A = arith.cmpf ogt, %sub3A, %get3A_295 : vector<16xf32>
      %select_n3A = arith.select %gt3A, %broadcast_in_dim3A_297, %broadcast_in_dim3A_3 : vector<16xi1>, vector<16xi32>
      %gt3A_922 = arith.cmpf ogt, %sub3A, %get3A_293 : vector<16xf32>
      %select_n3A_923 = arith.select %gt3A_922, %broadcast_in_dim3A_297, %broadcast_in_dim3A_3 : vector<16xi1>, vector<16xi32>
      %add3A_924 = arith.addi %select_n3A, %select_n3A_923 : vector<16xi32>
      %get3A_925 = arith.index_cast %mul3A_916 : i32 to index
      %get3A_926 = tpu.vector_load %arg18[%get3A_925] {strides = array<i32>} : memref<5008xi32, #tpu.memory_space<vmem>>, vector<16xi32>,
      %add3A_927 = arith.addi %add3A_924, %get3A_926 : vector<16xi32>
      %swap3A_928 = arith.index_cast %mul3A_916 : i32 to index
      %swap3A_929 = tpu.vector_load %arg18[%swap3A_928] {strides = array<i32>} : memref<5008xi32, #tpu.memory_space<vmem>>, vector<16xi32>,
      tpu.vector_store %arg18[%swap3A_928], %add3A_927 {strides = array<i32>} : memref<5008xi32, #tpu.memory_space<vmem>>, vector<16xi32>,
    }
    %while3A_472 = arith.constant 1 : i32
    scf.for %while3A_914 = %while3A_470 to %while3A_466 step %while3A_472  : i32 {
      %mul3A_915 = arith.constant 16 : i32
      %mul3A_916 = arith.muli %while3A_914, %mul3A_915 : i32
      %get3A_917 = arith.index_cast %mul3A_916 : i32 to index
      %get3A_918 = tpu.vector_load %arg12[%get3A_917] {strides = array<i32>} : memref<5008xi32, #tpu.memory_space<vmem>>, vector<16xi32>,
      %gather3A = tpu.vector_load_idx %arg16[%get3A_918] : memref<50000xf32, #tpu.memory_space<vmem>>[vector<16xi32>], vector<16xf32>,
      %get3A_919 = arith.index_cast %mul3A_916 : i32 to index
      %get3A_920 = tpu.vector_load %arg14[%get3A_919] {strides = array<i32>} : memref<5008xi32, #tpu.memory_space<vmem>>, vector<16xi32>,
      %gather3A_921 = tpu.vector_load_idx %arg17[%get3A_920] : memref<50000xf32, #tpu.memory_space<vmem>>[vector<16xi32>], vector<16xf32>,
      %sub3A = arith.subf %gather3A, %gather3A_921 : vector<16xf32>
      %gt3A = arith.cmpf ogt, %sub3A, %get3A_295 : vector<16xf32>
      %select_n3A = arith.select %gt3A, %broadcast_in_dim3A_297, %broadcast_in_dim3A_3 : vector<16xi1>, vector<16xi32>
      %gt3A_922 = arith.cmpf ogt, %sub3A, %get3A_293 : vector<16xf32>
      %select_n3A_923 = arith.select %gt3A_922, %broadcast_in_dim3A_297, %broadcast_in_dim3A_3 : vector<16xi1>, vector<16xi32>
      %add3A_924 = arith.addi %select_n3A, %select_n3A_923 : vector<16xi32>
      %get3A_925 = arith.index_cast %mul3A_916 : i32 to index
      %get3A_926 = tpu.vector_load %arg18[%get3A_925] {strides = array<i32>} : memref<5008xi32, #tpu.memory_space<vmem>>, vector<16xi32>,
      %add3A_927 = arith.addi %add3A_924, %get3A_926 : vector<16xi32>
      %swap3A_928 = arith.index_cast %mul3A_916 : i32 to index
      %swap3A_929 = tpu.vector_load %arg18[%swap3A_928] {strides = array<i32>} : memref<5008xi32, #tpu.memory_space<vmem>>, vector<16xi32>,
      tpu.vector_store %arg18[%swap3A_928], %add3A_927 {strides = array<i32>} : memref<5008xi32, #tpu.memory_space<vmem>>, vector<16xi32>,
    }
    %add3A_473 = arith.constant 10000 : i32
    %add3A_474 = arith.addi %mul3A_2, %add3A_473 : i32
    %dma_start3A_475 = arith.constant 0 : i32
    %dma_start3A_476 = tpu.memref_slice %arg18[%dma_start3A_475] : memref<5008xi32, #tpu.memory_space<vmem>> -> memref<5000xi32, #tpu.memory_space<vmem>>
    %dma_start3A_477 = tpu.memref_slice %arg11[%add3A_474] : memref<800000xi32, #tpu.memory_space<hbm>> -> memref<5000xi32, #tpu.memory_space<hbm>>
    %dma_start3A_478 = tpu.memref_slice %arg11[%add3A_474] : memref<800000xi32, #tpu.memory_space<hbm>> -> memref<5000xi32, #tpu.memory_space<hbm>>
    %dma_start3A_479 = arith.constant 0 : i32
    %dma_start3A_480 = tpu.memref_slice %arg18[%dma_start3A_479] : memref<5008xi32, #tpu.memory_space<vmem>> -> memref<5000xi32, #tpu.memory_space<vmem>>
    tpu.enqueue_dma source(%dma_start3A_480 : memref<5000xi32, #tpu.memory_space<vmem>>) target(%dma_start3A_478 : memref<5000xi32, #tpu.memory_space<hbm>>) target_semaphore(%arg24 : memref<!tpu.dma_semaphore, #tpu.memory_space<semaphore_mem>>)
    %add3A_481 = arith.constant 20000 : i32
    %add3A_482 = arith.addi %mul3A_2, %add3A_481 : i32
    %dma_wait3A_483 = arith.constant 0 : i32
    %dma_wait3A_484 = tpu.memref_slice %arg18[%dma_wait3A_483] : memref<5008xi32, #tpu.memory_space<vmem>> -> memref<5000xi32, #tpu.memory_space<vmem>>
    %dma_wait3A_485 = tpu.memref_slice %arg11[%add3A_474] : memref<800000xi32, #tpu.memory_space<hbm>> -> memref<5000xi32, #tpu.memory_space<hbm>>
    %dma_wait3A_486 = tpu.memref_slice %arg11[%add3A_474] : memref<800000xi32, #tpu.memory_space<hbm>> -> memref<5000xi32, #tpu.memory_space<hbm>>
    %dma_wait3A_487 = arith.constant 0 : i32
    %dma_wait3A_488 = tpu.memref_slice %arg18[%dma_wait3A_487] : memref<5008xi32, #tpu.memory_space<vmem>> -> memref<5000xi32, #tpu.memory_space<vmem>>
    tpu.wait_dma2 semaphore(%arg24 : memref<!tpu.dma_semaphore, #tpu.memory_space<semaphore_mem>>) src(%dma_wait3A_488 : memref<5000xi32, #tpu.memory_space<vmem>>) dst(%dma_wait3A_486 : memref<5000xi32, #tpu.memory_space<hbm>>)
    %dma_start3A_489 = arith.constant 0 : i32
    %dma_start3A_490 = tpu.memref_slice %arg12[%dma_start3A_489] : memref<5008xi32, #tpu.memory_space<vmem>> -> memref<5000xi32, #tpu.memory_space<vmem>>
    %dma_start3A_491 = tpu.memref_slice %arg8[%add3A_482] : memref<800000xi32, #tpu.memory_space<hbm>> -> memref<5000xi32, #tpu.memory_space<hbm>>
    %dma_start3A_492 = arith.constant 0 : i32
    %dma_start3A_493 = tpu.memref_slice %arg12[%dma_start3A_492] : memref<5008xi32, #tpu.memory_space<vmem>> -> memref<5000xi32, #tpu.memory_space<vmem>>
    %dma_start3A_494 = tpu.memref_slice %arg8[%add3A_482] : memref<800000xi32, #tpu.memory_space<hbm>> -> memref<5000xi32, #tpu.memory_space<hbm>>
    tpu.enqueue_dma source(%dma_start3A_494 : memref<5000xi32, #tpu.memory_space<hbm>>) target(%dma_start3A_493 : memref<5000xi32, #tpu.memory_space<vmem>>) target_semaphore(%arg22 : memref<!tpu.dma_semaphore, #tpu.memory_space<semaphore_mem>>)
    %dma_start3A_495 = arith.constant 0 : i32
    %dma_start3A_496 = tpu.memref_slice %arg14[%dma_start3A_495] : memref<5008xi32, #tpu.memory_space<vmem>> -> memref<5000xi32, #tpu.memory_space<vmem>>
    %dma_start3A_497 = tpu.memref_slice %arg9[%add3A_482] : memref<800000xi32, #tpu.memory_space<hbm>> -> memref<5000xi32, #tpu.memory_space<hbm>>
    %dma_start3A_498 = arith.constant 0 : i32
    %dma_start3A_499 = tpu.memref_slice %arg14[%dma_start3A_498] : memref<5008xi32, #tpu.memory_space<vmem>> -> memref<5000xi32, #tpu.memory_space<vmem>>
    %dma_start3A_500 = tpu.memref_slice %arg9[%add3A_482] : memref<800000xi32, #tpu.memory_space<hbm>> -> memref<5000xi32, #tpu.memory_space<hbm>>
    tpu.enqueue_dma source(%dma_start3A_500 : memref<5000xi32, #tpu.memory_space<hbm>>) target(%dma_start3A_499 : memref<5000xi32, #tpu.memory_space<vmem>>) target_semaphore(%arg22 : memref<!tpu.dma_semaphore, #tpu.memory_space<semaphore_mem>>)
    %dma_start3A_501 = arith.constant 0 : i32
    %dma_start3A_502 = tpu.memref_slice %arg18[%dma_start3A_501] : memref<5008xi32, #tpu.memory_space<vmem>> -> memref<5000xi32, #tpu.memory_space<vmem>>
    %dma_start3A_503 = tpu.memref_slice %arg11[%add3A_482] : memref<800000xi32, #tpu.memory_space<hbm>> -> memref<5000xi32, #tpu.memory_space<hbm>>
    %dma_start3A_504 = arith.constant 0 : i32
    %dma_start3A_505 = tpu.memref_slice %arg18[%dma_start3A_504] : memref<5008xi32, #tpu.memory_space<vmem>> -> memref<5000xi32, #tpu.memory_space<vmem>>
    %dma_start3A_506 = tpu.memref_slice %arg11[%add3A_482] : memref<800000xi32, #tpu.memory_space<hbm>> -> memref<5000xi32, #tpu.memory_space<hbm>>
    tpu.enqueue_dma source(%dma_start3A_506 : memref<5000xi32, #tpu.memory_space<hbm>>) target(%dma_start3A_505 : memref<5000xi32, #tpu.memory_space<vmem>>) target_semaphore(%arg22 : memref<!tpu.dma_semaphore, #tpu.memory_space<semaphore_mem>>)
    %dma_wait3A_507 = arith.constant 0 : i32
    %dma_wait3A_508 = tpu.memref_slice %arg13[%dma_wait3A_507] : memref<5008xi32, #tpu.memory_space<vmem>> -> memref<5000xi32, #tpu.memory_space<vmem>>
    %dma_wait3A_509 = tpu.memref_slice %arg8[%add3A_419] : memref<800000xi32, #tpu.memory_space<hbm>> -> memref<5000xi32, #tpu.memory_space<hbm>>
    %dma_wait3A_510 = arith.constant 0 : i32
    %dma_wait3A_511 = tpu.memref_slice %arg13[%dma_wait3A_510] : memref<5008xi32, #tpu.memory_space<vmem>> -> memref<5000xi32, #tpu.memory_space<vmem>>
    %dma_wait3A_512 = tpu.memref_slice %arg8[%add3A_419] : memref<800000xi32, #tpu.memory_space<hbm>> -> memref<5000xi32, #tpu.memory_space<hbm>>
    tpu.wait_dma2 semaphore(%arg23 : memref<!tpu.dma_semaphore, #tpu.memory_space<semaphore_mem>>) src(%dma_wait3A_512 : memref<5000xi32, #tpu.memory_space<hbm>>) dst(%dma_wait3A_511 : memref<5000xi32, #tpu.memory_space<vmem>>)
    %dma_wait3A_513 = arith.constant 0 : i32
    %dma_wait3A_514 = tpu.memref_slice %arg15[%dma_wait3A_513] : memref<5008xi32, #tpu.memory_space<vmem>> -> memref<5000xi32, #tpu.memory_space<vmem>>
    %dma_wait3A_515 = tpu.memref_slice %arg9[%add3A_419] : memref<800000xi32, #tpu.memory_space<hbm>> -> memref<5000xi32, #tpu.memory_space<hbm>>
    %dma_wait3A_516 = arith.constant 0 : i32
    %dma_wait3A_517 = tpu.memref_slice %arg15[%dma_wait3A_516] : memref<5008xi32, #tpu.memory_space<vmem>> -> memref<5000xi32, #tpu.memory_space<vmem>>
    %dma_wait3A_518 = tpu.memref_slice %arg9[%add3A_419] : memref<800000xi32, #tpu.memory_space<hbm>> -> memref<5000xi32, #tpu.memory_space<hbm>>
    tpu.wait_dma2 semaphore(%arg23 : memref<!tpu.dma_semaphore, #tpu.memory_space<semaphore_mem>>) src(%dma_wait3A_518 : memref<5000xi32, #tpu.memory_space<hbm>>) dst(%dma_wait3A_517 : memref<5000xi32, #tpu.memory_space<vmem>>)
    %dma_wait3A_519 = arith.constant 0 : i32
    %dma_wait3A_520 = tpu.memref_slice %arg19[%dma_wait3A_519] : memref<5008xi32, #tpu.memory_space<vmem>> -> memref<5000xi32, #tpu.memory_space<vmem>>
    %dma_wait3A_521 = tpu.memref_slice %arg11[%add3A_419] : memref<800000xi32, #tpu.memory_space<hbm>> -> memref<5000xi32, #tpu.memory_space<hbm>>
    %dma_wait3A_522 = arith.constant 0 : i32
    %dma_wait3A_523 = tpu.memref_slice %arg19[%dma_wait3A_522] : memref<5008xi32, #tpu.memory_space<vmem>> -> memref<5000xi32, #tpu.memory_space<vmem>>
    %dma_wait3A_524 = tpu.memref_slice %arg11[%add3A_419] : memref<800000xi32, #tpu.memory_space<hbm>> -> memref<5000xi32, #tpu.memory_space<hbm>>
    tpu.wait_dma2 semaphore(%arg23 : memref<!tpu.dma_semaphore, #tpu.memory_space<semaphore_mem>>) src(%dma_wait3A_524 : memref<5000xi32, #tpu.memory_space<hbm>>) dst(%dma_wait3A_523 : memref<5000xi32, #tpu.memory_space<vmem>>)
    %while3A_525 = arith.constant 0 : i64
    %while3A_526 = arith.constant 0 : i32
    %while3A_527 = arith.constant 313 : i32
    %while3A_528 = arith.subi %while3A_527, %while3A_526 : i32
    %while3A_529 = arith.addi %while3A_526, %while3A_528 : i32
    %while3A_530 = arith.constant 1 : i32
    %while3A_531 = arith.divsi %while3A_528, %while3A_530 : i32
    %while3A_532 = arith.muli %while3A_531, %while3A_530 : i32
    %while3A_533 = arith.addi %while3A_526, %while3A_532 : i32
    %while3A_534 = arith.constant 1 : i32
    scf.for %while3A_914 = %while3A_526 to %while3A_533 step %while3A_534  : i32 {
      %mul3A_915 = arith.constant 16 : i32
      %mul3A_916 = arith.muli %while3A_914, %mul3A_915 : i32
      %get3A_917 = arith.index_cast %mul3A_916 : i32 to index
      %get3A_918 = tpu.vector_load %arg13[%get3A_917] {strides = array<i32>} : memref<5008xi32, #tpu.memory_space<vmem>>, vector<16xi32>,
      %gather3A = tpu.vector_load_idx %arg16[%get3A_918] : memref<50000xf32, #tpu.memory_space<vmem>>[vector<16xi32>], vector<16xf32>,
      %get3A_919 = arith.index_cast %mul3A_916 : i32 to index
      %get3A_920 = tpu.vector_load %arg15[%get3A_919] {strides = array<i32>} : memref<5008xi32, #tpu.memory_space<vmem>>, vector<16xi32>,
      %gather3A_921 = tpu.vector_load_idx %arg17[%get3A_920] : memref<50000xf32, #tpu.memory_space<vmem>>[vector<16xi32>], vector<16xf32>,
      %sub3A = arith.subf %gather3A, %gather3A_921 : vector<16xf32>
      %gt3A = arith.cmpf ogt, %sub3A, %get3A_295 : vector<16xf32>
      %select_n3A = arith.select %gt3A, %broadcast_in_dim3A_297, %broadcast_in_dim3A_3 : vector<16xi1>, vector<16xi32>
      %gt3A_922 = arith.cmpf ogt, %sub3A, %get3A_293 : vector<16xf32>
      %select_n3A_923 = arith.select %gt3A_922, %broadcast_in_dim3A_297, %broadcast_in_dim3A_3 : vector<16xi1>, vector<16xi32>
      %add3A_924 = arith.addi %select_n3A, %select_n3A_923 : vector<16xi32>
      %get3A_925 = arith.index_cast %mul3A_916 : i32 to index
      %get3A_926 = tpu.vector_load %arg19[%get3A_925] {strides = array<i32>} : memref<5008xi32, #tpu.memory_space<vmem>>, vector<16xi32>,
      %add3A_927 = arith.addi %add3A_924, %get3A_926 : vector<16xi32>
      %swap3A_928 = arith.index_cast %mul3A_916 : i32 to index
      %swap3A_929 = tpu.vector_load %arg19[%swap3A_928] {strides = array<i32>} : memref<5008xi32, #tpu.memory_space<vmem>>, vector<16xi32>,
      tpu.vector_store %arg19[%swap3A_928], %add3A_927 {strides = array<i32>} : memref<5008xi32, #tpu.memory_space<vmem>>, vector<16xi32>,
    }
    %while3A_535 = arith.constant 1 : i32
    scf.for %while3A_914 = %while3A_533 to %while3A_529 step %while3A_535  : i32 {
      %mul3A_915 = arith.constant 16 : i32
      %mul3A_916 = arith.muli %while3A_914, %mul3A_915 : i32
      %get3A_917 = arith.index_cast %mul3A_916 : i32 to index
      %get3A_918 = tpu.vector_load %arg13[%get3A_917] {strides = array<i32>} : memref<5008xi32, #tpu.memory_space<vmem>>, vector<16xi32>,
      %gather3A = tpu.vector_load_idx %arg16[%get3A_918] : memref<50000xf32, #tpu.memory_space<vmem>>[vector<16xi32>], vector<16xf32>,
      %get3A_919 = arith.index_cast %mul3A_916 : i32 to index
      %get3A_920 = tpu.vector_load %arg15[%get3A_919] {strides = array<i32>} : memref<5008xi32, #tpu.memory_space<vmem>>, vector<16xi32>,
      %gather3A_921 = tpu.vector_load_idx %arg17[%get3A_920] : memref<50000xf32, #tpu.memory_space<vmem>>[vector<16xi32>], vector<16xf32>,
      %sub3A = arith.subf %gather3A, %gather3A_921 : vector<16xf32>
      %gt3A = arith.cmpf ogt, %sub3A, %get3A_295 : vector<16xf32>
      %select_n3A = arith.select %gt3A, %broadcast_in_dim3A_297, %broadcast_in_dim3A_3 : vector<16xi1>, vector<16xi32>
      %gt3A_922 = arith.cmpf ogt, %sub3A, %get3A_293 : vector<16xf32>
      %select_n3A_923 = arith.select %gt3A_922, %broadcast_in_dim3A_297, %broadcast_in_dim3A_3 : vector<16xi1>, vector<16xi32>
      %add3A_924 = arith.addi %select_n3A, %select_n3A_923 : vector<16xi32>
      %get3A_925 = arith.index_cast %mul3A_916 : i32 to index
      %get3A_926 = tpu.vector_load %arg19[%get3A_925] {strides = array<i32>} : memref<5008xi32, #tpu.memory_space<vmem>>, vector<16xi32>,
      %add3A_927 = arith.addi %add3A_924, %get3A_926 : vector<16xi32>
      %swap3A_928 = arith.index_cast %mul3A_916 : i32 to index
      %swap3A_929 = tpu.vector_load %arg19[%swap3A_928] {strides = array<i32>} : memref<5008xi32, #tpu.memory_space<vmem>>, vector<16xi32>,
      tpu.vector_store %arg19[%swap3A_928], %add3A_927 {strides = array<i32>} : memref<5008xi32, #tpu.memory_space<vmem>>, vector<16xi32>,
    }
    %add3A_536 = arith.constant 15000 : i32
    %add3A_537 = arith.addi %mul3A_2, %add3A_536 : i32
    %dma_start3A_538 = arith.constant 0 : i32
    %dma_start3A_539 = tpu.memref_slice %arg19[%dma_start3A_538] : memref<5008xi32, #tpu.memory_space<vmem>> -> memref<5000xi32, #tpu.memory_space<vmem>>
    %dma_start3A_540 = tpu.memref_slice %arg11[%add3A_537] : memref<800000xi32, #tpu.memory_space<hbm>> -> memref<5000xi32, #tpu.memory_space<hbm>>
    %dma_start3A_541 = tpu.memref_slice %arg11[%add3A_537] : memref<800000xi32, #tpu.memory_space<hbm>> -> memref<5000xi32, #tpu.memory_space<hbm>>
    %dma_start3A_542 = arith.constant 0 : i32
    %dma_start3A_543 = tpu.memref_slice %arg19[%dma_start3A_542] : memref<5008xi32, #tpu.memory_space<vmem>> -> memref<5000xi32, #tpu.memory_space<vmem>>
    tpu.enqueue_dma source(%dma_start3A_543 : memref<5000xi32, #tpu.memory_space<vmem>>) target(%dma_start3A_541 : memref<5000xi32, #tpu.memory_space<hbm>>) target_semaphore(%arg25 : memref<!tpu.dma_semaphore, #tpu.memory_space<semaphore_mem>>)
    %dma_wait3A_544 = arith.constant 0 : i32
    %dma_wait3A_545 = tpu.memref_slice %arg12[%dma_wait3A_544] : memref<5008xi32, #tpu.memory_space<vmem>> -> memref<5000xi32, #tpu.memory_space<vmem>>
    %dma_wait3A_546 = tpu.memref_slice %arg8[%add3A_482] : memref<800000xi32, #tpu.memory_space<hbm>> -> memref<5000xi32, #tpu.memory_space<hbm>>
    %dma_wait3A_547 = arith.constant 0 : i32
    %dma_wait3A_548 = tpu.memref_slice %arg12[%dma_wait3A_547] : memref<5008xi32, #tpu.memory_space<vmem>> -> memref<5000xi32, #tpu.memory_space<vmem>>
    %dma_wait3A_549 = tpu.memref_slice %arg8[%add3A_482] : memref<800000xi32, #tpu.memory_space<hbm>> -> memref<5000xi32, #tpu.memory_space<hbm>>
    tpu.wait_dma2 semaphore(%arg22 : memref<!tpu.dma_semaphore, #tpu.memory_space<semaphore_mem>>) src(%dma_wait3A_549 : memref<5000xi32, #tpu.memory_space<hbm>>) dst(%dma_wait3A_548 : memref<5000xi32, #tpu.memory_space<vmem>>)
    %dma_wait3A_550 = arith.constant 0 : i32
    %dma_wait3A_551 = tpu.memref_slice %arg14[%dma_wait3A_550] : memref<5008xi32, #tpu.memory_space<vmem>> -> memref<5000xi32, #tpu.memory_space<vmem>>
    %dma_wait3A_552 = tpu.memref_slice %arg9[%add3A_482] : memref<800000xi32, #tpu.memory_space<hbm>> -> memref<5000xi32, #tpu.memory_space<hbm>>
    %dma_wait3A_553 = arith.constant 0 : i32
    %dma_wait3A_554 = tpu.memref_slice %arg14[%dma_wait3A_553] : memref<5008xi32, #tpu.memory_space<vmem>> -> memref<5000xi32, #tpu.memory_space<vmem>>
    %dma_wait3A_555 = tpu.memref_slice %arg9[%add3A_482] : memref<800000xi32, #tpu.memory_space<hbm>> -> memref<5000xi32, #tpu.memory_space<hbm>>
    tpu.wait_dma2 semaphore(%arg22 : memref<!tpu.dma_semaphore, #tpu.memory_space<semaphore_mem>>) src(%dma_wait3A_555 : memref<5000xi32, #tpu.memory_space<hbm>>) dst(%dma_wait3A_554 : memref<5000xi32, #tpu.memory_space<vmem>>)
    %dma_wait3A_556 = arith.constant 0 : i32
    %dma_wait3A_557 = tpu.memref_slice %arg18[%dma_wait3A_556] : memref<5008xi32, #tpu.memory_space<vmem>> -> memref<5000xi32, #tpu.memory_space<vmem>>
    %dma_wait3A_558 = tpu.memref_slice %arg11[%add3A_482] : memref<800000xi32, #tpu.memory_space<hbm>> -> memref<5000xi32, #tpu.memory_space<hbm>>
    %dma_wait3A_559 = arith.constant 0 : i32
    %dma_wait3A_560 = tpu.memref_slice %arg18[%dma_wait3A_559] : memref<5008xi32, #tpu.memory_space<vmem>> -> memref<5000xi32, #tpu.memory_space<vmem>>
    %dma_wait3A_561 = tpu.memref_slice %arg11[%add3A_482] : memref<800000xi32, #tpu.memory_space<hbm>> -> memref<5000xi32, #tpu.memory_space<hbm>>
    tpu.wait_dma2 semaphore(%arg22 : memref<!tpu.dma_semaphore, #tpu.memory_space<semaphore_mem>>) src(%dma_wait3A_561 : memref<5000xi32, #tpu.memory_space<hbm>>) dst(%dma_wait3A_560 : memref<5000xi32, #tpu.memory_space<vmem>>)
    %while3A_562 = arith.constant 0 : i64
    %while3A_563 = arith.constant 0 : i32
    %while3A_564 = arith.constant 313 : i32
    %while3A_565 = arith.subi %while3A_564, %while3A_563 : i32
    %while3A_566 = arith.addi %while3A_563, %while3A_565 : i32
    %while3A_567 = arith.constant 1 : i32
    %while3A_568 = arith.divsi %while3A_565, %while3A_567 : i32
    %while3A_569 = arith.muli %while3A_568, %while3A_567 : i32
    %while3A_570 = arith.addi %while3A_563, %while3A_569 : i32
    %while3A_571 = arith.constant 1 : i32
    scf.for %while3A_914 = %while3A_563 to %while3A_570 step %while3A_571  : i32 {
      %mul3A_915 = arith.constant 16 : i32
      %mul3A_916 = arith.muli %while3A_914, %mul3A_915 : i32
      %get3A_917 = arith.index_cast %mul3A_916 : i32 to index
      %get3A_918 = tpu.vector_load %arg12[%get3A_917] {strides = array<i32>} : memref<5008xi32, #tpu.memory_space<vmem>>, vector<16xi32>,
      %gather3A = tpu.vector_load_idx %arg16[%get3A_918] : memref<50000xf32, #tpu.memory_space<vmem>>[vector<16xi32>], vector<16xf32>,
      %get3A_919 = arith.index_cast %mul3A_916 : i32 to index
      %get3A_920 = tpu.vector_load %arg14[%get3A_919] {strides = array<i32>} : memref<5008xi32, #tpu.memory_space<vmem>>, vector<16xi32>,
      %gather3A_921 = tpu.vector_load_idx %arg17[%get3A_920] : memref<50000xf32, #tpu.memory_space<vmem>>[vector<16xi32>], vector<16xf32>,
      %sub3A = arith.subf %gather3A, %gather3A_921 : vector<16xf32>
      %gt3A = arith.cmpf ogt, %sub3A, %get3A_295 : vector<16xf32>
      %select_n3A = arith.select %gt3A, %broadcast_in_dim3A_297, %broadcast_in_dim3A_3 : vector<16xi1>, vector<16xi32>
      %gt3A_922 = arith.cmpf ogt, %sub3A, %get3A_293 : vector<16xf32>
      %select_n3A_923 = arith.select %gt3A_922, %broadcast_in_dim3A_297, %broadcast_in_dim3A_3 : vector<16xi1>, vector<16xi32>
      %add3A_924 = arith.addi %select_n3A, %select_n3A_923 : vector<16xi32>
      %get3A_925 = arith.index_cast %mul3A_916 : i32 to index
      %get3A_926 = tpu.vector_load %arg18[%get3A_925] {strides = array<i32>} : memref<5008xi32, #tpu.memory_space<vmem>>, vector<16xi32>,
      %add3A_927 = arith.addi %add3A_924, %get3A_926 : vector<16xi32>
      %swap3A_928 = arith.index_cast %mul3A_916 : i32 to index
      %swap3A_929 = tpu.vector_load %arg18[%swap3A_928] {strides = array<i32>} : memref<5008xi32, #tpu.memory_space<vmem>>, vector<16xi32>,
      tpu.vector_store %arg18[%swap3A_928], %add3A_927 {strides = array<i32>} : memref<5008xi32, #tpu.memory_space<vmem>>, vector<16xi32>,
    }
    %while3A_572 = arith.constant 1 : i32
    scf.for %while3A_914 = %while3A_570 to %while3A_566 step %while3A_572  : i32 {
      %mul3A_915 = arith.constant 16 : i32
      %mul3A_916 = arith.muli %while3A_914, %mul3A_915 : i32
      %get3A_917 = arith.index_cast %mul3A_916 : i32 to index
      %get3A_918 = tpu.vector_load %arg12[%get3A_917] {strides = array<i32>} : memref<5008xi32, #tpu.memory_space<vmem>>, vector<16xi32>,
      %gather3A = tpu.vector_load_idx %arg16[%get3A_918] : memref<50000xf32, #tpu.memory_space<vmem>>[vector<16xi32>], vector<16xf32>,
      %get3A_919 = arith.index_cast %mul3A_916 : i32 to index
      %get3A_920 = tpu.vector_load %arg14[%get3A_919] {strides = array<i32>} : memref<5008xi32, #tpu.memory_space<vmem>>, vector<16xi32>,
      %gather3A_921 = tpu.vector_load_idx %arg17[%get3A_920] : memref<50000xf32, #tpu.memory_space<vmem>>[vector<16xi32>], vector<16xf32>,
      %sub3A = arith.subf %gather3A, %gather3A_921 : vector<16xf32>
      %gt3A = arith.cmpf ogt, %sub3A, %get3A_295 : vector<16xf32>
      %select_n3A = arith.select %gt3A, %broadcast_in_dim3A_297, %broadcast_in_dim3A_3 : vector<16xi1>, vector<16xi32>
      %gt3A_922 = arith.cmpf ogt, %sub3A, %get3A_293 : vector<16xf32>
      %select_n3A_923 = arith.select %gt3A_922, %broadcast_in_dim3A_297, %broadcast_in_dim3A_3 : vector<16xi1>, vector<16xi32>
      %add3A_924 = arith.addi %select_n3A, %select_n3A_923 : vector<16xi32>
      %get3A_925 = arith.index_cast %mul3A_916 : i32 to index
      %get3A_926 = tpu.vector_load %arg18[%get3A_925] {strides = array<i32>} : memref<5008xi32, #tpu.memory_space<vmem>>, vector<16xi32>,
      %add3A_927 = arith.addi %add3A_924, %get3A_926 : vector<16xi32>
      %swap3A_928 = arith.index_cast %mul3A_916 : i32 to index
      %swap3A_929 = tpu.vector_load %arg18[%swap3A_928] {strides = array<i32>} : memref<5008xi32, #tpu.memory_space<vmem>>, vector<16xi32>,
      tpu.vector_store %arg18[%swap3A_928], %add3A_927 {strides = array<i32>} : memref<5008xi32, #tpu.memory_space<vmem>>, vector<16xi32>,
    }
    %add3A_573 = arith.constant 20000 : i32
    %add3A_574 = arith.addi %mul3A_2, %add3A_573 : i32
    %dma_start3A_575 = arith.constant 0 : i32
    %dma_start3A_576 = tpu.memref_slice %arg18[%dma_start3A_575] : memref<5008xi32, #tpu.memory_space<vmem>> -> memref<5000xi32, #tpu.memory_space<vmem>>
    %dma_start3A_577 = tpu.memref_slice %arg11[%add3A_574] : memref<800000xi32, #tpu.memory_space<hbm>> -> memref<5000xi32, #tpu.memory_space<hbm>>
    %dma_start3A_578 = tpu.memref_slice %arg11[%add3A_574] : memref<800000xi32, #tpu.memory_space<hbm>> -> memref<5000xi32, #tpu.memory_space<hbm>>
    %dma_start3A_579 = arith.constant 0 : i32
    %dma_start3A_580 = tpu.memref_slice %arg18[%dma_start3A_579] : memref<5008xi32, #tpu.memory_space<vmem>> -> memref<5000xi32, #tpu.memory_space<vmem>>
    tpu.enqueue_dma source(%dma_start3A_580 : memref<5000xi32, #tpu.memory_space<vmem>>) target(%dma_start3A_578 : memref<5000xi32, #tpu.memory_space<hbm>>) target_semaphore(%arg24 : memref<!tpu.dma_semaphore, #tpu.memory_space<semaphore_mem>>)
    %dma_wait3A_581 = arith.constant 0 : i32
    %dma_wait3A_582 = tpu.memref_slice %arg19[%dma_wait3A_581] : memref<5008xi32, #tpu.memory_space<vmem>> -> memref<5000xi32, #tpu.memory_space<vmem>>
    %dma_wait3A_583 = tpu.memref_slice %arg11[%add3A_537] : memref<800000xi32, #tpu.memory_space<hbm>> -> memref<5000xi32, #tpu.memory_space<hbm>>
    %dma_wait3A_584 = tpu.memref_slice %arg11[%add3A_537] : memref<800000xi32, #tpu.memory_space<hbm>> -> memref<5000xi32, #tpu.memory_space<hbm>>
    %dma_wait3A_585 = arith.constant 0 : i32
    %dma_wait3A_586 = tpu.memref_slice %arg19[%dma_wait3A_585] : memref<5008xi32, #tpu.memory_space<vmem>> -> memref<5000xi32, #tpu.memory_space<vmem>>
    tpu.wait_dma2 semaphore(%arg25 : memref<!tpu.dma_semaphore, #tpu.memory_space<semaphore_mem>>) src(%dma_wait3A_586 : memref<5000xi32, #tpu.memory_space<vmem>>) dst(%dma_wait3A_584 : memref<5000xi32, #tpu.memory_space<hbm>>)
    %dma_wait3A_587 = arith.constant 0 : i32
    %dma_wait3A_588 = tpu.memref_slice %arg18[%dma_wait3A_587] : memref<5008xi32, #tpu.memory_space<vmem>> -> memref<5000xi32, #tpu.memory_space<vmem>>
    %dma_wait3A_589 = tpu.memref_slice %arg11[%add3A_574] : memref<800000xi32, #tpu.memory_space<hbm>> -> memref<5000xi32, #tpu.memory_space<hbm>>
    %dma_wait3A_590 = tpu.memref_slice %arg11[%add3A_574] : memref<800000xi32, #tpu.memory_space<hbm>> -> memref<5000xi32, #tpu.memory_space<hbm>>
    %dma_wait3A_591 = arith.constant 0 : i32
    %dma_wait3A_592 = tpu.memref_slice %arg18[%dma_wait3A_591] : memref<5008xi32, #tpu.memory_space<vmem>> -> memref<5000xi32, #tpu.memory_space<vmem>>
    tpu.wait_dma2 semaphore(%arg24 : memref<!tpu.dma_semaphore, #tpu.memory_space<semaphore_mem>>) src(%dma_wait3A_592 : memref<5000xi32, #tpu.memory_space<vmem>>) dst(%dma_wait3A_590 : memref<5000xi32, #tpu.memory_space<hbm>>)
    tpu.enqueue_dma source(%arg4 : memref<50000xf32, #tpu.memory_space<hbm>>) target(%arg16 : memref<50000xf32, #tpu.memory_space<vmem>>) target_semaphore(%arg21 : memref<!tpu.dma_semaphore, #tpu.memory_space<semaphore_mem>>)
    tpu.enqueue_dma source(%arg7 : memref<50000xf32, #tpu.memory_space<hbm>>) target(%arg17 : memref<50000xf32, #tpu.memory_space<vmem>>) target_semaphore(%arg21 : memref<!tpu.dma_semaphore, #tpu.memory_space<semaphore_mem>>)
    %add3A_593 = arith.constant 0 : i32
    %add3A_594 = arith.addi %mul3A_2, %add3A_593 : i32
    %dma_start3A_595 = arith.constant 0 : i32
    %dma_start3A_596 = tpu.memref_slice %arg12[%dma_start3A_595] : memref<5008xi32, #tpu.memory_space<vmem>> -> memref<5000xi32, #tpu.memory_space<vmem>>
    %dma_start3A_597 = tpu.memref_slice %arg8[%add3A_594] : memref<800000xi32, #tpu.memory_space<hbm>> -> memref<5000xi32, #tpu.memory_space<hbm>>
    %dma_start3A_598 = arith.constant 0 : i32
    %dma_start3A_599 = tpu.memref_slice %arg12[%dma_start3A_598] : memref<5008xi32, #tpu.memory_space<vmem>> -> memref<5000xi32, #tpu.memory_space<vmem>>
    %dma_start3A_600 = tpu.memref_slice %arg8[%add3A_594] : memref<800000xi32, #tpu.memory_space<hbm>> -> memref<5000xi32, #tpu.memory_space<hbm>>
    tpu.enqueue_dma source(%dma_start3A_600 : memref<5000xi32, #tpu.memory_space<hbm>>) target(%dma_start3A_599 : memref<5000xi32, #tpu.memory_space<vmem>>) target_semaphore(%arg22 : memref<!tpu.dma_semaphore, #tpu.memory_space<semaphore_mem>>)
    %dma_start3A_601 = arith.constant 0 : i32
    %dma_start3A_602 = tpu.memref_slice %arg14[%dma_start3A_601] : memref<5008xi32, #tpu.memory_space<vmem>> -> memref<5000xi32, #tpu.memory_space<vmem>>
    %dma_start3A_603 = tpu.memref_slice %arg9[%add3A_594] : memref<800000xi32, #tpu.memory_space<hbm>> -> memref<5000xi32, #tpu.memory_space<hbm>>
    %dma_start3A_604 = arith.constant 0 : i32
    %dma_start3A_605 = tpu.memref_slice %arg14[%dma_start3A_604] : memref<5008xi32, #tpu.memory_space<vmem>> -> memref<5000xi32, #tpu.memory_space<vmem>>
    %dma_start3A_606 = tpu.memref_slice %arg9[%add3A_594] : memref<800000xi32, #tpu.memory_space<hbm>> -> memref<5000xi32, #tpu.memory_space<hbm>>
    tpu.enqueue_dma source(%dma_start3A_606 : memref<5000xi32, #tpu.memory_space<hbm>>) target(%dma_start3A_605 : memref<5000xi32, #tpu.memory_space<vmem>>) target_semaphore(%arg22 : memref<!tpu.dma_semaphore, #tpu.memory_space<semaphore_mem>>)
    %dma_start3A_607 = arith.constant 0 : i32
    %dma_start3A_608 = tpu.memref_slice %arg18[%dma_start3A_607] : memref<5008xi32, #tpu.memory_space<vmem>> -> memref<5000xi32, #tpu.memory_space<vmem>>
    %dma_start3A_609 = tpu.memref_slice %arg11[%add3A_594] : memref<800000xi32, #tpu.memory_space<hbm>> -> memref<5000xi32, #tpu.memory_space<hbm>>
    %dma_start3A_610 = arith.constant 0 : i32
    %dma_start3A_611 = tpu.memref_slice %arg18[%dma_start3A_610] : memref<5008xi32, #tpu.memory_space<vmem>> -> memref<5000xi32, #tpu.memory_space<vmem>>
    %dma_start3A_612 = tpu.memref_slice %arg11[%add3A_594] : memref<800000xi32, #tpu.memory_space<hbm>> -> memref<5000xi32, #tpu.memory_space<hbm>>
    tpu.enqueue_dma source(%dma_start3A_612 : memref<5000xi32, #tpu.memory_space<hbm>>) target(%dma_start3A_611 : memref<5000xi32, #tpu.memory_space<vmem>>) target_semaphore(%arg22 : memref<!tpu.dma_semaphore, #tpu.memory_space<semaphore_mem>>)
    tpu.wait_dma2 semaphore(%arg21 : memref<!tpu.dma_semaphore, #tpu.memory_space<semaphore_mem>>) src(%arg4 : memref<50000xf32, #tpu.memory_space<hbm>>) dst(%arg16 : memref<50000xf32, #tpu.memory_space<vmem>>)
    tpu.wait_dma2 semaphore(%arg21 : memref<!tpu.dma_semaphore, #tpu.memory_space<semaphore_mem>>) src(%arg7 : memref<50000xf32, #tpu.memory_space<hbm>>) dst(%arg17 : memref<50000xf32, #tpu.memory_space<vmem>>)
    %get3A_613 = arith.constant 32 : index
    %get3A_614 = tpu.vector_load %arg20[%get3A_613] {strides = array<i32>} : memref<96xf32, #tpu.memory_space<vmem>>, vector<16xf32>,
    %get3A_615 = arith.constant 80 : index
    %get3A_616 = tpu.vector_load %arg20[%get3A_615] {strides = array<i32>} : memref<96xf32, #tpu.memory_space<vmem>>, vector<16xf32>,
    %broadcast_in_dim3A_617 = arith.constant 1 : i32
    %broadcast_in_dim3A_618 = vector.broadcast %broadcast_in_dim3A_617 : i32 to vector<16xi32>
    %add3A_619 = arith.constant 5000 : i32
    %add3A_620 = arith.addi %mul3A_2, %add3A_619 : i32
    %dma_start3A_621 = arith.constant 0 : i32
    %dma_start3A_622 = tpu.memref_slice %arg13[%dma_start3A_621] : memref<5008xi32, #tpu.memory_space<vmem>> -> memref<5000xi32, #tpu.memory_space<vmem>>
    %dma_start3A_623 = tpu.memref_slice %arg8[%add3A_620] : memref<800000xi32, #tpu.memory_space<hbm>> -> memref<5000xi32, #tpu.memory_space<hbm>>
    %dma_start3A_624 = arith.constant 0 : i32
    %dma_start3A_625 = tpu.memref_slice %arg13[%dma_start3A_624] : memref<5008xi32, #tpu.memory_space<vmem>> -> memref<5000xi32, #tpu.memory_space<vmem>>
    %dma_start3A_626 = tpu.memref_slice %arg8[%add3A_620] : memref<800000xi32, #tpu.memory_space<hbm>> -> memref<5000xi32, #tpu.memory_space<hbm>>
    tpu.enqueue_dma source(%dma_start3A_626 : memref<5000xi32, #tpu.memory_space<hbm>>) target(%dma_start3A_625 : memref<5000xi32, #tpu.memory_space<vmem>>) target_semaphore(%arg23 : memref<!tpu.dma_semaphore, #tpu.memory_space<semaphore_mem>>)
    %dma_start3A_627 = arith.constant 0 : i32
    %dma_start3A_628 = tpu.memref_slice %arg15[%dma_start3A_627] : memref<5008xi32, #tpu.memory_space<vmem>> -> memref<5000xi32, #tpu.memory_space<vmem>>
    %dma_start3A_629 = tpu.memref_slice %arg9[%add3A_620] : memref<800000xi32, #tpu.memory_space<hbm>> -> memref<5000xi32, #tpu.memory_space<hbm>>
    %dma_start3A_630 = arith.constant 0 : i32
    %dma_start3A_631 = tpu.memref_slice %arg15[%dma_start3A_630] : memref<5008xi32, #tpu.memory_space<vmem>> -> memref<5000xi32, #tpu.memory_space<vmem>>
    %dma_start3A_632 = tpu.memref_slice %arg9[%add3A_620] : memref<800000xi32, #tpu.memory_space<hbm>> -> memref<5000xi32, #tpu.memory_space<hbm>>
    tpu.enqueue_dma source(%dma_start3A_632 : memref<5000xi32, #tpu.memory_space<hbm>>) target(%dma_start3A_631 : memref<5000xi32, #tpu.memory_space<vmem>>) target_semaphore(%arg23 : memref<!tpu.dma_semaphore, #tpu.memory_space<semaphore_mem>>)
    %dma_start3A_633 = arith.constant 0 : i32
    %dma_start3A_634 = tpu.memref_slice %arg19[%dma_start3A_633] : memref<5008xi32, #tpu.memory_space<vmem>> -> memref<5000xi32, #tpu.memory_space<vmem>>
    %dma_start3A_635 = tpu.memref_slice %arg11[%add3A_620] : memref<800000xi32, #tpu.memory_space<hbm>> -> memref<5000xi32, #tpu.memory_space<hbm>>
    %dma_start3A_636 = arith.constant 0 : i32
    %dma_start3A_637 = tpu.memref_slice %arg19[%dma_start3A_636] : memref<5008xi32, #tpu.memory_space<vmem>> -> memref<5000xi32, #tpu.memory_space<vmem>>
    %dma_start3A_638 = tpu.memref_slice %arg11[%add3A_620] : memref<800000xi32, #tpu.memory_space<hbm>> -> memref<5000xi32, #tpu.memory_space<hbm>>
    tpu.enqueue_dma source(%dma_start3A_638 : memref<5000xi32, #tpu.memory_space<hbm>>) target(%dma_start3A_637 : memref<5000xi32, #tpu.memory_space<vmem>>) target_semaphore(%arg23 : memref<!tpu.dma_semaphore, #tpu.memory_space<semaphore_mem>>)
    %dma_wait3A_639 = arith.constant 0 : i32
    %dma_wait3A_640 = tpu.memref_slice %arg12[%dma_wait3A_639] : memref<5008xi32, #tpu.memory_space<vmem>> -> memref<5000xi32, #tpu.memory_space<vmem>>
    %dma_wait3A_641 = tpu.memref_slice %arg8[%add3A_594] : memref<800000xi32, #tpu.memory_space<hbm>> -> memref<5000xi32, #tpu.memory_space<hbm>>
    %dma_wait3A_642 = arith.constant 0 : i32
    %dma_wait3A_643 = tpu.memref_slice %arg12[%dma_wait3A_642] : memref<5008xi32, #tpu.memory_space<vmem>> -> memref<5000xi32, #tpu.memory_space<vmem>>
    %dma_wait3A_644 = tpu.memref_slice %arg8[%add3A_594] : memref<800000xi32, #tpu.memory_space<hbm>> -> memref<5000xi32, #tpu.memory_space<hbm>>
    tpu.wait_dma2 semaphore(%arg22 : memref<!tpu.dma_semaphore, #tpu.memory_space<semaphore_mem>>) src(%dma_wait3A_644 : memref<5000xi32, #tpu.memory_space<hbm>>) dst(%dma_wait3A_643 : memref<5000xi32, #tpu.memory_space<vmem>>)
    %dma_wait3A_645 = arith.constant 0 : i32
    %dma_wait3A_646 = tpu.memref_slice %arg14[%dma_wait3A_645] : memref<5008xi32, #tpu.memory_space<vmem>> -> memref<5000xi32, #tpu.memory_space<vmem>>
    %dma_wait3A_647 = tpu.memref_slice %arg9[%add3A_594] : memref<800000xi32, #tpu.memory_space<hbm>> -> memref<5000xi32, #tpu.memory_space<hbm>>
    %dma_wait3A_648 = arith.constant 0 : i32
    %dma_wait3A_649 = tpu.memref_slice %arg14[%dma_wait3A_648] : memref<5008xi32, #tpu.memory_space<vmem>> -> memref<5000xi32, #tpu.memory_space<vmem>>
    %dma_wait3A_650 = tpu.memref_slice %arg9[%add3A_594] : memref<800000xi32, #tpu.memory_space<hbm>> -> memref<5000xi32, #tpu.memory_space<hbm>>
    tpu.wait_dma2 semaphore(%arg22 : memref<!tpu.dma_semaphore, #tpu.memory_space<semaphore_mem>>) src(%dma_wait3A_650 : memref<5000xi32, #tpu.memory_space<hbm>>) dst(%dma_wait3A_649 : memref<5000xi32, #tpu.memory_space<vmem>>)
    %dma_wait3A_651 = arith.constant 0 : i32
    %dma_wait3A_652 = tpu.memref_slice %arg18[%dma_wait3A_651] : memref<5008xi32, #tpu.memory_space<vmem>> -> memref<5000xi32, #tpu.memory_space<vmem>>
    %dma_wait3A_653 = tpu.memref_slice %arg11[%add3A_594] : memref<800000xi32, #tpu.memory_space<hbm>> -> memref<5000xi32, #tpu.memory_space<hbm>>
    %dma_wait3A_654 = arith.constant 0 : i32
    %dma_wait3A_655 = tpu.memref_slice %arg18[%dma_wait3A_654] : memref<5008xi32, #tpu.memory_space<vmem>> -> memref<5000xi32, #tpu.memory_space<vmem>>
    %dma_wait3A_656 = tpu.memref_slice %arg11[%add3A_594] : memref<800000xi32, #tpu.memory_space<hbm>> -> memref<5000xi32, #tpu.memory_space<hbm>>
    tpu.wait_dma2 semaphore(%arg22 : memref<!tpu.dma_semaphore, #tpu.memory_space<semaphore_mem>>) src(%dma_wait3A_656 : memref<5000xi32, #tpu.memory_space<hbm>>) dst(%dma_wait3A_655 : memref<5000xi32, #tpu.memory_space<vmem>>)
    %while3A_657 = arith.constant 0 : i64
    %while3A_658 = arith.constant 0 : i32
    %while3A_659 = arith.constant 313 : i32
    %while3A_660 = arith.subi %while3A_659, %while3A_658 : i32
    %while3A_661 = arith.addi %while3A_658, %while3A_660 : i32
    %while3A_662 = arith.constant 1 : i32
    %while3A_663 = arith.divsi %while3A_660, %while3A_662 : i32
    %while3A_664 = arith.muli %while3A_663, %while3A_662 : i32
    %while3A_665 = arith.addi %while3A_658, %while3A_664 : i32
    %while3A_666 = arith.constant 1 : i32
    scf.for %while3A_914 = %while3A_658 to %while3A_665 step %while3A_666  : i32 {
      %mul3A_915 = arith.constant 16 : i32
      %mul3A_916 = arith.muli %while3A_914, %mul3A_915 : i32
      %get3A_917 = arith.index_cast %mul3A_916 : i32 to index
      %get3A_918 = tpu.vector_load %arg12[%get3A_917] {strides = array<i32>} : memref<5008xi32, #tpu.memory_space<vmem>>, vector<16xi32>,
      %gather3A = tpu.vector_load_idx %arg16[%get3A_918] : memref<50000xf32, #tpu.memory_space<vmem>>[vector<16xi32>], vector<16xf32>,
      %get3A_919 = arith.index_cast %mul3A_916 : i32 to index
      %get3A_920 = tpu.vector_load %arg14[%get3A_919] {strides = array<i32>} : memref<5008xi32, #tpu.memory_space<vmem>>, vector<16xi32>,
      %gather3A_921 = tpu.vector_load_idx %arg17[%get3A_920] : memref<50000xf32, #tpu.memory_space<vmem>>[vector<16xi32>], vector<16xf32>,
      %sub3A = arith.subf %gather3A, %gather3A_921 : vector<16xf32>
      %gt3A = arith.cmpf ogt, %sub3A, %get3A_616 : vector<16xf32>
      %select_n3A = arith.select %gt3A, %broadcast_in_dim3A_618, %broadcast_in_dim3A_3 : vector<16xi1>, vector<16xi32>
      %gt3A_922 = arith.cmpf ogt, %sub3A, %get3A_614 : vector<16xf32>
      %select_n3A_923 = arith.select %gt3A_922, %broadcast_in_dim3A_618, %broadcast_in_dim3A_3 : vector<16xi1>, vector<16xi32>
      %add3A_924 = arith.addi %select_n3A, %select_n3A_923 : vector<16xi32>
      %get3A_925 = arith.index_cast %mul3A_916 : i32 to index
      %get3A_926 = tpu.vector_load %arg18[%get3A_925] {strides = array<i32>} : memref<5008xi32, #tpu.memory_space<vmem>>, vector<16xi32>,
      %add3A_927 = arith.addi %add3A_924, %get3A_926 : vector<16xi32>
      %swap3A_928 = arith.index_cast %mul3A_916 : i32 to index
      %swap3A_929 = tpu.vector_load %arg18[%swap3A_928] {strides = array<i32>} : memref<5008xi32, #tpu.memory_space<vmem>>, vector<16xi32>,
      tpu.vector_store %arg18[%swap3A_928], %add3A_927 {strides = array<i32>} : memref<5008xi32, #tpu.memory_space<vmem>>, vector<16xi32>,
    }
    %while3A_667 = arith.constant 1 : i32
    scf.for %while3A_914 = %while3A_665 to %while3A_661 step %while3A_667  : i32 {
      %mul3A_915 = arith.constant 16 : i32
      %mul3A_916 = arith.muli %while3A_914, %mul3A_915 : i32
      %get3A_917 = arith.index_cast %mul3A_916 : i32 to index
      %get3A_918 = tpu.vector_load %arg12[%get3A_917] {strides = array<i32>} : memref<5008xi32, #tpu.memory_space<vmem>>, vector<16xi32>,
      %gather3A = tpu.vector_load_idx %arg16[%get3A_918] : memref<50000xf32, #tpu.memory_space<vmem>>[vector<16xi32>], vector<16xf32>,
      %get3A_919 = arith.index_cast %mul3A_916 : i32 to index
      %get3A_920 = tpu.vector_load %arg14[%get3A_919] {strides = array<i32>} : memref<5008xi32, #tpu.memory_space<vmem>>, vector<16xi32>,
      %gather3A_921 = tpu.vector_load_idx %arg17[%get3A_920] : memref<50000xf32, #tpu.memory_space<vmem>>[vector<16xi32>], vector<16xf32>,
      %sub3A = arith.subf %gather3A, %gather3A_921 : vector<16xf32>
      %gt3A = arith.cmpf ogt, %sub3A, %get3A_616 : vector<16xf32>
      %select_n3A = arith.select %gt3A, %broadcast_in_dim3A_618, %broadcast_in_dim3A_3 : vector<16xi1>, vector<16xi32>
      %gt3A_922 = arith.cmpf ogt, %sub3A, %get3A_614 : vector<16xf32>
      %select_n3A_923 = arith.select %gt3A_922, %broadcast_in_dim3A_618, %broadcast_in_dim3A_3 : vector<16xi1>, vector<16xi32>
      %add3A_924 = arith.addi %select_n3A, %select_n3A_923 : vector<16xi32>
      %get3A_925 = arith.index_cast %mul3A_916 : i32 to index
      %get3A_926 = tpu.vector_load %arg18[%get3A_925] {strides = array<i32>} : memref<5008xi32, #tpu.memory_space<vmem>>, vector<16xi32>,
      %add3A_927 = arith.addi %add3A_924, %get3A_926 : vector<16xi32>
      %swap3A_928 = arith.index_cast %mul3A_916 : i32 to index
      %swap3A_929 = tpu.vector_load %arg18[%swap3A_928] {strides = array<i32>} : memref<5008xi32, #tpu.memory_space<vmem>>, vector<16xi32>,
      tpu.vector_store %arg18[%swap3A_928], %add3A_927 {strides = array<i32>} : memref<5008xi32, #tpu.memory_space<vmem>>, vector<16xi32>,
    }
    %add3A_668 = arith.constant 0 : i32
    %add3A_669 = arith.addi %mul3A_2, %add3A_668 : i32
    %dma_start3A_670 = arith.constant 0 : i32
    %dma_start3A_671 = tpu.memref_slice %arg18[%dma_start3A_670] : memref<5008xi32, #tpu.memory_space<vmem>> -> memref<5000xi32, #tpu.memory_space<vmem>>
    %dma_start3A_672 = tpu.memref_slice %arg11[%add3A_669] : memref<800000xi32, #tpu.memory_space<hbm>> -> memref<5000xi32, #tpu.memory_space<hbm>>
    %dma_start3A_673 = tpu.memref_slice %arg11[%add3A_669] : memref<800000xi32, #tpu.memory_space<hbm>> -> memref<5000xi32, #tpu.memory_space<hbm>>
    %dma_start3A_674 = arith.constant 0 : i32
    %dma_start3A_675 = tpu.memref_slice %arg18[%dma_start3A_674] : memref<5008xi32, #tpu.memory_space<vmem>> -> memref<5000xi32, #tpu.memory_space<vmem>>
    tpu.enqueue_dma source(%dma_start3A_675 : memref<5000xi32, #tpu.memory_space<vmem>>) target(%dma_start3A_673 : memref<5000xi32, #tpu.memory_space<hbm>>) target_semaphore(%arg24 : memref<!tpu.dma_semaphore, #tpu.memory_space<semaphore_mem>>)
    %add3A_676 = arith.constant 10000 : i32
    %add3A_677 = arith.addi %mul3A_2, %add3A_676 : i32
    %dma_wait3A_678 = arith.constant 0 : i32
    %dma_wait3A_679 = tpu.memref_slice %arg18[%dma_wait3A_678] : memref<5008xi32, #tpu.memory_space<vmem>> -> memref<5000xi32, #tpu.memory_space<vmem>>
    %dma_wait3A_680 = tpu.memref_slice %arg11[%add3A_669] : memref<800000xi32, #tpu.memory_space<hbm>> -> memref<5000xi32, #tpu.memory_space<hbm>>
    %dma_wait3A_681 = tpu.memref_slice %arg11[%add3A_669] : memref<800000xi32, #tpu.memory_space<hbm>> -> memref<5000xi32, #tpu.memory_space<hbm>>
    %dma_wait3A_682 = arith.constant 0 : i32
    %dma_wait3A_683 = tpu.memref_slice %arg18[%dma_wait3A_682] : memref<5008xi32, #tpu.memory_space<vmem>> -> memref<5000xi32, #tpu.memory_space<vmem>>
    tpu.wait_dma2 semaphore(%arg24 : memref<!tpu.dma_semaphore, #tpu.memory_space<semaphore_mem>>) src(%dma_wait3A_683 : memref<5000xi32, #tpu.memory_space<vmem>>) dst(%dma_wait3A_681 : memref<5000xi32, #tpu.memory_space<hbm>>)
    %dma_start3A_684 = arith.constant 0 : i32
    %dma_start3A_685 = tpu.memref_slice %arg12[%dma_start3A_684] : memref<5008xi32, #tpu.memory_space<vmem>> -> memref<5000xi32, #tpu.memory_space<vmem>>
    %dma_start3A_686 = tpu.memref_slice %arg8[%add3A_677] : memref<800000xi32, #tpu.memory_space<hbm>> -> memref<5000xi32, #tpu.memory_space<hbm>>
    %dma_start3A_687 = arith.constant 0 : i32
    %dma_start3A_688 = tpu.memref_slice %arg12[%dma_start3A_687] : memref<5008xi32, #tpu.memory_space<vmem>> -> memref<5000xi32, #tpu.memory_space<vmem>>
    %dma_start3A_689 = tpu.memref_slice %arg8[%add3A_677] : memref<800000xi32, #tpu.memory_space<hbm>> -> memref<5000xi32, #tpu.memory_space<hbm>>
    tpu.enqueue_dma source(%dma_start3A_689 : memref<5000xi32, #tpu.memory_space<hbm>>) target(%dma_start3A_688 : memref<5000xi32, #tpu.memory_space<vmem>>) target_semaphore(%arg22 : memref<!tpu.dma_semaphore, #tpu.memory_space<semaphore_mem>>)
    %dma_start3A_690 = arith.constant 0 : i32
    %dma_start3A_691 = tpu.memref_slice %arg14[%dma_start3A_690] : memref<5008xi32, #tpu.memory_space<vmem>> -> memref<5000xi32, #tpu.memory_space<vmem>>
    %dma_start3A_692 = tpu.memref_slice %arg9[%add3A_677] : memref<800000xi32, #tpu.memory_space<hbm>> -> memref<5000xi32, #tpu.memory_space<hbm>>
    %dma_start3A_693 = arith.constant 0 : i32
    %dma_start3A_694 = tpu.memref_slice %arg14[%dma_start3A_693] : memref<5008xi32, #tpu.memory_space<vmem>> -> memref<5000xi32, #tpu.memory_space<vmem>>
    %dma_start3A_695 = tpu.memref_slice %arg9[%add3A_677] : memref<800000xi32, #tpu.memory_space<hbm>> -> memref<5000xi32, #tpu.memory_space<hbm>>
    tpu.enqueue_dma source(%dma_start3A_695 : memref<5000xi32, #tpu.memory_space<hbm>>) target(%dma_start3A_694 : memref<5000xi32, #tpu.memory_space<vmem>>) target_semaphore(%arg22 : memref<!tpu.dma_semaphore, #tpu.memory_space<semaphore_mem>>)
    %dma_start3A_696 = arith.constant 0 : i32
    %dma_start3A_697 = tpu.memref_slice %arg18[%dma_start3A_696] : memref<5008xi32, #tpu.memory_space<vmem>> -> memref<5000xi32, #tpu.memory_space<vmem>>
    %dma_start3A_698 = tpu.memref_slice %arg11[%add3A_677] : memref<800000xi32, #tpu.memory_space<hbm>> -> memref<5000xi32, #tpu.memory_space<hbm>>
    %dma_start3A_699 = arith.constant 0 : i32
    %dma_start3A_700 = tpu.memref_slice %arg18[%dma_start3A_699] : memref<5008xi32, #tpu.memory_space<vmem>> -> memref<5000xi32, #tpu.memory_space<vmem>>
    %dma_start3A_701 = tpu.memref_slice %arg11[%add3A_677] : memref<800000xi32, #tpu.memory_space<hbm>> -> memref<5000xi32, #tpu.memory_space<hbm>>
    tpu.enqueue_dma source(%dma_start3A_701 : memref<5000xi32, #tpu.memory_space<hbm>>) target(%dma_start3A_700 : memref<5000xi32, #tpu.memory_space<vmem>>) target_semaphore(%arg22 : memref<!tpu.dma_semaphore, #tpu.memory_space<semaphore_mem>>)
    %dma_wait3A_702 = arith.constant 0 : i32
    %dma_wait3A_703 = tpu.memref_slice %arg13[%dma_wait3A_702] : memref<5008xi32, #tpu.memory_space<vmem>> -> memref<5000xi32, #tpu.memory_space<vmem>>
    %dma_wait3A_704 = tpu.memref_slice %arg8[%add3A_620] : memref<800000xi32, #tpu.memory_space<hbm>> -> memref<5000xi32, #tpu.memory_space<hbm>>
    %dma_wait3A_705 = arith.constant 0 : i32
    %dma_wait3A_706 = tpu.memref_slice %arg13[%dma_wait3A_705] : memref<5008xi32, #tpu.memory_space<vmem>> -> memref<5000xi32, #tpu.memory_space<vmem>>
    %dma_wait3A_707 = tpu.memref_slice %arg8[%add3A_620] : memref<800000xi32, #tpu.memory_space<hbm>> -> memref<5000xi32, #tpu.memory_space<hbm>>
    tpu.wait_dma2 semaphore(%arg23 : memref<!tpu.dma_semaphore, #tpu.memory_space<semaphore_mem>>) src(%dma_wait3A_707 : memref<5000xi32, #tpu.memory_space<hbm>>) dst(%dma_wait3A_706 : memref<5000xi32, #tpu.memory_space<vmem>>)
    %dma_wait3A_708 = arith.constant 0 : i32
    %dma_wait3A_709 = tpu.memref_slice %arg15[%dma_wait3A_708] : memref<5008xi32, #tpu.memory_space<vmem>> -> memref<5000xi32, #tpu.memory_space<vmem>>
    %dma_wait3A_710 = tpu.memref_slice %arg9[%add3A_620] : memref<800000xi32, #tpu.memory_space<hbm>> -> memref<5000xi32, #tpu.memory_space<hbm>>
    %dma_wait3A_711 = arith.constant 0 : i32
    %dma_wait3A_712 = tpu.memref_slice %arg15[%dma_wait3A_711] : memref<5008xi32, #tpu.memory_space<vmem>> -> memref<5000xi32, #tpu.memory_space<vmem>>
    %dma_wait3A_713 = tpu.memref_slice %arg9[%add3A_620] : memref<800000xi32, #tpu.memory_space<hbm>> -> memref<5000xi32, #tpu.memory_space<hbm>>
    tpu.wait_dma2 semaphore(%arg23 : memref<!tpu.dma_semaphore, #tpu.memory_space<semaphore_mem>>) src(%dma_wait3A_713 : memref<5000xi32, #tpu.memory_space<hbm>>) dst(%dma_wait3A_712 : memref<5000xi32, #tpu.memory_space<vmem>>)
    %dma_wait3A_714 = arith.constant 0 : i32
    %dma_wait3A_715 = tpu.memref_slice %arg19[%dma_wait3A_714] : memref<5008xi32, #tpu.memory_space<vmem>> -> memref<5000xi32, #tpu.memory_space<vmem>>
    %dma_wait3A_716 = tpu.memref_slice %arg11[%add3A_620] : memref<800000xi32, #tpu.memory_space<hbm>> -> memref<5000xi32, #tpu.memory_space<hbm>>
    %dma_wait3A_717 = arith.constant 0 : i32
    %dma_wait3A_718 = tpu.memref_slice %arg19[%dma_wait3A_717] : memref<5008xi32, #tpu.memory_space<vmem>> -> memref<5000xi32, #tpu.memory_space<vmem>>
    %dma_wait3A_719 = tpu.memref_slice %arg11[%add3A_620] : memref<800000xi32, #tpu.memory_space<hbm>> -> memref<5000xi32, #tpu.memory_space<hbm>>
    tpu.wait_dma2 semaphore(%arg23 : memref<!tpu.dma_semaphore, #tpu.memory_space<semaphore_mem>>) src(%dma_wait3A_719 : memref<5000xi32, #tpu.memory_space<hbm>>) dst(%dma_wait3A_718 : memref<5000xi32, #tpu.memory_space<vmem>>)
    %while3A_720 = arith.constant 0 : i64
    %while3A_721 = arith.constant 0 : i32
    %while3A_722 = arith.constant 313 : i32
    %while3A_723 = arith.subi %while3A_722, %while3A_721 : i32
    %while3A_724 = arith.addi %while3A_721, %while3A_723 : i32
    %while3A_725 = arith.constant 1 : i32
    %while3A_726 = arith.divsi %while3A_723, %while3A_725 : i32
    %while3A_727 = arith.muli %while3A_726, %while3A_725 : i32
    %while3A_728 = arith.addi %while3A_721, %while3A_727 : i32
    %while3A_729 = arith.constant 1 : i32
    scf.for %while3A_914 = %while3A_721 to %while3A_728 step %while3A_729  : i32 {
      %mul3A_915 = arith.constant 16 : i32
      %mul3A_916 = arith.muli %while3A_914, %mul3A_915 : i32
      %get3A_917 = arith.index_cast %mul3A_916 : i32 to index
      %get3A_918 = tpu.vector_load %arg13[%get3A_917] {strides = array<i32>} : memref<5008xi32, #tpu.memory_space<vmem>>, vector<16xi32>,
      %gather3A = tpu.vector_load_idx %arg16[%get3A_918] : memref<50000xf32, #tpu.memory_space<vmem>>[vector<16xi32>], vector<16xf32>,
      %get3A_919 = arith.index_cast %mul3A_916 : i32 to index
      %get3A_920 = tpu.vector_load %arg15[%get3A_919] {strides = array<i32>} : memref<5008xi32, #tpu.memory_space<vmem>>, vector<16xi32>,
      %gather3A_921 = tpu.vector_load_idx %arg17[%get3A_920] : memref<50000xf32, #tpu.memory_space<vmem>>[vector<16xi32>], vector<16xf32>,
      %sub3A = arith.subf %gather3A, %gather3A_921 : vector<16xf32>
      %gt3A = arith.cmpf ogt, %sub3A, %get3A_616 : vector<16xf32>
      %select_n3A = arith.select %gt3A, %broadcast_in_dim3A_618, %broadcast_in_dim3A_3 : vector<16xi1>, vector<16xi32>
      %gt3A_922 = arith.cmpf ogt, %sub3A, %get3A_614 : vector<16xf32>
      %select_n3A_923 = arith.select %gt3A_922, %broadcast_in_dim3A_618, %broadcast_in_dim3A_3 : vector<16xi1>, vector<16xi32>
      %add3A_924 = arith.addi %select_n3A, %select_n3A_923 : vector<16xi32>
      %get3A_925 = arith.index_cast %mul3A_916 : i32 to index
      %get3A_926 = tpu.vector_load %arg19[%get3A_925] {strides = array<i32>} : memref<5008xi32, #tpu.memory_space<vmem>>, vector<16xi32>,
      %add3A_927 = arith.addi %add3A_924, %get3A_926 : vector<16xi32>
      %swap3A_928 = arith.index_cast %mul3A_916 : i32 to index
      %swap3A_929 = tpu.vector_load %arg19[%swap3A_928] {strides = array<i32>} : memref<5008xi32, #tpu.memory_space<vmem>>, vector<16xi32>,
      tpu.vector_store %arg19[%swap3A_928], %add3A_927 {strides = array<i32>} : memref<5008xi32, #tpu.memory_space<vmem>>, vector<16xi32>,
    }
    %while3A_730 = arith.constant 1 : i32
    scf.for %while3A_914 = %while3A_728 to %while3A_724 step %while3A_730  : i32 {
      %mul3A_915 = arith.constant 16 : i32
      %mul3A_916 = arith.muli %while3A_914, %mul3A_915 : i32
      %get3A_917 = arith.index_cast %mul3A_916 : i32 to index
      %get3A_918 = tpu.vector_load %arg13[%get3A_917] {strides = array<i32>} : memref<5008xi32, #tpu.memory_space<vmem>>, vector<16xi32>,
      %gather3A = tpu.vector_load_idx %arg16[%get3A_918] : memref<50000xf32, #tpu.memory_space<vmem>>[vector<16xi32>], vector<16xf32>,
      %get3A_919 = arith.index_cast %mul3A_916 : i32 to index
      %get3A_920 = tpu.vector_load %arg15[%get3A_919] {strides = array<i32>} : memref<5008xi32, #tpu.memory_space<vmem>>, vector<16xi32>,
      %gather3A_921 = tpu.vector_load_idx %arg17[%get3A_920] : memref<50000xf32, #tpu.memory_space<vmem>>[vector<16xi32>], vector<16xf32>,
      %sub3A = arith.subf %gather3A, %gather3A_921 : vector<16xf32>
      %gt3A = arith.cmpf ogt, %sub3A, %get3A_616 : vector<16xf32>
      %select_n3A = arith.select %gt3A, %broadcast_in_dim3A_618, %broadcast_in_dim3A_3 : vector<16xi1>, vector<16xi32>
      %gt3A_922 = arith.cmpf ogt, %sub3A, %get3A_614 : vector<16xf32>
      %select_n3A_923 = arith.select %gt3A_922, %broadcast_in_dim3A_618, %broadcast_in_dim3A_3 : vector<16xi1>, vector<16xi32>
      %add3A_924 = arith.addi %select_n3A, %select_n3A_923 : vector<16xi32>
      %get3A_925 = arith.index_cast %mul3A_916 : i32 to index
      %get3A_926 = tpu.vector_load %arg19[%get3A_925] {strides = array<i32>} : memref<5008xi32, #tpu.memory_space<vmem>>, vector<16xi32>,
      %add3A_927 = arith.addi %add3A_924, %get3A_926 : vector<16xi32>
      %swap3A_928 = arith.index_cast %mul3A_916 : i32 to index
      %swap3A_929 = tpu.vector_load %arg19[%swap3A_928] {strides = array<i32>} : memref<5008xi32, #tpu.memory_space<vmem>>, vector<16xi32>,
      tpu.vector_store %arg19[%swap3A_928], %add3A_927 {strides = array<i32>} : memref<5008xi32, #tpu.memory_space<vmem>>, vector<16xi32>,
    }
    %add3A_731 = arith.constant 5000 : i32
    %add3A_732 = arith.addi %mul3A_2, %add3A_731 : i32
    %dma_start3A_733 = arith.constant 0 : i32
    %dma_start3A_734 = tpu.memref_slice %arg19[%dma_start3A_733] : memref<5008xi32, #tpu.memory_space<vmem>> -> memref<5000xi32, #tpu.memory_space<vmem>>
    %dma_start3A_735 = tpu.memref_slice %arg11[%add3A_732] : memref<800000xi32, #tpu.memory_space<hbm>> -> memref<5000xi32, #tpu.memory_space<hbm>>
    %dma_start3A_736 = tpu.memref_slice %arg11[%add3A_732] : memref<800000xi32, #tpu.memory_space<hbm>> -> memref<5000xi32, #tpu.memory_space<hbm>>
    %dma_start3A_737 = arith.constant 0 : i32
    %dma_start3A_738 = tpu.memref_slice %arg19[%dma_start3A_737] : memref<5008xi32, #tpu.memory_space<vmem>> -> memref<5000xi32, #tpu.memory_space<vmem>>
    tpu.enqueue_dma source(%dma_start3A_738 : memref<5000xi32, #tpu.memory_space<vmem>>) target(%dma_start3A_736 : memref<5000xi32, #tpu.memory_space<hbm>>) target_semaphore(%arg25 : memref<!tpu.dma_semaphore, #tpu.memory_space<semaphore_mem>>)
    %add3A_739 = arith.constant 15000 : i32
    %add3A_740 = arith.addi %mul3A_2, %add3A_739 : i32
    %dma_wait3A_741 = arith.constant 0 : i32
    %dma_wait3A_742 = tpu.memref_slice %arg19[%dma_wait3A_741] : memref<5008xi32, #tpu.memory_space<vmem>> -> memref<5000xi32, #tpu.memory_space<vmem>>
    %dma_wait3A_743 = tpu.memref_slice %arg11[%add3A_732] : memref<800000xi32, #tpu.memory_space<hbm>> -> memref<5000xi32, #tpu.memory_space<hbm>>
    %dma_wait3A_744 = tpu.memref_slice %arg11[%add3A_732] : memref<800000xi32, #tpu.memory_space<hbm>> -> memref<5000xi32, #tpu.memory_space<hbm>>
    %dma_wait3A_745 = arith.constant 0 : i32
    %dma_wait3A_746 = tpu.memref_slice %arg19[%dma_wait3A_745] : memref<5008xi32, #tpu.memory_space<vmem>> -> memref<5000xi32, #tpu.memory_space<vmem>>
    tpu.wait_dma2 semaphore(%arg25 : memref<!tpu.dma_semaphore, #tpu.memory_space<semaphore_mem>>) src(%dma_wait3A_746 : memref<5000xi32, #tpu.memory_space<vmem>>) dst(%dma_wait3A_744 : memref<5000xi32, #tpu.memory_space<hbm>>)
    %dma_start3A_747 = arith.constant 0 : i32
    %dma_start3A_748 = tpu.memref_slice %arg13[%dma_start3A_747] : memref<5008xi32, #tpu.memory_space<vmem>> -> memref<5000xi32, #tpu.memory_space<vmem>>
    %dma_start3A_749 = tpu.memref_slice %arg8[%add3A_740] : memref<800000xi32, #tpu.memory_space<hbm>> -> memref<5000xi32, #tpu.memory_space<hbm>>
    %dma_start3A_750 = arith.constant 0 : i32
    %dma_start3A_751 = tpu.memref_slice %arg13[%dma_start3A_750] : memref<5008xi32, #tpu.memory_space<vmem>> -> memref<5000xi32, #tpu.memory_space<vmem>>
    %dma_start3A_752 = tpu.memref_slice %arg8[%add3A_740] : memref<800000xi32, #tpu.memory_space<hbm>> -> memref<5000xi32, #tpu.memory_space<hbm>>
    tpu.enqueue_dma source(%dma_start3A_752 : memref<5000xi32, #tpu.memory_space<hbm>>) target(%dma_start3A_751 : memref<5000xi32, #tpu.memory_space<vmem>>) target_semaphore(%arg23 : memref<!tpu.dma_semaphore, #tpu.memory_space<semaphore_mem>>)
    %dma_start3A_753 = arith.constant 0 : i32
    %dma_start3A_754 = tpu.memref_slice %arg15[%dma_start3A_753] : memref<5008xi32, #tpu.memory_space<vmem>> -> memref<5000xi32, #tpu.memory_space<vmem>>
    %dma_start3A_755 = tpu.memref_slice %arg9[%add3A_740] : memref<800000xi32, #tpu.memory_space<hbm>> -> memref<5000xi32, #tpu.memory_space<hbm>>
    %dma_start3A_756 = arith.constant 0 : i32
    %dma_start3A_757 = tpu.memref_slice %arg15[%dma_start3A_756] : memref<5008xi32, #tpu.memory_space<vmem>> -> memref<5000xi32, #tpu.memory_space<vmem>>
    %dma_start3A_758 = tpu.memref_slice %arg9[%add3A_740] : memref<800000xi32, #tpu.memory_space<hbm>> -> memref<5000xi32, #tpu.memory_space<hbm>>
    tpu.enqueue_dma source(%dma_start3A_758 : memref<5000xi32, #tpu.memory_space<hbm>>) target(%dma_start3A_757 : memref<5000xi32, #tpu.memory_space<vmem>>) target_semaphore(%arg23 : memref<!tpu.dma_semaphore, #tpu.memory_space<semaphore_mem>>)
    %dma_start3A_759 = arith.constant 0 : i32
    %dma_start3A_760 = tpu.memref_slice %arg19[%dma_start3A_759] : memref<5008xi32, #tpu.memory_space<vmem>> -> memref<5000xi32, #tpu.memory_space<vmem>>
    %dma_start3A_761 = tpu.memref_slice %arg11[%add3A_740] : memref<800000xi32, #tpu.memory_space<hbm>> -> memref<5000xi32, #tpu.memory_space<hbm>>
    %dma_start3A_762 = arith.constant 0 : i32
    %dma_start3A_763 = tpu.memref_slice %arg19[%dma_start3A_762] : memref<5008xi32, #tpu.memory_space<vmem>> -> memref<5000xi32, #tpu.memory_space<vmem>>
    %dma_start3A_764 = tpu.memref_slice %arg11[%add3A_740] : memref<800000xi32, #tpu.memory_space<hbm>> -> memref<5000xi32, #tpu.memory_space<hbm>>
    tpu.enqueue_dma source(%dma_start3A_764 : memref<5000xi32, #tpu.memory_space<hbm>>) target(%dma_start3A_763 : memref<5000xi32, #tpu.memory_space<vmem>>) target_semaphore(%arg23 : memref<!tpu.dma_semaphore, #tpu.memory_space<semaphore_mem>>)
    %dma_wait3A_765 = arith.constant 0 : i32
    %dma_wait3A_766 = tpu.memref_slice %arg12[%dma_wait3A_765] : memref<5008xi32, #tpu.memory_space<vmem>> -> memref<5000xi32, #tpu.memory_space<vmem>>
    %dma_wait3A_767 = tpu.memref_slice %arg8[%add3A_677] : memref<800000xi32, #tpu.memory_space<hbm>> -> memref<5000xi32, #tpu.memory_space<hbm>>
    %dma_wait3A_768 = arith.constant 0 : i32
    %dma_wait3A_769 = tpu.memref_slice %arg12[%dma_wait3A_768] : memref<5008xi32, #tpu.memory_space<vmem>> -> memref<5000xi32, #tpu.memory_space<vmem>>
    %dma_wait3A_770 = tpu.memref_slice %arg8[%add3A_677] : memref<800000xi32, #tpu.memory_space<hbm>> -> memref<5000xi32, #tpu.memory_space<hbm>>
    tpu.wait_dma2 semaphore(%arg22 : memref<!tpu.dma_semaphore, #tpu.memory_space<semaphore_mem>>) src(%dma_wait3A_770 : memref<5000xi32, #tpu.memory_space<hbm>>) dst(%dma_wait3A_769 : memref<5000xi32, #tpu.memory_space<vmem>>)
    %dma_wait3A_771 = arith.constant 0 : i32
    %dma_wait3A_772 = tpu.memref_slice %arg14[%dma_wait3A_771] : memref<5008xi32, #tpu.memory_space<vmem>> -> memref<5000xi32, #tpu.memory_space<vmem>>
    %dma_wait3A_773 = tpu.memref_slice %arg9[%add3A_677] : memref<800000xi32, #tpu.memory_space<hbm>> -> memref<5000xi32, #tpu.memory_space<hbm>>
    %dma_wait3A_774 = arith.constant 0 : i32
    %dma_wait3A_775 = tpu.memref_slice %arg14[%dma_wait3A_774] : memref<5008xi32, #tpu.memory_space<vmem>> -> memref<5000xi32, #tpu.memory_space<vmem>>
    %dma_wait3A_776 = tpu.memref_slice %arg9[%add3A_677] : memref<800000xi32, #tpu.memory_space<hbm>> -> memref<5000xi32, #tpu.memory_space<hbm>>
    tpu.wait_dma2 semaphore(%arg22 : memref<!tpu.dma_semaphore, #tpu.memory_space<semaphore_mem>>) src(%dma_wait3A_776 : memref<5000xi32, #tpu.memory_space<hbm>>) dst(%dma_wait3A_775 : memref<5000xi32, #tpu.memory_space<vmem>>)
    %dma_wait3A_777 = arith.constant 0 : i32
    %dma_wait3A_778 = tpu.memref_slice %arg18[%dma_wait3A_777] : memref<5008xi32, #tpu.memory_space<vmem>> -> memref<5000xi32, #tpu.memory_space<vmem>>
    %dma_wait3A_779 = tpu.memref_slice %arg11[%add3A_677] : memref<800000xi32, #tpu.memory_space<hbm>> -> memref<5000xi32, #tpu.memory_space<hbm>>
    %dma_wait3A_780 = arith.constant 0 : i32
    %dma_wait3A_781 = tpu.memref_slice %arg18[%dma_wait3A_780] : memref<5008xi32, #tpu.memory_space<vmem>> -> memref<5000xi32, #tpu.memory_space<vmem>>
    %dma_wait3A_782 = tpu.memref_slice %arg11[%add3A_677] : memref<800000xi32, #tpu.memory_space<hbm>> -> memref<5000xi32, #tpu.memory_space<hbm>>
    tpu.wait_dma2 semaphore(%arg22 : memref<!tpu.dma_semaphore, #tpu.memory_space<semaphore_mem>>) src(%dma_wait3A_782 : memref<5000xi32, #tpu.memory_space<hbm>>) dst(%dma_wait3A_781 : memref<5000xi32, #tpu.memory_space<vmem>>)
    %while3A_783 = arith.constant 0 : i64
    %while3A_784 = arith.constant 0 : i32
    %while3A_785 = arith.constant 313 : i32
    %while3A_786 = arith.subi %while3A_785, %while3A_784 : i32
    %while3A_787 = arith.addi %while3A_784, %while3A_786 : i32
    %while3A_788 = arith.constant 1 : i32
    %while3A_789 = arith.divsi %while3A_786, %while3A_788 : i32
    %while3A_790 = arith.muli %while3A_789, %while3A_788 : i32
    %while3A_791 = arith.addi %while3A_784, %while3A_790 : i32
    %while3A_792 = arith.constant 1 : i32
    scf.for %while3A_914 = %while3A_784 to %while3A_791 step %while3A_792  : i32 {
      %mul3A_915 = arith.constant 16 : i32
      %mul3A_916 = arith.muli %while3A_914, %mul3A_915 : i32
      %get3A_917 = arith.index_cast %mul3A_916 : i32 to index
      %get3A_918 = tpu.vector_load %arg12[%get3A_917] {strides = array<i32>} : memref<5008xi32, #tpu.memory_space<vmem>>, vector<16xi32>,
      %gather3A = tpu.vector_load_idx %arg16[%get3A_918] : memref<50000xf32, #tpu.memory_space<vmem>>[vector<16xi32>], vector<16xf32>,
      %get3A_919 = arith.index_cast %mul3A_916 : i32 to index
      %get3A_920 = tpu.vector_load %arg14[%get3A_919] {strides = array<i32>} : memref<5008xi32, #tpu.memory_space<vmem>>, vector<16xi32>,
      %gather3A_921 = tpu.vector_load_idx %arg17[%get3A_920] : memref<50000xf32, #tpu.memory_space<vmem>>[vector<16xi32>], vector<16xf32>,
      %sub3A = arith.subf %gather3A, %gather3A_921 : vector<16xf32>
      %gt3A = arith.cmpf ogt, %sub3A, %get3A_616 : vector<16xf32>
      %select_n3A = arith.select %gt3A, %broadcast_in_dim3A_618, %broadcast_in_dim3A_3 : vector<16xi1>, vector<16xi32>
      %gt3A_922 = arith.cmpf ogt, %sub3A, %get3A_614 : vector<16xf32>
      %select_n3A_923 = arith.select %gt3A_922, %broadcast_in_dim3A_618, %broadcast_in_dim3A_3 : vector<16xi1>, vector<16xi32>
      %add3A_924 = arith.addi %select_n3A, %select_n3A_923 : vector<16xi32>
      %get3A_925 = arith.index_cast %mul3A_916 : i32 to index
      %get3A_926 = tpu.vector_load %arg18[%get3A_925] {strides = array<i32>} : memref<5008xi32, #tpu.memory_space<vmem>>, vector<16xi32>,
      %add3A_927 = arith.addi %add3A_924, %get3A_926 : vector<16xi32>
      %swap3A_928 = arith.index_cast %mul3A_916 : i32 to index
      %swap3A_929 = tpu.vector_load %arg18[%swap3A_928] {strides = array<i32>} : memref<5008xi32, #tpu.memory_space<vmem>>, vector<16xi32>,
      tpu.vector_store %arg18[%swap3A_928], %add3A_927 {strides = array<i32>} : memref<5008xi32, #tpu.memory_space<vmem>>, vector<16xi32>,
    }
    %while3A_793 = arith.constant 1 : i32
    scf.for %while3A_914 = %while3A_791 to %while3A_787 step %while3A_793  : i32 {
      %mul3A_915 = arith.constant 16 : i32
      %mul3A_916 = arith.muli %while3A_914, %mul3A_915 : i32
      %get3A_917 = arith.index_cast %mul3A_916 : i32 to index
      %get3A_918 = tpu.vector_load %arg12[%get3A_917] {strides = array<i32>} : memref<5008xi32, #tpu.memory_space<vmem>>, vector<16xi32>,
      %gather3A = tpu.vector_load_idx %arg16[%get3A_918] : memref<50000xf32, #tpu.memory_space<vmem>>[vector<16xi32>], vector<16xf32>,
      %get3A_919 = arith.index_cast %mul3A_916 : i32 to index
      %get3A_920 = tpu.vector_load %arg14[%get3A_919] {strides = array<i32>} : memref<5008xi32, #tpu.memory_space<vmem>>, vector<16xi32>,
      %gather3A_921 = tpu.vector_load_idx %arg17[%get3A_920] : memref<50000xf32, #tpu.memory_space<vmem>>[vector<16xi32>], vector<16xf32>,
      %sub3A = arith.subf %gather3A, %gather3A_921 : vector<16xf32>
      %gt3A = arith.cmpf ogt, %sub3A, %get3A_616 : vector<16xf32>
      %select_n3A = arith.select %gt3A, %broadcast_in_dim3A_618, %broadcast_in_dim3A_3 : vector<16xi1>, vector<16xi32>
      %gt3A_922 = arith.cmpf ogt, %sub3A, %get3A_614 : vector<16xf32>
      %select_n3A_923 = arith.select %gt3A_922, %broadcast_in_dim3A_618, %broadcast_in_dim3A_3 : vector<16xi1>, vector<16xi32>
      %add3A_924 = arith.addi %select_n3A, %select_n3A_923 : vector<16xi32>
      %get3A_925 = arith.index_cast %mul3A_916 : i32 to index
      %get3A_926 = tpu.vector_load %arg18[%get3A_925] {strides = array<i32>} : memref<5008xi32, #tpu.memory_space<vmem>>, vector<16xi32>,
      %add3A_927 = arith.addi %add3A_924, %get3A_926 : vector<16xi32>
      %swap3A_928 = arith.index_cast %mul3A_916 : i32 to index
      %swap3A_929 = tpu.vector_load %arg18[%swap3A_928] {strides = array<i32>} : memref<5008xi32, #tpu.memory_space<vmem>>, vector<16xi32>,
      tpu.vector_store %arg18[%swap3A_928], %add3A_927 {strides = array<i32>} : memref<5008xi32, #tpu.memory_space<vmem>>, vector<16xi32>,
    }
    %add3A_794 = arith.constant 10000 : i32
    %add3A_795 = arith.addi %mul3A_2, %add3A_794 : i32
    %dma_start3A_796 = arith.constant 0 : i32
    %dma_start3A_797 = tpu.memref_slice %arg18[%dma_start3A_796] : memref<5008xi32, #tpu.memory_space<vmem>> -> memref<5000xi32, #tpu.memory_space<vmem>>
    %dma_start3A_798 = tpu.memref_slice %arg11[%add3A_795] : memref<800000xi32, #tpu.memory_space<hbm>> -> memref<5000xi32, #tpu.memory_space<hbm>>
    %dma_start3A_799 = tpu.memref_slice %arg11[%add3A_795] : memref<800000xi32, #tpu.memory_space<hbm>> -> memref<5000xi32, #tpu.memory_space<hbm>>
    %dma_start3A_800 = arith.constant 0 : i32
    %dma_start3A_801 = tpu.memref_slice %arg18[%dma_start3A_800] : memref<5008xi32, #tpu.memory_space<vmem>> -> memref<5000xi32, #tpu.memory_space<vmem>>
    tpu.enqueue_dma source(%dma_start3A_801 : memref<5000xi32, #tpu.memory_space<vmem>>) target(%dma_start3A_799 : memref<5000xi32, #tpu.memory_space<hbm>>) target_semaphore(%arg24 : memref<!tpu.dma_semaphore, #tpu.memory_space<semaphore_mem>>)
    %add3A_802 = arith.constant 20000 : i32
    %add3A_803 = arith.addi %mul3A_2, %add3A_802 : i32
    %dma_wait3A_804 = arith.constant 0 : i32
    %dma_wait3A_805 = tpu.memref_slice %arg18[%dma_wait3A_804] : memref<5008xi32, #tpu.memory_space<vmem>> -> memref<5000xi32, #tpu.memory_space<vmem>>
    %dma_wait3A_806 = tpu.memref_slice %arg11[%add3A_795] : memref<800000xi32, #tpu.memory_space<hbm>> -> memref<5000xi32, #tpu.memory_space<hbm>>
    %dma_wait3A_807 = tpu.memref_slice %arg11[%add3A_795] : memref<800000xi32, #tpu.memory_space<hbm>> -> memref<5000xi32, #tpu.memory_space<hbm>>
    %dma_wait3A_808 = arith.constant 0 : i32
    %dma_wait3A_809 = tpu.memref_slice %arg18[%dma_wait3A_808] : memref<5008xi32, #tpu.memory_space<vmem>> -> memref<5000xi32, #tpu.memory_space<vmem>>
    tpu.wait_dma2 semaphore(%arg24 : memref<!tpu.dma_semaphore, #tpu.memory_space<semaphore_mem>>) src(%dma_wait3A_809 : memref<5000xi32, #tpu.memory_space<vmem>>) dst(%dma_wait3A_807 : memref<5000xi32, #tpu.memory_space<hbm>>)
    %dma_start3A_810 = arith.constant 0 : i32
    %dma_start3A_811 = tpu.memref_slice %arg12[%dma_start3A_810] : memref<5008xi32, #tpu.memory_space<vmem>> -> memref<5000xi32, #tpu.memory_space<vmem>>
    %dma_start3A_812 = tpu.memref_slice %arg8[%add3A_803] : memref<800000xi32, #tpu.memory_space<hbm>> -> memref<5000xi32, #tpu.memory_space<hbm>>
    %dma_start3A_813 = arith.constant 0 : i32
    %dma_start3A_814 = tpu.memref_slice %arg12[%dma_start3A_813] : memref<5008xi32, #tpu.memory_space<vmem>> -> memref<5000xi32, #tpu.memory_space<vmem>>
    %dma_start3A_815 = tpu.memref_slice %arg8[%add3A_803] : memref<800000xi32, #tpu.memory_space<hbm>> -> memref<5000xi32, #tpu.memory_space<hbm>>
    tpu.enqueue_dma source(%dma_start3A_815 : memref<5000xi32, #tpu.memory_space<hbm>>) target(%dma_start3A_814 : memref<5000xi32, #tpu.memory_space<vmem>>) target_semaphore(%arg22 : memref<!tpu.dma_semaphore, #tpu.memory_space<semaphore_mem>>)
    %dma_start3A_816 = arith.constant 0 : i32
    %dma_start3A_817 = tpu.memref_slice %arg14[%dma_start3A_816] : memref<5008xi32, #tpu.memory_space<vmem>> -> memref<5000xi32, #tpu.memory_space<vmem>>
    %dma_start3A_818 = tpu.memref_slice %arg9[%add3A_803] : memref<800000xi32, #tpu.memory_space<hbm>> -> memref<5000xi32, #tpu.memory_space<hbm>>
    %dma_start3A_819 = arith.constant 0 : i32
    %dma_start3A_820 = tpu.memref_slice %arg14[%dma_start3A_819] : memref<5008xi32, #tpu.memory_space<vmem>> -> memref<5000xi32, #tpu.memory_space<vmem>>
    %dma_start3A_821 = tpu.memref_slice %arg9[%add3A_803] : memref<800000xi32, #tpu.memory_space<hbm>> -> memref<5000xi32, #tpu.memory_space<hbm>>
    tpu.enqueue_dma source(%dma_start3A_821 : memref<5000xi32, #tpu.memory_space<hbm>>) target(%dma_start3A_820 : memref<5000xi32, #tpu.memory_space<vmem>>) target_semaphore(%arg22 : memref<!tpu.dma_semaphore, #tpu.memory_space<semaphore_mem>>)
    %dma_start3A_822 = arith.constant 0 : i32
    %dma_start3A_823 = tpu.memref_slice %arg18[%dma_start3A_822] : memref<5008xi32, #tpu.memory_space<vmem>> -> memref<5000xi32, #tpu.memory_space<vmem>>
    %dma_start3A_824 = tpu.memref_slice %arg11[%add3A_803] : memref<800000xi32, #tpu.memory_space<hbm>> -> memref<5000xi32, #tpu.memory_space<hbm>>
    %dma_start3A_825 = arith.constant 0 : i32
    %dma_start3A_826 = tpu.memref_slice %arg18[%dma_start3A_825] : memref<5008xi32, #tpu.memory_space<vmem>> -> memref<5000xi32, #tpu.memory_space<vmem>>
    %dma_start3A_827 = tpu.memref_slice %arg11[%add3A_803] : memref<800000xi32, #tpu.memory_space<hbm>> -> memref<5000xi32, #tpu.memory_space<hbm>>
    tpu.enqueue_dma source(%dma_start3A_827 : memref<5000xi32, #tpu.memory_space<hbm>>) target(%dma_start3A_826 : memref<5000xi32, #tpu.memory_space<vmem>>) target_semaphore(%arg22 : memref<!tpu.dma_semaphore, #tpu.memory_space<semaphore_mem>>)
    %dma_wait3A_828 = arith.constant 0 : i32
    %dma_wait3A_829 = tpu.memref_slice %arg13[%dma_wait3A_828] : memref<5008xi32, #tpu.memory_space<vmem>> -> memref<5000xi32, #tpu.memory_space<vmem>>
    %dma_wait3A_830 = tpu.memref_slice %arg8[%add3A_740] : memref<800000xi32, #tpu.memory_space<hbm>> -> memref<5000xi32, #tpu.memory_space<hbm>>
    %dma_wait3A_831 = arith.constant 0 : i32
    %dma_wait3A_832 = tpu.memref_slice %arg13[%dma_wait3A_831] : memref<5008xi32, #tpu.memory_space<vmem>> -> memref<5000xi32, #tpu.memory_space<vmem>>
    %dma_wait3A_833 = tpu.memref_slice %arg8[%add3A_740] : memref<800000xi32, #tpu.memory_space<hbm>> -> memref<5000xi32, #tpu.memory_space<hbm>>
    tpu.wait_dma2 semaphore(%arg23 : memref<!tpu.dma_semaphore, #tpu.memory_space<semaphore_mem>>) src(%dma_wait3A_833 : memref<5000xi32, #tpu.memory_space<hbm>>) dst(%dma_wait3A_832 : memref<5000xi32, #tpu.memory_space<vmem>>)
    %dma_wait3A_834 = arith.constant 0 : i32
    %dma_wait3A_835 = tpu.memref_slice %arg15[%dma_wait3A_834] : memref<5008xi32, #tpu.memory_space<vmem>> -> memref<5000xi32, #tpu.memory_space<vmem>>
    %dma_wait3A_836 = tpu.memref_slice %arg9[%add3A_740] : memref<800000xi32, #tpu.memory_space<hbm>> -> memref<5000xi32, #tpu.memory_space<hbm>>
    %dma_wait3A_837 = arith.constant 0 : i32
    %dma_wait3A_838 = tpu.memref_slice %arg15[%dma_wait3A_837] : memref<5008xi32, #tpu.memory_space<vmem>> -> memref<5000xi32, #tpu.memory_space<vmem>>
    %dma_wait3A_839 = tpu.memref_slice %arg9[%add3A_740] : memref<800000xi32, #tpu.memory_space<hbm>> -> memref<5000xi32, #tpu.memory_space<hbm>>
    tpu.wait_dma2 semaphore(%arg23 : memref<!tpu.dma_semaphore, #tpu.memory_space<semaphore_mem>>) src(%dma_wait3A_839 : memref<5000xi32, #tpu.memory_space<hbm>>) dst(%dma_wait3A_838 : memref<5000xi32, #tpu.memory_space<vmem>>)
    %dma_wait3A_840 = arith.constant 0 : i32
    %dma_wait3A_841 = tpu.memref_slice %arg19[%dma_wait3A_840] : memref<5008xi32, #tpu.memory_space<vmem>> -> memref<5000xi32, #tpu.memory_space<vmem>>
    %dma_wait3A_842 = tpu.memref_slice %arg11[%add3A_740] : memref<800000xi32, #tpu.memory_space<hbm>> -> memref<5000xi32, #tpu.memory_space<hbm>>
    %dma_wait3A_843 = arith.constant 0 : i32
    %dma_wait3A_844 = tpu.memref_slice %arg19[%dma_wait3A_843] : memref<5008xi32, #tpu.memory_space<vmem>> -> memref<5000xi32, #tpu.memory_space<vmem>>
    %dma_wait3A_845 = tpu.memref_slice %arg11[%add3A_740] : memref<800000xi32, #tpu.memory_space<hbm>> -> memref<5000xi32, #tpu.memory_space<hbm>>
    tpu.wait_dma2 semaphore(%arg23 : memref<!tpu.dma_semaphore, #tpu.memory_space<semaphore_mem>>) src(%dma_wait3A_845 : memref<5000xi32, #tpu.memory_space<hbm>>) dst(%dma_wait3A_844 : memref<5000xi32, #tpu.memory_space<vmem>>)
    %while3A_846 = arith.constant 0 : i64
    %while3A_847 = arith.constant 0 : i32
    %while3A_848 = arith.constant 313 : i32
    %while3A_849 = arith.subi %while3A_848, %while3A_847 : i32
    %while3A_850 = arith.addi %while3A_847, %while3A_849 : i32
    %while3A_851 = arith.constant 1 : i32
    %while3A_852 = arith.divsi %while3A_849, %while3A_851 : i32
    %while3A_853 = arith.muli %while3A_852, %while3A_851 : i32
    %while3A_854 = arith.addi %while3A_847, %while3A_853 : i32
    %while3A_855 = arith.constant 1 : i32
    scf.for %while3A_914 = %while3A_847 to %while3A_854 step %while3A_855  : i32 {
      %mul3A_915 = arith.constant 16 : i32
      %mul3A_916 = arith.muli %while3A_914, %mul3A_915 : i32
      %get3A_917 = arith.index_cast %mul3A_916 : i32 to index
      %get3A_918 = tpu.vector_load %arg13[%get3A_917] {strides = array<i32>} : memref<5008xi32, #tpu.memory_space<vmem>>, vector<16xi32>,
      %gather3A = tpu.vector_load_idx %arg16[%get3A_918] : memref<50000xf32, #tpu.memory_space<vmem>>[vector<16xi32>], vector<16xf32>,
      %get3A_919 = arith.index_cast %mul3A_916 : i32 to index
      %get3A_920 = tpu.vector_load %arg15[%get3A_919] {strides = array<i32>} : memref<5008xi32, #tpu.memory_space<vmem>>, vector<16xi32>,
      %gather3A_921 = tpu.vector_load_idx %arg17[%get3A_920] : memref<50000xf32, #tpu.memory_space<vmem>>[vector<16xi32>], vector<16xf32>,
      %sub3A = arith.subf %gather3A, %gather3A_921 : vector<16xf32>
      %gt3A = arith.cmpf ogt, %sub3A, %get3A_616 : vector<16xf32>
      %select_n3A = arith.select %gt3A, %broadcast_in_dim3A_618, %broadcast_in_dim3A_3 : vector<16xi1>, vector<16xi32>
      %gt3A_922 = arith.cmpf ogt, %sub3A, %get3A_614 : vector<16xf32>
      %select_n3A_923 = arith.select %gt3A_922, %broadcast_in_dim3A_618, %broadcast_in_dim3A_3 : vector<16xi1>, vector<16xi32>
      %add3A_924 = arith.addi %select_n3A, %select_n3A_923 : vector<16xi32>
      %get3A_925 = arith.index_cast %mul3A_916 : i32 to index
      %get3A_926 = tpu.vector_load %arg19[%get3A_925] {strides = array<i32>} : memref<5008xi32, #tpu.memory_space<vmem>>, vector<16xi32>,
      %add3A_927 = arith.addi %add3A_924, %get3A_926 : vector<16xi32>
      %swap3A_928 = arith.index_cast %mul3A_916 : i32 to index
      %swap3A_929 = tpu.vector_load %arg19[%swap3A_928] {strides = array<i32>} : memref<5008xi32, #tpu.memory_space<vmem>>, vector<16xi32>,
      tpu.vector_store %arg19[%swap3A_928], %add3A_927 {strides = array<i32>} : memref<5008xi32, #tpu.memory_space<vmem>>, vector<16xi32>,
    }
    %while3A_856 = arith.constant 1 : i32
    scf.for %while3A_914 = %while3A_854 to %while3A_850 step %while3A_856  : i32 {
      %mul3A_915 = arith.constant 16 : i32
      %mul3A_916 = arith.muli %while3A_914, %mul3A_915 : i32
      %get3A_917 = arith.index_cast %mul3A_916 : i32 to index
      %get3A_918 = tpu.vector_load %arg13[%get3A_917] {strides = array<i32>} : memref<5008xi32, #tpu.memory_space<vmem>>, vector<16xi32>,
      %gather3A = tpu.vector_load_idx %arg16[%get3A_918] : memref<50000xf32, #tpu.memory_space<vmem>>[vector<16xi32>], vector<16xf32>,
      %get3A_919 = arith.index_cast %mul3A_916 : i32 to index
      %get3A_920 = tpu.vector_load %arg15[%get3A_919] {strides = array<i32>} : memref<5008xi32, #tpu.memory_space<vmem>>, vector<16xi32>,
      %gather3A_921 = tpu.vector_load_idx %arg17[%get3A_920] : memref<50000xf32, #tpu.memory_space<vmem>>[vector<16xi32>], vector<16xf32>,
      %sub3A = arith.subf %gather3A, %gather3A_921 : vector<16xf32>
      %gt3A = arith.cmpf ogt, %sub3A, %get3A_616 : vector<16xf32>
      %select_n3A = arith.select %gt3A, %broadcast_in_dim3A_618, %broadcast_in_dim3A_3 : vector<16xi1>, vector<16xi32>
      %gt3A_922 = arith.cmpf ogt, %sub3A, %get3A_614 : vector<16xf32>
      %select_n3A_923 = arith.select %gt3A_922, %broadcast_in_dim3A_618, %broadcast_in_dim3A_3 : vector<16xi1>, vector<16xi32>
      %add3A_924 = arith.addi %select_n3A, %select_n3A_923 : vector<16xi32>
      %get3A_925 = arith.index_cast %mul3A_916 : i32 to index
      %get3A_926 = tpu.vector_load %arg19[%get3A_925] {strides = array<i32>} : memref<5008xi32, #tpu.memory_space<vmem>>, vector<16xi32>,
      %add3A_927 = arith.addi %add3A_924, %get3A_926 : vector<16xi32>
      %swap3A_928 = arith.index_cast %mul3A_916 : i32 to index
      %swap3A_929 = tpu.vector_load %arg19[%swap3A_928] {strides = array<i32>} : memref<5008xi32, #tpu.memory_space<vmem>>, vector<16xi32>,
      tpu.vector_store %arg19[%swap3A_928], %add3A_927 {strides = array<i32>} : memref<5008xi32, #tpu.memory_space<vmem>>, vector<16xi32>,
    }
    %add3A_857 = arith.constant 15000 : i32
    %add3A_858 = arith.addi %mul3A_2, %add3A_857 : i32
    %dma_start3A_859 = arith.constant 0 : i32
    %dma_start3A_860 = tpu.memref_slice %arg19[%dma_start3A_859] : memref<5008xi32, #tpu.memory_space<vmem>> -> memref<5000xi32, #tpu.memory_space<vmem>>
    %dma_start3A_861 = tpu.memref_slice %arg11[%add3A_858] : memref<800000xi32, #tpu.memory_space<hbm>> -> memref<5000xi32, #tpu.memory_space<hbm>>
    %dma_start3A_862 = tpu.memref_slice %arg11[%add3A_858] : memref<800000xi32, #tpu.memory_space<hbm>> -> memref<5000xi32, #tpu.memory_space<hbm>>
    %dma_start3A_863 = arith.constant 0 : i32
    %dma_start3A_864 = tpu.memref_slice %arg19[%dma_start3A_863] : memref<5008xi32, #tpu.memory_space<vmem>> -> memref<5000xi32, #tpu.memory_space<vmem>>
    tpu.enqueue_dma source(%dma_start3A_864 : memref<5000xi32, #tpu.memory_space<vmem>>) target(%dma_start3A_862 : memref<5000xi32, #tpu.memory_space<hbm>>) target_semaphore(%arg25 : memref<!tpu.dma_semaphore, #tpu.memory_space<semaphore_mem>>)
    %dma_wait3A_865 = arith.constant 0 : i32
    %dma_wait3A_866 = tpu.memref_slice %arg12[%dma_wait3A_865] : memref<5008xi32, #tpu.memory_space<vmem>> -> memref<5000xi32, #tpu.memory_space<vmem>>
    %dma_wait3A_867 = tpu.memref_slice %arg8[%add3A_803] : memref<800000xi32, #tpu.memory_space<hbm>> -> memref<5000xi32, #tpu.memory_space<hbm>>
    %dma_wait3A_868 = arith.constant 0 : i32
    %dma_wait3A_869 = tpu.memref_slice %arg12[%dma_wait3A_868] : memref<5008xi32, #tpu.memory_space<vmem>> -> memref<5000xi32, #tpu.memory_space<vmem>>
    %dma_wait3A_870 = tpu.memref_slice %arg8[%add3A_803] : memref<800000xi32, #tpu.memory_space<hbm>> -> memref<5000xi32, #tpu.memory_space<hbm>>
    tpu.wait_dma2 semaphore(%arg22 : memref<!tpu.dma_semaphore, #tpu.memory_space<semaphore_mem>>) src(%dma_wait3A_870 : memref<5000xi32, #tpu.memory_space<hbm>>) dst(%dma_wait3A_869 : memref<5000xi32, #tpu.memory_space<vmem>>)
    %dma_wait3A_871 = arith.constant 0 : i32
    %dma_wait3A_872 = tpu.memref_slice %arg14[%dma_wait3A_871] : memref<5008xi32, #tpu.memory_space<vmem>> -> memref<5000xi32, #tpu.memory_space<vmem>>
    %dma_wait3A_873 = tpu.memref_slice %arg9[%add3A_803] : memref<800000xi32, #tpu.memory_space<hbm>> -> memref<5000xi32, #tpu.memory_space<hbm>>
    %dma_wait3A_874 = arith.constant 0 : i32
    %dma_wait3A_875 = tpu.memref_slice %arg14[%dma_wait3A_874] : memref<5008xi32, #tpu.memory_space<vmem>> -> memref<5000xi32, #tpu.memory_space<vmem>>
    %dma_wait3A_876 = tpu.memref_slice %arg9[%add3A_803] : memref<800000xi32, #tpu.memory_space<hbm>> -> memref<5000xi32, #tpu.memory_space<hbm>>
    tpu.wait_dma2 semaphore(%arg22 : memref<!tpu.dma_semaphore, #tpu.memory_space<semaphore_mem>>) src(%dma_wait3A_876 : memref<5000xi32, #tpu.memory_space<hbm>>) dst(%dma_wait3A_875 : memref<5000xi32, #tpu.memory_space<vmem>>)
    %dma_wait3A_877 = arith.constant 0 : i32
    %dma_wait3A_878 = tpu.memref_slice %arg18[%dma_wait3A_877] : memref<5008xi32, #tpu.memory_space<vmem>> -> memref<5000xi32, #tpu.memory_space<vmem>>
    %dma_wait3A_879 = tpu.memref_slice %arg11[%add3A_803] : memref<800000xi32, #tpu.memory_space<hbm>> -> memref<5000xi32, #tpu.memory_space<hbm>>
    %dma_wait3A_880 = arith.constant 0 : i32
    %dma_wait3A_881 = tpu.memref_slice %arg18[%dma_wait3A_880] : memref<5008xi32, #tpu.memory_space<vmem>> -> memref<5000xi32, #tpu.memory_space<vmem>>
    %dma_wait3A_882 = tpu.memref_slice %arg11[%add3A_803] : memref<800000xi32, #tpu.memory_space<hbm>> -> memref<5000xi32, #tpu.memory_space<hbm>>
    tpu.wait_dma2 semaphore(%arg22 : memref<!tpu.dma_semaphore, #tpu.memory_space<semaphore_mem>>) src(%dma_wait3A_882 : memref<5000xi32, #tpu.memory_space<hbm>>) dst(%dma_wait3A_881 : memref<5000xi32, #tpu.memory_space<vmem>>)
    %while3A_883 = arith.constant 0 : i64
    %while3A_884 = arith.constant 0 : i32
    %while3A_885 = arith.constant 313 : i32
    %while3A_886 = arith.subi %while3A_885, %while3A_884 : i32
    %while3A_887 = arith.addi %while3A_884, %while3A_886 : i32
    %while3A_888 = arith.constant 1 : i32
    %while3A_889 = arith.divsi %while3A_886, %while3A_888 : i32
    %while3A_890 = arith.muli %while3A_889, %while3A_888 : i32
    %while3A_891 = arith.addi %while3A_884, %while3A_890 : i32
    %while3A_892 = arith.constant 1 : i32
    scf.for %while3A_914 = %while3A_884 to %while3A_891 step %while3A_892  : i32 {
      %mul3A_915 = arith.constant 16 : i32
      %mul3A_916 = arith.muli %while3A_914, %mul3A_915 : i32
      %get3A_917 = arith.index_cast %mul3A_916 : i32 to index
      %get3A_918 = tpu.vector_load %arg12[%get3A_917] {strides = array<i32>} : memref<5008xi32, #tpu.memory_space<vmem>>, vector<16xi32>,
      %gather3A = tpu.vector_load_idx %arg16[%get3A_918] : memref<50000xf32, #tpu.memory_space<vmem>>[vector<16xi32>], vector<16xf32>,
      %get3A_919 = arith.index_cast %mul3A_916 : i32 to index
      %get3A_920 = tpu.vector_load %arg14[%get3A_919] {strides = array<i32>} : memref<5008xi32, #tpu.memory_space<vmem>>, vector<16xi32>,
      %gather3A_921 = tpu.vector_load_idx %arg17[%get3A_920] : memref<50000xf32, #tpu.memory_space<vmem>>[vector<16xi32>], vector<16xf32>,
      %sub3A = arith.subf %gather3A, %gather3A_921 : vector<16xf32>
      %gt3A = arith.cmpf ogt, %sub3A, %get3A_616 : vector<16xf32>
      %select_n3A = arith.select %gt3A, %broadcast_in_dim3A_618, %broadcast_in_dim3A_3 : vector<16xi1>, vector<16xi32>
      %gt3A_922 = arith.cmpf ogt, %sub3A, %get3A_614 : vector<16xf32>
      %select_n3A_923 = arith.select %gt3A_922, %broadcast_in_dim3A_618, %broadcast_in_dim3A_3 : vector<16xi1>, vector<16xi32>
      %add3A_924 = arith.addi %select_n3A, %select_n3A_923 : vector<16xi32>
      %get3A_925 = arith.index_cast %mul3A_916 : i32 to index
      %get3A_926 = tpu.vector_load %arg18[%get3A_925] {strides = array<i32>} : memref<5008xi32, #tpu.memory_space<vmem>>, vector<16xi32>,
      %add3A_927 = arith.addi %add3A_924, %get3A_926 : vector<16xi32>
      %swap3A_928 = arith.index_cast %mul3A_916 : i32 to index
      %swap3A_929 = tpu.vector_load %arg18[%swap3A_928] {strides = array<i32>} : memref<5008xi32, #tpu.memory_space<vmem>>, vector<16xi32>,
      tpu.vector_store %arg18[%swap3A_928], %add3A_927 {strides = array<i32>} : memref<5008xi32, #tpu.memory_space<vmem>>, vector<16xi32>,
    }
    %while3A_893 = arith.constant 1 : i32
    scf.for %while3A_914 = %while3A_891 to %while3A_887 step %while3A_893  : i32 {
      %mul3A_915 = arith.constant 16 : i32
      %mul3A_916 = arith.muli %while3A_914, %mul3A_915 : i32
      %get3A_917 = arith.index_cast %mul3A_916 : i32 to index
      %get3A_918 = tpu.vector_load %arg12[%get3A_917] {strides = array<i32>} : memref<5008xi32, #tpu.memory_space<vmem>>, vector<16xi32>,
      %gather3A = tpu.vector_load_idx %arg16[%get3A_918] : memref<50000xf32, #tpu.memory_space<vmem>>[vector<16xi32>], vector<16xf32>,
      %get3A_919 = arith.index_cast %mul3A_916 : i32 to index
      %get3A_920 = tpu.vector_load %arg14[%get3A_919] {strides = array<i32>} : memref<5008xi32, #tpu.memory_space<vmem>>, vector<16xi32>,
      %gather3A_921 = tpu.vector_load_idx %arg17[%get3A_920] : memref<50000xf32, #tpu.memory_space<vmem>>[vector<16xi32>], vector<16xf32>,
      %sub3A = arith.subf %gather3A, %gather3A_921 : vector<16xf32>
      %gt3A = arith.cmpf ogt, %sub3A, %get3A_616 : vector<16xf32>
      %select_n3A = arith.select %gt3A, %broadcast_in_dim3A_618, %broadcast_in_dim3A_3 : vector<16xi1>, vector<16xi32>
      %gt3A_922 = arith.cmpf ogt, %sub3A, %get3A_614 : vector<16xf32>
      %select_n3A_923 = arith.select %gt3A_922, %broadcast_in_dim3A_618, %broadcast_in_dim3A_3 : vector<16xi1>, vector<16xi32>
      %add3A_924 = arith.addi %select_n3A, %select_n3A_923 : vector<16xi32>
      %get3A_925 = arith.index_cast %mul3A_916 : i32 to index
      %get3A_926 = tpu.vector_load %arg18[%get3A_925] {strides = array<i32>} : memref<5008xi32, #tpu.memory_space<vmem>>, vector<16xi32>,
      %add3A_927 = arith.addi %add3A_924, %get3A_926 : vector<16xi32>
      %swap3A_928 = arith.index_cast %mul3A_916 : i32 to index
      %swap3A_929 = tpu.vector_load %arg18[%swap3A_928] {strides = array<i32>} : memref<5008xi32, #tpu.memory_space<vmem>>, vector<16xi32>,
      tpu.vector_store %arg18[%swap3A_928], %add3A_927 {strides = array<i32>} : memref<5008xi32, #tpu.memory_space<vmem>>, vector<16xi32>,
    }
    %add3A_894 = arith.constant 20000 : i32
    %add3A_895 = arith.addi %mul3A_2, %add3A_894 : i32
    %dma_start3A_896 = arith.constant 0 : i32
    %dma_start3A_897 = tpu.memref_slice %arg18[%dma_start3A_896] : memref<5008xi32, #tpu.memory_space<vmem>> -> memref<5000xi32, #tpu.memory_space<vmem>>
    %dma_start3A_898 = tpu.memref_slice %arg11[%add3A_895] : memref<800000xi32, #tpu.memory_space<hbm>> -> memref<5000xi32, #tpu.memory_space<hbm>>
    %dma_start3A_899 = tpu.memref_slice %arg11[%add3A_895] : memref<800000xi32, #tpu.memory_space<hbm>> -> memref<5000xi32, #tpu.memory_space<hbm>>
    %dma_start3A_900 = arith.constant 0 : i32
    %dma_start3A_901 = tpu.memref_slice %arg18[%dma_start3A_900] : memref<5008xi32, #tpu.memory_space<vmem>> -> memref<5000xi32, #tpu.memory_space<vmem>>
    tpu.enqueue_dma source(%dma_start3A_901 : memref<5000xi32, #tpu.memory_space<vmem>>) target(%dma_start3A_899 : memref<5000xi32, #tpu.memory_space<hbm>>) target_semaphore(%arg24 : memref<!tpu.dma_semaphore, #tpu.memory_space<semaphore_mem>>)
    %dma_wait3A_902 = arith.constant 0 : i32
    %dma_wait3A_903 = tpu.memref_slice %arg19[%dma_wait3A_902] : memref<5008xi32, #tpu.memory_space<vmem>> -> memref<5000xi32, #tpu.memory_space<vmem>>
    %dma_wait3A_904 = tpu.memref_slice %arg11[%add3A_858] : memref<800000xi32, #tpu.memory_space<hbm>> -> memref<5000xi32, #tpu.memory_space<hbm>>
    %dma_wait3A_905 = tpu.memref_slice %arg11[%add3A_858] : memref<800000xi32, #tpu.memory_space<hbm>> -> memref<5000xi32, #tpu.memory_space<hbm>>
    %dma_wait3A_906 = arith.constant 0 : i32
    %dma_wait3A_907 = tpu.memref_slice %arg19[%dma_wait3A_906] : memref<5008xi32, #tpu.memory_space<vmem>> -> memref<5000xi32, #tpu.memory_space<vmem>>
    tpu.wait_dma2 semaphore(%arg25 : memref<!tpu.dma_semaphore, #tpu.memory_space<semaphore_mem>>) src(%dma_wait3A_907 : memref<5000xi32, #tpu.memory_space<vmem>>) dst(%dma_wait3A_905 : memref<5000xi32, #tpu.memory_space<hbm>>)
    %dma_wait3A_908 = arith.constant 0 : i32
    %dma_wait3A_909 = tpu.memref_slice %arg18[%dma_wait3A_908] : memref<5008xi32, #tpu.memory_space<vmem>> -> memref<5000xi32, #tpu.memory_space<vmem>>
    %dma_wait3A_910 = tpu.memref_slice %arg11[%add3A_895] : memref<800000xi32, #tpu.memory_space<hbm>> -> memref<5000xi32, #tpu.memory_space<hbm>>
    %dma_wait3A_911 = tpu.memref_slice %arg11[%add3A_895] : memref<800000xi32, #tpu.memory_space<hbm>> -> memref<5000xi32, #tpu.memory_space<hbm>>
    %dma_wait3A_912 = arith.constant 0 : i32
    %dma_wait3A_913 = tpu.memref_slice %arg18[%dma_wait3A_912] : memref<5008xi32, #tpu.memory_space<vmem>> -> memref<5000xi32, #tpu.memory_space<vmem>>
    tpu.wait_dma2 semaphore(%arg24 : memref<!tpu.dma_semaphore, #tpu.memory_space<semaphore_mem>>) src(%dma_wait3A_913 : memref<5000xi32, #tpu.memory_space<vmem>>) dst(%dma_wait3A_911 : memref<5000xi32, #tpu.memory_space<hbm>>)
    return
  }
}

</mosaic_0001>

<sc_bundles>
// kernel: kernel.3.cloned.1.call-start
scs
__scs_entry_jumppad:
0x0: {  	(pc) =	sbr.rel $0x88, $3  }
0x1: {  	(tag) =	ssettag $0x0;
	lr =	simm.s32 $0x1  }
0x2: {  	[smem:$0x3F9C] =	sst lr;
	_ =	strace $0xD0000000  }
0x3: {  	_ = 	snop  }
0x4: {  	_ = 	snop  }
0x5: {  	_ = 	snop  }
0x6: {  	_ = 	snop  }
0x7: {  	_ = 	snop  }
__scs_overlays_trampoline_lowered:
0x8: {  	[smem:$0x3FAB] =	sst s0  }
0x9: {  	[smem:$0x3FAC] =	sst s1  }
0xa: {  	[smem:$0x3FAD] =	sst s2  }
0xb: {  	[smem:$0x3FAE] =	sst s3  }
0xc: {  	[smem:$0x3FAF] =	sst s4  }
0xd: {  	[smem:$0x3FB0] =	sst s5  }
0xe: {  	[smem:$0x3FB1] =	sst s6  }
0xf: {  	[smem:$0x3FB2] =	sst s7  }
0x10: {  	[smem:$0x3FB3] =	sst s8  }
0x11: {  	[smem:$0x3FB4] =	sst s9;
	s0 =	simm.s32 @!p0 $0x0  }
0x12: {  	s1 =	sld [smem:$0x3F9A];
	s0 =	simm.s32 @p0 $0x1  }
0x13: {  	[smem:$0x3FB5] =	sst s0;
	s0 =	simm.s32 @!p1 $0x0  }
0x14: {  	s2 =	sld [smem:$0x3F99];
	s0 =	simm.s32 @p1 $0x1  }
0x15: {  	[smem:$0x3FB6] =	sst s0;
	s0 =	simm.s32 @!p2 $0x0  }
0x16: {  	s3 =	sld [smem:$0x3FDB];
	s0 =	simm.s32 @p2 $0x1  }
0x17: {  	s4 =	simm.s32 $0x1BF5;
	[smem:$0x3FB8] =	sst s0  }
0x18: {  	s0 =	sld [smem:$0x3F9B];
	_ =	swait.ge [sflag:s4], $0x0  }
0x19: {  	s7 =	sld [smem:$0x3F9C]  }
0x1a: {  	s8 =	sadd.s32 $0xFFFFE003, lr  }
0x1b: {  	s9 =	sadd.s32 $0xFFFFFEF7, lr;
	s5 =	simm.s32 $0xFFFFFFFF;
	p2 =	slt.u32 s8, $0xFFFFF086  }
0x1c: {  	p1 =	slt.u32 s9, $0xF7A;
	s5 =	simm.s32 @!p2 $0x0  }
0x1d: {  	s5 =	simm.s32 @p1 $0x1;
	p0 =	seq.s32 s7, s2  }
0x1e: {  	s7 =	smul.u32 @!p0 $0xF7A, s2;
	p2 =	seq.s32 @!p0 s5, $0x0  }
0x1f: {  	s9 =	smul.u32 $0xF7A, s1;
	s8 =	simm.s32 @!p0 $0x1BF5;
	p2 =	por !p2, p0  }
0x20: {  	[sflag:s8] =	ssyncset.s32 @!p0 $0xFFFFF086;
	s6 =	sadd.s32 @!p0 s3, s7;
	s7 =	simm.s32 @!p0 $0x108  }
0x21: {  	s3 =	sadd.s32 s3, s9;
	s6 =	sadd.s32 @!p0 $0x88, s6;
	s7 =	simm.s32 @p2 $0x1082  }
0x22: {  	[simem:s7], [sflag:s8] =	dma.local @!p0 [hbm:s6], $0xF7A  }
0x23: {  	s9 =	sor.u32 $0xD0000000, s2;
	s6 =	simm.s32 $0x108;
	_ =	swait.ge @!p0 [sflag:s8], $0x0  }
0x24: {  	s3 =	sadd.s32 $0x88, s3;
	s6 =	simm.s32 @!p1 $0x1082;
	[sflag:s4] =	ssyncset.s32 $0xFFFFF086  }
0x25: {  	[simem:s6], [sflag:s4] =	dma.local [hbm:s3], $0xF7A  }
0x26: {  	[smem:$0x3F9C] =	sst s1;
	(tag) =	ssettag s2;
	_ =	strace s9  }
0x27: {  	s1 =	sld [smem:$0x3FAC]  }
0x28: {  	s2 =	sld [smem:$0x3FAD]  }
0x29: {  	s4 =	sld [smem:$0x3FAF]  }
0x2a: {  	p0 =	seq.s32 s5, $0x0;
	s5 =	sld [smem:$0x3FB0]  }
0x2b: {  	s6 =	sld [smem:$0x3FB1]  }
0x2c: {  	s7 =	sld [smem:$0x3FB2]  }
0x2d: {  	s3 =	simm.s32 $0x108;
	s8 =	sld [smem:$0x3FB3]  }
0x2e: {  	s3 =	simm.s32 @!p0 $0x1082;
	s9 =	sld [smem:$0x3FB4]  }
0x2f: {  	lr =	sadd.s32 s0, s3;
	s0 =	sld [smem:$0x3FAB]  }
0x30: {  	s3 =	sld [smem:$0x3FAE]  }
0x31: {  	[smem:$0x3FB7] =	sst s10  }
0x32: {  	s10 =	sld [smem:$0x3FB5];
	_ =	sdelay $0x3  }
0x33: {  	p0 =	seq.s32 s10, $0x1;
	s10 =	sld [smem:$0x3FB7];
	_ =	sdelay $0x3  }
0x34: {  	[smem:$0x3FB7] =	sst s10  }
0x35: {  	s10 =	sld [smem:$0x3FB6];
	_ =	sdelay $0x3  }
0x36: {  	p1 =	seq.s32 s10, $0x1;
	s10 =	sld [smem:$0x3FB7];
	_ =	sdelay $0x3  }
0x37: {  	[smem:$0x3FB7] =	sst s10  }
0x38: {  	s10 =	sld [smem:$0x3FB8]  }
0x39: {  	_ = 	snop;
	(pc) =	sbr.ind lr, $3  }
0x3a: {  	_ = 	snop  }
0x3b: {  	_ = 	snop  }
0x3c: {  	p2 =	seq.s32 s10, $0x1;
	s10 =	sld [smem:$0x3FB7]  }
0x3d: {  	_ =	shalt  }
0x3e: {  	_ =	shalt  }
0x3f: {  	_ =	shalt  }
0x40: {  	_ =	shalt  }
0x41: {  	_ =	shalt  }
0x42: {  	_ =	shalt  }
0x43: {  	_ =	shalt  }
0x44: {  	_ =	shalt  }
0x45: {  	_ =	shalt  }
0x46: {  	_ =	shalt  }
0x47: {  	_ =	shalt  }
0x48: {  	_ =	shalt  }
0x49: {  	_ =	shalt  }
0x4a: {  	_ =	shalt  }
0x4b: {  	_ =	shalt  }
0x4c: {  	_ =	shalt  }
0x4d: {  	_ =	shalt  }
0x4e: {  	_ =	shalt  }
0x4f: {  	_ =	shalt  }
0x50: {  	_ =	shalt  }
0x51: {  	_ =	shalt  }
0x52: {  	_ =	shalt  }
0x53: {  	_ =	shalt  }
0x54: {  	_ =	shalt  }
0x55: {  	_ =	shalt  }
0x56: {  	_ =	shalt  }
0x57: {  	_ =	shalt  }
0x58: {  	_ =	shalt  }
0x59: {  	_ =	shalt  }
0x5a: {  	_ =	shalt  }
0x5b: {  	_ =	shalt  }
0x5c: {  	_ =	shalt  }
0x5d: {  	_ =	shalt  }
0x5e: {  	_ =	shalt  }
0x5f: {  	_ =	shalt  }
0x60: {  	_ =	shalt  }
0x61: {  	_ =	shalt  }
0x62: {  	_ =	shalt  }
0x63: {  	_ =	shalt  }
0x64: {  	_ =	shalt  }
0x65: {  	_ =	shalt  }
0x66: {  	_ =	shalt  }
0x67: {  	_ =	shalt  }
0x68: {  	_ =	shalt  }
0x69: {  	_ =	shalt  }
0x6a: {  	_ =	shalt  }
0x6b: {  	_ =	shalt  }
0x6c: {  	_ =	shalt  }
0x6d: {  	_ =	shalt  }
0x6e: {  	_ =	shalt  }
0x6f: {  	_ =	shalt  }
0x70: {  	_ =	shalt  }
0x71: {  	_ =	shalt  }
0x72: {  	_ =	shalt  }
0x73: {  	_ =	shalt  }
0x74: {  	_ =	shalt  }
0x75: {  	_ =	shalt  }
0x76: {  	_ =	shalt  }
0x77: {  	_ =	shalt  }
0x78: {  	_ =	shalt  }
0x79: {  	_ =	shalt  }
0x7a: {  	_ =	shalt  }
0x7b: {  	_ =	shalt  }
0x7c: {  	_ =	shalt  }
0x7d: {  	_ =	shalt  }
0x7e: {  	_ =	shalt  }
0x7f: {  	_ =	shalt  }
0x80: {  	_ =	shalt  }
0x81: {  	_ =	shalt  }
0x82: {  	_ =	shalt  }
0x83: {  	_ =	shalt  }
0x84: {  	_ =	shalt  }
0x85: {  	_ =	shalt  }
0x86: {  	_ =	shalt  }
0x87: {  	_ =	shalt  }
.Lfunc_end0:
.L_simem_size_0:
called_computation_lowered:
.L_overlay_start_0:
0x88: {  	s2 =	sld [smem:$0x3FD9]  }
0x89: {  	s3 =	sld [smem:$0x3FFE];
	_ =	sdelay $0x1  }
0x8a: {  	s1 =	srdreg.scid  }
0x8b: {  	s0 =	sand.u32 $0x1, s1  }
0x8c: {  	s17 =	sshll.u32 s0, $0xA;
	s2 =	sadd.s32 s3, s2  }
0x8d: {  	s2 =	sadd.s32 s2, s17  }
0x8e: {  	[smem:$0x3FC3] =	sst s2  }
0x8f: {  	_ = 	snop  }
0x90: {  	s2 =	sld [smem:$0x3FD0];
	(tm) =	ssettm $0x1  }
0x91: {  	s18 =	sld [smem:$0x3FFB];
	_ =	sdelay $0x3  }
0x92: {  	_ =	strace s18  }
0x93: {  	s3 =	sld [smem:$0x3FFC];
	_ =	sdelay $0x3  }
0x94: {  	_ =	strace s3  }
0x95: {  	s3 =	sld [smem:$0x3FFD];
	_ =	sdelay $0x3  }
0x96: {  	_ =	strace s3  }
0x97: {  	_ =	strace $0x8FFFFFFF  }
0x98: {  	s19 =	sld [smem:$0x3FDB];
	_ =	sdelay $0x1  }
0x99: {  	s4 =	simm.s32 $_scs_section_size  }
0x9a: {  	s5 =	simm.s32 $_size__tile_overlayer_lowered;
	s6 =	simm.s32 $_tile_overlayer_lowered  }
0x9b: {  	s22 =	simm.s32 $0x1BFF;
	s21 =	sshll.u32 s6, $0x1;
	s3 =	sadd.s32 s4, s19  }
0x9c: {  	s7 =	simm.s32 $0x0;
	s20 =	sshll.u32 s5, $0x1;
	s5 =	sadd.s32 s21, s3  }
0x9d: {  	[timem:s7], [sflag:s22] =	dma.local [hbm:s5], s20  }
0x9e: {  	_ =	swait.ge [sflag:s22], s20  }
0x9f: {  	s4 =	ssub.s32 $0x0, s20;
	[sflag:s22] =	ssyncset.done $0x0  }
0xa0: {  	[sflag:s22] =	ssyncadd.s32 s4;
	_ =	sdelay $0x1  }
0xa1: {  	s23 =	simm.s32 $0x1B8B  }
0xa2: {  	_ =	swait.ge [sflag:s23], $0x1  }
0xa3: {  	[sflag:s23] =	ssyncset.done $0x0  }
0xa4: {  	s25 =	simm.s32 $0x1B8E;
	s24 =	sld [smem:$0x3FFE];
	[sflag:s23] =	ssyncadd.s32 $0xFFFFFFFF  }
0xa5: {  	s26 =	simm.s32 $execute0_lowered;
	[smem:$0x3FD2] =	sst s25  }
0xa6: {  	s5 =	sshll.u32 s26, $0x1;
	_ =	strace $0x80000046;
	[dreg:$0x1] =	wrdreg $0xFFFFFFFF  }
0xa7: {  	s28 =	simm.s32 $_size_execute0_lowered;
	s3 =	sadd.s32 s3, s5;
	[dreg:$0x0] =	wrdreg $0x0  }
0xa8: {  	s5 =	sshll.u32 s28, $0x1;
	[dreg:$0x2] =	wrdreg s3  }
0xa9: {  	[dreg:$0x3] =	wrdreg s5  }
0xaa: {  	[dreg:$0x4] =	wrdreg $0xC0  }
0xab: {  	_ =	task [dreg:s7], $0x5FFFF  }
0xac: {  	[dreg:$0x1] =	wrdreg $0xFFFFFFFF  }
0xad: {  	[dreg:$0x0] =	wrdreg $0x60  }
0xae: {  	[dreg:$0x2] =	wrdreg s24  }
0xaf: {  	[dreg:$0x3] =	wrdreg s2  }
0xb0: {  	[dreg:$0x4] =	wrdreg $0x9  }
0xb1: {  	_ =	task.clear_ibuf [dreg:s7], $0x5FFFF;
	_ =	strace $0x90000046  }
0xb2: {  	s29 =	simm.s32 $0x9;
	_ =	strace $0x80000048  }
0xb3: {  	_ =	swait.ge [sflag:s29], $0x1  }
0xb4: {  	[sflag:s29] =	ssyncadd.s32 $0xFFFFFFFF  }
0xb5: {  	_ =	strace $0x90000048  }
0xb6: {  	_ =	sfence  }
0xb7: {  	s30 =	sld [smem:$0x0];
	_ =	sdelay $0x2  }
0xb8: {  	s31 =	sshll.u32 s1, $0xD;
	s1 =	sshrl.u32 s1, $0x2  }
0xb9: {  	s3 =	sand.u32 $0x4000, s31;
	s1 =	sadd.s32 s1, s30  }
0xba: {  	s0 =	sor.u32 s3, s0;
	s1 =	sshll.u32 s1, $0x11  }
0xbb: {  	s0 =	sor.u32 s1, s0  }
0xbc: {  	s0 =	sadd.s32 $0x8F2B, s0  }
0xbd: {  	[sflag:s0] =	ssyncadd.remote.s32 $0x1  }
0xbe: {  	_ =	sfence.sel $0xFFFF  }
0xbf: {  	[dreg:$0x0] =	wrdreg $0xFFFFFFFF;
	(pc) =	sbr.abs _section_cstart, $3  }
0xc0: {  	[dreg:$0x1] =	wrdreg $0xFFFFFFFF  }
0xc1: {  	_ =	task.clear_ibuf [dreg:s7], $0x2FFFF;
	_ =	strace $0x9FFFFFFF  }
0xc2: {  	(tm) =	ssettm $0x7FFFFFFF  }
0xc3: {  	_ =	shalt  }
tec
execute0_lowered:
.L_overlay_start_1:
0x0: {  	(tag) =	ssettag $0x1  }
0x1: {  	s0 =	rddreg [dreg:$0x0]  }
0x2: {  	s1 =	rddreg [dreg:$0x1];
	s2 =	simm.s32 $0x0;
	s3 =	srdreg.scid  }
0x3: {  	s4 =	stileid.u32;
	s29 =	simm.s32 $0x5000;
	s30 =	simm.s32 $0x11380  }
0x4: {  	s31 =	simm.s32 $0x2800;
	[smem:$0x7FF] =	sst s2;
	s3 =	sand.u32 $0x1, s3  }
0x5: {  	s4 =	sshll.u32 s4, $0x1;
	s5 =	sadd.s32 $0x1D800, s0;
	s19 =	sadd.s32 $0x1F200, s0  }
0x6: {  	s20 =	sadd.s32 $0x20C00, s0;
	_ =	strace $0x80000047;
	[dreg:$0x3] =	wrdreg s5  }
0x7: {  	s21 =	sadd.s32 $0x1BE00, s0;
	s22 =	sadd.s32 $0x1A400, s0;
	[dreg:$0x4] =	wrdreg s19  }
0x8: {  	s23 =	sadd.s32 $0x18A00, s0;
	s24 =	sadd.s32 $0x22600, s0;
	[dreg:$0x5] =	wrdreg s20  }
0x9: {  	s4 =	sor.u32 s3, s4;
	[dreg:$0x6] =	wrdreg s21;
	s3 =	ssub.s32 $0x2, s3  }
0xa: {  	[dreg:$0x7] =	wrdreg s22;
	s4 =	smul.u32 $0x61A8, s4;
	s6 =	sshrl.u32 s3, $0x1  }
0xb: {  	[dreg:$0x8] =	wrdreg s23;
	s5 =	simm.s32 $0x4;
	s3 =	ssub.s32 s3, s6  }
0xc: {  	s7 =	sadd.s32 $0x1388, s4;
	s25 =	sshrl.u32 s4, $0x3;
	s4 =	sadd.s32 $0x3A98, s4  }
0xd: {  	s28 =	smax.u32 s3, $0x1;
	s3 =	simm.s32 $0x2;
	s7 =	sshrl.u32 s7, $0x3  }
0xe: {  	s8 =	sadd.s32 s1, s25;
	s10 =	sadd.s32 s0, s25;
	s26 =	sadd.s32 $0x4E2, s25  }
0xf: {  	s13 =	sadd.s32 s24, s25;
	s4 =	sshrl.u32 s4, $0x3;
	[dreg:$0xb] =	wrdreg s28  }
0x10: {  	s6 =	sadd.s32 $0x9C4, s25;
	[dreg:$0x9] =	wrdreg s8;
	s11 =	sadd.s32 s1, s7  }
0x11: {  	s12 =	sadd.s32 s0, s7;
	s14 =	sadd.s32 s1, s26;
	s15 =	sadd.s32 s0, s26  }
0x12: {  	s16 =	sadd.s32 s24, s7;
	s17 =	sadd.s32 s1, s4;
	s18 =	sadd.s32 s0, s4  }
0x13: {  	s19 =	sadd.s32 s24, s26;
	s20 =	sadd.s32 s1, s6;
	s21 =	sadd.s32 s24, s4  }
0x14: {  	s22 =	sadd.s32 s24, s6;
	s23 =	sadd.s32 s0, s6;
	s0 =	sadd.s32 $0x18800, s0  }
0x15: {  	s1 =	simm.s32 $0x1400;
	s26 =	simm.s32 $0x3C00;
	s4 =	simm.s32 $0x1D700  }
0x16: {  	s6 =	simm.s32 $0x3;
	s7 =	simm.s32 $0x1EB00;
	s8 =	simm.s32 $0x5  }
0x17: {  	v0 =	vimm.s32 $0x0;
	s24 =	simm.s32 $0x0;
	[dreg:$0xa] =	wrdreg s0;
	s0 =	simm.s32 $0x1  }
.LBB2_1:
0x18: {  	s9 =	rddreg [dreg:$0xa];
	s25 =	simm.s32 $0x1FF00  }
0x19: {  	[tilespmem:s25], [sflag:$0x6] =	stream.linear.gather [hbm4b:s9+s2], $0x80, $0x38;
	[tilespmem:$0x1FF80] =	vst v63  }
0x1a: {  	s25 =	simm.s32 $0x6  }
0x1b: {  	_ =	swait.ge [sflag:s25], $0x80  }
0x1c: {  	[sflag:s25] =	ssyncset.done $0x0  }
0x1d: {  	[sflag:s25] =	ssyncadd.s32 $0xFFFFFF80  }
0x1e: {  	[tilespmem:$0x1380] =	vst v0  }
0x1f: {  	[tilespmem:$0x2780] =	vst v0  }
0x20: {  	[tilespmem:$0x3B80] =	vst v0  }
0x21: {  	s25 =	rddreg [dreg:$0x3];
	[tilespmem:$0x4F80] =	vst v0  }
0x22: {  	[tilespmem:s29], [sflag:$0x1] =	stream.linear.gather [hbm4b:s25+s2], $0xC380, $0x38;
	[tilespmem:$0x1FF80] =	vst v63  }
0x23: {  	s25 =	rddreg [dreg:$0x6]  }
0x24: {  	[tilespmem:s30], [sflag:$0x1] =	stream.linear.gather [hbm4b:s25+s2], $0xC380, $0x38;
	[tilespmem:$0x1FF80] =	vst v63  }
0x25: {  	s25 =	rddreg [dreg:$0x9]  }
0x26: {  	[tilespmem:s2], [sflag:$0x2] =	stream.linear.gather [hbm4b:s25+s2], $0x1388, $0x38;
	[tilespmem:$0x1FF80] =	vst v63  }
0x27: {  	_ = 	snop  }
0x28: {  	[tilespmem:s31], [sflag:$0x2] =	stream.linear.gather [hbm4b:s10+s2], $0x1388, $0x38;
	[tilespmem:$0x1FF80] =	vst v63  }
0x29: {  	_ =	swait.ge [sflag:s0], $0xC380  }
0x2a: {  	[sflag:s0] =	ssyncset.done $0x0  }
0x2b: {  	[sflag:s0] =	ssyncadd.s32 $0xFFFF3C80  }
0x2c: {  	_ =	swait.ge [sflag:s0], $0xC380  }
0x2d: {  	[sflag:s0] =	ssyncset.done $0x0  }
0x2e: {  	[sflag:s0] =	ssyncadd.s32 $0xFFFF3C80  }
0x2f: {  	v1 =	vld [tilespmem:$0x1FF00]  }
0x30: {  	v2 =	vld [tilespmem:$0x1FF30];
	[tilespmem:s1], [sflag:$0x3] =	stream.linear.gather [hbm4b:s11+s2], $0x1388, $0x38  }
0x31: {  	_ = 	snop  }
0x32: {  	[tilespmem:s26], [sflag:$0x3] =	stream.linear.gather [hbm4b:s12+s2], $0x1388, $0x38;
	[tilespmem:$0x1FF80] =	vst v63  }
0x33: {  	_ =	swait.ge [sflag:s3], $0x1388  }
0x34: {  	[sflag:s3] =	ssyncset.done $0x0  }
0x35: {  	[sflag:s3] =	ssyncadd.s32 $0xFFFFEC78  }
0x36: {  	_ =	swait.ge [sflag:s3], $0x1388  }
0x37: {  	[sflag:s3] =	ssyncset.done $0x0  }
0x38: {  	s25 =	simm.s32 $0x0;
	[sflag:s3] =	ssyncadd.s32 $0xFFFFEC78  }
0x39: {  	v3 =	vld [tilespmem:s25+$0x2800]  }
0x3a: {  	v5 =	vld [tilespmem:s25+$0x0];
	_ =	sdelay $0x6  }
0x3b: {  	v4 =	vld.idx.msk [tilespmem:v3+s30+$0x0], $0xffff  }
0x3c: {  	v5 =	vld.idx.msk [tilespmem:v5+s29+$0x0], $0xffff;
	_ =	sdelay $0x1  }
0x3d: {  	s28 =	simm.s32 $0x10  }
0x3e: {  	s9 =	simm.s32 $0x80;
	v3 =	vld [tilespmem:s28+$0x2800]  }
.LBB2_2:
0x3f: {  	p0 =	sne.s32 s9, $0x4E00;
	v6 =	vld [tilespmem:s28+$0x0]  }
0x40: {  	v4 =	vsub.f32 v5, v4;
	_ =	sdelay $0x1  }
0x41: {  	vm0 =	vgt.f32 v4, v2;
	vm1 =	vgt.f32 v4, v1  }
0x42: {  	v4 =	vsel vm0, $0x9, v0;
	v5 =	vsel vm1, $0x9, v0  }
0x43: {  	v4 =	vadd.s32 v5, v4  }
0x44: {  	[tilespmem:s25+$0x1D700] =	vst v4;
	s25 =	smov.u32 s28  }
0x45: {  	v4 =	vld.idx.msk [tilespmem:v3+s30+$0x0], $0xffff  }
.Ltmp0:
0x46: {  	v5 =	vld.idx.msk [tilespmem:v6+s29+$0x0], $0xffff;
	(pc) =	sbr.rel @p0 .LBB2_2-.Ltmp0, $3  }
0x47: {  	_ =	sdelay $0x1  }
0x48: {  	s28 =	sshra.s32 s9, $0x2  }
0x49: {  	s9 =	sadd.s32 $0x40, s9;
	v3 =	vld [tilespmem:s28+$0x2800]  }
0x4a: {  	_ = 	snop  }
0x4b: {  	v6 =	vld [tilespmem:s28+$0x0]  }
0x4c: {  	v4 =	vsub.f32 v5, v4;
	_ =	sdelay $0x1  }
0x4d: {  	vm0 =	vgt.f32 v4, v2;
	vm1 =	vgt.f32 v4, v1  }
0x4e: {  	v4 =	vsel vm0, $0x9, v0;
	v5 =	vsel vm1, $0x9, v0  }
0x4f: {  	v4 =	vadd.s32 v5, v4  }
0x50: {  	[tilespmem:s25+$0x1D700] =	vst v4  }
0x51: {  	v3 =	vld.idx.msk [tilespmem:v3+s30+$0x0], $0xffff  }
0x52: {  	v4 =	vld.idx.msk [tilespmem:v6+s29+$0x0], $0xffff;
	_ =	sdelay $0x4  }
0x53: {  	v3 =	vsub.f32 v4, v3;
	_ =	sdelay $0x1  }
0x54: {  	vm14 =	vgt.f32 v3, v2;
	vm15 =	vgt.f32 v3, v1  }
0x55: {  	v3 =	vsel vm14, $0x9, v0;
	v4 =	vsel vm15, $0x9, v0  }
0x56: {  	v3 =	vadd.s32 v4, v3  }
0x57: {  	s9 =	simm.s32 $0x0;
	[tilespmem:s28+$0x1D700] =	vst v3  }
0x58: {  	[hbm4b:s13+s9] =	stream.linear.scatter [tilespmem:s4], [sflag:$0x4], $0x1388, $0x38;
	[tilespmem:$0x1FF80] =	vst v63  }
0x59: {  	_ =	swait.ge [sflag:s5], $0x1388  }
0x5a: {  	[sflag:s5] =	ssyncset.done $0x0  }
0x5b: {  	[sflag:s5] =	ssyncadd.s32 $0xFFFFEC78  }
0x5c: {  	[tilespmem:s9], [sflag:$0x2] =	stream.linear.gather [hbm4b:s14+s9], $0x1388, $0x38;
	[tilespmem:$0x1FF80] =	vst v63  }
0x5d: {  	_ = 	snop  }
0x5e: {  	[tilespmem:s31], [sflag:$0x2] =	stream.linear.gather [hbm4b:s15+s9], $0x1388, $0x38;
	[tilespmem:$0x1FF80] =	vst v63  }
0x5f: {  	_ =	swait.ge [sflag:s6], $0x1388  }
0x60: {  	[sflag:s6] =	ssyncset.done $0x0  }
0x61: {  	[sflag:s6] =	ssyncadd.s32 $0xFFFFEC78  }
0x62: {  	_ =	swait.ge [sflag:s6], $0x1388  }
0x63: {  	[sflag:s6] =	ssyncset.done $0x0  }
0x64: {  	s25 =	simm.s32 $0x0;
	[sflag:s6] =	ssyncadd.s32 $0xFFFFEC78  }
0x65: {  	v3 =	vld [tilespmem:s25+$0x3C00]  }
0x66: {  	v5 =	vld [tilespmem:s25+$0x1400];
	_ =	sdelay $0x6  }
0x67: {  	v4 =	vld.idx.msk [tilespmem:v3+s30+$0x0], $0xffff  }
0x68: {  	v5 =	vld.idx.msk [tilespmem:v5+s29+$0x0], $0xffff;
	_ =	sdelay $0x1  }
0x69: {  	s28 =	simm.s32 $0x10  }
0x6a: {  	s9 =	simm.s32 $0x80;
	v3 =	vld [tilespmem:s28+$0x3C00]  }
.LBB2_4:
0x6b: {  	p0 =	sne.s32 s9, $0x4E00;
	v6 =	vld [tilespmem:s28+$0x1400]  }
0x6c: {  	v4 =	vsub.f32 v5, v4;
	_ =	sdelay $0x1  }
0x6d: {  	vm0 =	vgt.f32 v4, v2;
	vm1 =	vgt.f32 v4, v1  }
0x6e: {  	v4 =	vsel vm0, $0x9, v0;
	v5 =	vsel vm1, $0x9, v0  }
0x6f: {  	v4 =	vadd.s32 v5, v4  }
0x70: {  	[tilespmem:s25+$0x1EB00] =	vst v4;
	s25 =	smov.u32 s28  }
0x71: {  	v4 =	vld.idx.msk [tilespmem:v3+s30+$0x0], $0xffff  }
.Ltmp1:
0x72: {  	v5 =	vld.idx.msk [tilespmem:v6+s29+$0x0], $0xffff;
	(pc) =	sbr.rel @p0 .LBB2_4-.Ltmp1, $3  }
0x73: {  	_ =	sdelay $0x1  }
0x74: {  	s28 =	sshra.s32 s9, $0x2  }
0x75: {  	s9 =	sadd.s32 $0x40, s9;
	v3 =	vld [tilespmem:s28+$0x3C00]  }
0x76: {  	_ = 	snop  }
0x77: {  	v6 =	vld [tilespmem:s28+$0x1400]  }
0x78: {  	v4 =	vsub.f32 v5, v4;
	_ =	sdelay $0x1  }
0x79: {  	vm0 =	vgt.f32 v4, v2;
	vm1 =	vgt.f32 v4, v1  }
0x7a: {  	v4 =	vsel vm0, $0x9, v0;
	v5 =	vsel vm1, $0x9, v0  }
0x7b: {  	v4 =	vadd.s32 v5, v4  }
0x7c: {  	[tilespmem:s25+$0x1EB00] =	vst v4  }
0x7d: {  	v3 =	vld.idx.msk [tilespmem:v3+s30+$0x0], $0xffff  }
0x7e: {  	v4 =	vld.idx.msk [tilespmem:v6+s29+$0x0], $0xffff;
	_ =	sdelay $0x4  }
0x7f: {  	v3 =	vsub.f32 v4, v3;
	_ =	sdelay $0x1  }
0x80: {  	vm14 =	vgt.f32 v3, v2;
	vm15 =	vgt.f32 v3, v1  }
0x81: {  	v3 =	vsel vm14, $0x9, v0;
	v4 =	vsel vm15, $0x9, v0  }
0x82: {  	v3 =	vadd.s32 v4, v3  }
0x83: {  	s9 =	simm.s32 $0x0;
	[tilespmem:s28+$0x1EB00] =	vst v3  }
0x84: {  	[hbm4b:s16+s9] =	stream.linear.scatter [tilespmem:s7], [sflag:$0x5], $0x1388, $0x38;
	[tilespmem:$0x1FF80] =	vst v63  }
0x85: {  	_ =	swait.ge [sflag:s8], $0x1388  }
0x86: {  	[sflag:s8] =	ssyncset.done $0x0  }
0x87: {  	[sflag:s8] =	ssyncadd.s32 $0xFFFFEC78  }
0x88: {  	[tilespmem:s1], [sflag:$0x3] =	stream.linear.gather [hbm4b:s17+s9], $0x1388, $0x38;
	[tilespmem:$0x1FF80] =	vst v63  }
0x89: {  	_ = 	snop  }
0x8a: {  	[tilespmem:s26], [sflag:$0x3] =	stream.linear.gather [hbm4b:s18+s9], $0x1388, $0x38;
	[tilespmem:$0x1FF80] =	vst v63  }
0x8b: {  	_ =	swait.ge [sflag:s3], $0x1388  }
0x8c: {  	[sflag:s3] =	ssyncset.done $0x0  }
0x8d: {  	[sflag:s3] =	ssyncadd.s32 $0xFFFFEC78  }
0x8e: {  	_ =	swait.ge [sflag:s3], $0x1388  }
0x8f: {  	[sflag:s3] =	ssyncset.done $0x0  }
0x90: {  	s25 =	simm.s32 $0x0;
	[sflag:s3] =	ssyncadd.s32 $0xFFFFEC78  }
0x91: {  	v3 =	vld [tilespmem:s25+$0x2800]  }
0x92: {  	v5 =	vld [tilespmem:s25+$0x0];
	_ =	sdelay $0x6  }
0x93: {  	v4 =	vld.idx.msk [tilespmem:v3+s30+$0x0], $0xffff  }
0x94: {  	v5 =	vld.idx.msk [tilespmem:v5+s29+$0x0], $0xffff;
	_ =	sdelay $0x1  }
0x95: {  	s28 =	simm.s32 $0x10  }
0x96: {  	s9 =	simm.s32 $0x80;
	v3 =	vld [tilespmem:s28+$0x2800]  }
.LBB2_6:
0x97: {  	p0 =	sne.s32 s9, $0x4E00;
	v6 =	vld [tilespmem:s28+$0x0]  }
0x98: {  	v4 =	vsub.f32 v5, v4;
	_ =	sdelay $0x1  }
0x99: {  	vm0 =	vgt.f32 v4, v2;
	vm1 =	vgt.f32 v4, v1  }
0x9a: {  	v4 =	vsel vm0, $0x9, v0;
	v5 =	vsel vm1, $0x9, v0  }
0x9b: {  	v4 =	vadd.s32 v5, v4  }
0x9c: {  	[tilespmem:s25+$0x1D700] =	vst v4;
	s25 =	smov.u32 s28  }
0x9d: {  	v4 =	vld.idx.msk [tilespmem:v3+s30+$0x0], $0xffff  }
.Ltmp2:
0x9e: {  	v5 =	vld.idx.msk [tilespmem:v6+s29+$0x0], $0xffff;
	(pc) =	sbr.rel @p0 .LBB2_6-.Ltmp2, $3  }
0x9f: {  	_ =	sdelay $0x1  }
0xa0: {  	s28 =	sshra.s32 s9, $0x2  }
0xa1: {  	s9 =	sadd.s32 $0x40, s9;
	v3 =	vld [tilespmem:s28+$0x2800]  }
0xa2: {  	_ = 	snop  }
0xa3: {  	v6 =	vld [tilespmem:s28+$0x0]  }
0xa4: {  	v4 =	vsub.f32 v5, v4;
	_ =	sdelay $0x1  }
0xa5: {  	vm0 =	vgt.f32 v4, v2;
	vm1 =	vgt.f32 v4, v1  }
0xa6: {  	v4 =	vsel vm0, $0x9, v0;
	v5 =	vsel vm1, $0x9, v0  }
0xa7: {  	v4 =	vadd.s32 v5, v4  }
0xa8: {  	[tilespmem:s25+$0x1D700] =	vst v4  }
0xa9: {  	v3 =	vld.idx.msk [tilespmem:v3+s30+$0x0], $0xffff  }
0xaa: {  	v4 =	vld.idx.msk [tilespmem:v6+s29+$0x0], $0xffff;
	_ =	sdelay $0x4  }
0xab: {  	v3 =	vsub.f32 v4, v3;
	_ =	sdelay $0x1  }
0xac: {  	vm14 =	vgt.f32 v3, v2;
	vm15 =	vgt.f32 v3, v1  }
0xad: {  	v3 =	vsel vm14, $0x9, v0;
	v4 =	vsel vm15, $0x9, v0  }
0xae: {  	v3 =	vadd.s32 v4, v3  }
0xaf: {  	s9 =	simm.s32 $0x0;
	[tilespmem:s28+$0x1D700] =	vst v3  }
0xb0: {  	[hbm4b:s19+s9] =	stream.linear.scatter [tilespmem:s4], [sflag:$0x4], $0x1388, $0x38;
	[tilespmem:$0x1FF80] =	vst v63  }
0xb1: {  	_ =	swait.ge [sflag:s5], $0x1388  }
0xb2: {  	[sflag:s5] =	ssyncset.done $0x0  }
0xb3: {  	[sflag:s5] =	ssyncadd.s32 $0xFFFFEC78  }
0xb4: {  	[tilespmem:s9], [sflag:$0x2] =	stream.linear.gather [hbm4b:s20+s9], $0x1388, $0x38;
	[tilespmem:$0x1FF80] =	vst v63  }
0xb5: {  	_ = 	snop  }
0xb6: {  	[tilespmem:s31], [sflag:$0x2] =	stream.linear.gather [hbm4b:s23+s9], $0x1388, $0x38;
	[tilespmem:$0x1FF80] =	vst v63  }
0xb7: {  	_ =	swait.ge [sflag:s6], $0x1388  }
0xb8: {  	[sflag:s6] =	ssyncset.done $0x0  }
0xb9: {  	[sflag:s6] =	ssyncadd.s32 $0xFFFFEC78  }
0xba: {  	_ =	swait.ge [sflag:s6], $0x1388  }
0xbb: {  	[sflag:s6] =	ssyncset.done $0x0  }
0xbc: {  	s25 =	simm.s32 $0x0;
	[sflag:s6] =	ssyncadd.s32 $0xFFFFEC78  }
0xbd: {  	v3 =	vld [tilespmem:s25+$0x3C00]  }
0xbe: {  	v5 =	vld [tilespmem:s25+$0x1400];
	_ =	sdelay $0x6  }
0xbf: {  	v4 =	vld.idx.msk [tilespmem:v3+s30+$0x0], $0xffff  }
0xc0: {  	v5 =	vld.idx.msk [tilespmem:v5+s29+$0x0], $0xffff;
	_ =	sdelay $0x1  }
0xc1: {  	s28 =	simm.s32 $0x10  }
0xc2: {  	s9 =	simm.s32 $0x80;
	v3 =	vld [tilespmem:s28+$0x3C00]  }
.LBB2_8:
0xc3: {  	p0 =	sne.s32 s9, $0x4E00;
	v6 =	vld [tilespmem:s28+$0x1400]  }
0xc4: {  	v4 =	vsub.f32 v5, v4;
	_ =	sdelay $0x1  }
0xc5: {  	vm0 =	vgt.f32 v4, v2;
	vm1 =	vgt.f32 v4, v1  }
0xc6: {  	v4 =	vsel vm0, $0x9, v0;
	v5 =	vsel vm1, $0x9, v0  }
0xc7: {  	v4 =	vadd.s32 v5, v4  }
0xc8: {  	[tilespmem:s25+$0x1EB00] =	vst v4;
	s25 =	smov.u32 s28  }
0xc9: {  	v4 =	vld.idx.msk [tilespmem:v3+s30+$0x0], $0xffff  }
.Ltmp3:
0xca: {  	v5 =	vld.idx.msk [tilespmem:v6+s29+$0x0], $0xffff;
	(pc) =	sbr.rel @p0 .LBB2_8-.Ltmp3, $3  }
0xcb: {  	_ =	sdelay $0x1  }
0xcc: {  	s28 =	sshra.s32 s9, $0x2  }
0xcd: {  	s9 =	sadd.s32 $0x40, s9;
	v3 =	vld [tilespmem:s28+$0x3C00]  }
0xce: {  	_ = 	snop  }
0xcf: {  	v6 =	vld [tilespmem:s28+$0x1400]  }
0xd0: {  	v4 =	vsub.f32 v5, v4;
	_ =	sdelay $0x1  }
0xd1: {  	vm0 =	vgt.f32 v4, v2;
	vm1 =	vgt.f32 v4, v1  }
0xd2: {  	v4 =	vsel vm0, $0x9, v0;
	v5 =	vsel vm1, $0x9, v0  }
0xd3: {  	v4 =	vadd.s32 v5, v4  }
0xd4: {  	[tilespmem:s25+$0x1EB00] =	vst v4  }
0xd5: {  	v3 =	vld.idx.msk [tilespmem:v3+s30+$0x0], $0xffff  }
0xd6: {  	v4 =	vld.idx.msk [tilespmem:v6+s29+$0x0], $0xffff;
	_ =	sdelay $0x4  }
0xd7: {  	v3 =	vsub.f32 v4, v3;
	_ =	sdelay $0x1  }
0xd8: {  	vm14 =	vgt.f32 v3, v2;
	vm15 =	vgt.f32 v3, v1  }
0xd9: {  	v3 =	vsel vm14, $0x9, v0;
	v4 =	vsel vm15, $0x9, v0  }
0xda: {  	v3 =	vadd.s32 v4, v3  }
0xdb: {  	s9 =	simm.s32 $0x0;
	[tilespmem:s28+$0x1EB00] =	vst v3  }
0xdc: {  	[hbm4b:s21+s9] =	stream.linear.scatter [tilespmem:s7], [sflag:$0x5], $0x1388, $0x38;
	[tilespmem:$0x1FF80] =	vst v63  }
0xdd: {  	_ =	swait.ge [sflag:s3], $0x1388  }
0xde: {  	[sflag:s3] =	ssyncset.done $0x0  }
0xdf: {  	[sflag:s3] =	ssyncadd.s32 $0xFFFFEC78  }
0xe0: {  	_ =	swait.ge [sflag:s3], $0x1388  }
0xe1: {  	[sflag:s3] =	ssyncset.done $0x0  }
0xe2: {  	s25 =	simm.s32 $0x0;
	[sflag:s3] =	ssyncadd.s32 $0xFFFFEC78  }
0xe3: {  	v3 =	vld [tilespmem:s25+$0x2800]  }
0xe4: {  	v5 =	vld [tilespmem:s25+$0x0];
	_ =	sdelay $0x6  }
0xe5: {  	v4 =	vld.idx.msk [tilespmem:v3+s30+$0x0], $0xffff  }
0xe6: {  	v5 =	vld.idx.msk [tilespmem:v5+s29+$0x0], $0xffff;
	_ =	sdelay $0x1  }
0xe7: {  	s28 =	simm.s32 $0x10  }
0xe8: {  	s9 =	simm.s32 $0x80;
	v3 =	vld [tilespmem:s28+$0x2800]  }
.LBB2_10:
0xe9: {  	p0 =	sne.s32 s9, $0x4E00;
	v6 =	vld [tilespmem:s28+$0x0]  }
0xea: {  	v4 =	vsub.f32 v5, v4;
	_ =	sdelay $0x1  }
0xeb: {  	vm0 =	vgt.f32 v4, v2;
	vm1 =	vgt.f32 v4, v1  }
0xec: {  	v4 =	vsel vm0, $0x9, v0;
	v5 =	vsel vm1, $0x9, v0  }
0xed: {  	v4 =	vadd.s32 v5, v4  }
0xee: {  	[tilespmem:s25+$0x1D700] =	vst v4;
	s25 =	smov.u32 s28  }
0xef: {  	v4 =	vld.idx.msk [tilespmem:v3+s30+$0x0], $0xffff  }
.Ltmp4:
0xf0: {  	v5 =	vld.idx.msk [tilespmem:v6+s29+$0x0], $0xffff;
	(pc) =	sbr.rel @p0 .LBB2_10-.Ltmp4, $3  }
0xf1: {  	_ =	sdelay $0x1  }
0xf2: {  	s28 =	sshra.s32 s9, $0x2  }
0xf3: {  	s9 =	sadd.s32 $0x40, s9;
	v3 =	vld [tilespmem:s28+$0x2800]  }
0xf4: {  	_ = 	snop  }
0xf5: {  	v6 =	vld [tilespmem:s28+$0x0]  }
0xf6: {  	v4 =	vsub.f32 v5, v4;
	_ =	sdelay $0x1  }
0xf7: {  	vm0 =	vgt.f32 v4, v2;
	vm1 =	vgt.f32 v4, v1  }
0xf8: {  	v4 =	vsel vm0, $0x9, v0;
	v5 =	vsel vm1, $0x9, v0  }
0xf9: {  	v4 =	vadd.s32 v5, v4  }
0xfa: {  	[tilespmem:s25+$0x1D700] =	vst v4  }
0xfb: {  	v3 =	vld.idx.msk [tilespmem:v3+s30+$0x0], $0xffff  }
0xfc: {  	v4 =	vld.idx.msk [tilespmem:v6+s29+$0x0], $0xffff;
	_ =	sdelay $0x4  }
0xfd: {  	v3 =	vsub.f32 v4, v3;
	_ =	sdelay $0x1  }
0xfe: {  	vm14 =	vgt.f32 v3, v2;
	vm15 =	vgt.f32 v3, v1  }
0xff: {  	v1 =	vsel vm14, $0x9, v0;
	v2 =	vsel vm15, $0x9, v0  }
0x100: {  	v1 =	vadd.s32 v2, v1  }
0x101: {  	s9 =	simm.s32 $0x0;
	[tilespmem:s28+$0x1D700] =	vst v1  }
0x102: {  	[hbm4b:s22+s9] =	stream.linear.scatter [tilespmem:s4], [sflag:$0x4], $0x1388, $0x38;
	[tilespmem:$0x1FF80] =	vst v63  }
0x103: {  	_ =	swait.ge [sflag:s8], $0x1388  }
0x104: {  	[sflag:s8] =	ssyncset.done $0x0  }
0x105: {  	[sflag:s8] =	ssyncadd.s32 $0xFFFFEC78  }
0x106: {  	_ =	swait.ge [sflag:s5], $0x1388  }
0x107: {  	[sflag:s5] =	ssyncset.done $0x0  }
0x108: {  	s25 =	rddreg [dreg:$0x4];
	[sflag:s5] =	ssyncadd.s32 $0xFFFFEC78  }
0x109: {  	[tilespmem:s29], [sflag:$0x1] =	stream.linear.gather [hbm4b:s25+s9], $0xC380, $0x38;
	[tilespmem:$0x1FF80] =	vst v63  }
0x10a: {  	s25 =	rddreg [dreg:$0x7]  }
0x10b: {  	[tilespmem:s30], [sflag:$0x1] =	stream.linear.gather [hbm4b:s25+s9], $0xC380, $0x38;
	[tilespmem:$0x1FF80] =	vst v63  }
0x10c: {  	s25 =	rddreg [dreg:$0x9]  }
0x10d: {  	[tilespmem:s9], [sflag:$0x2] =	stream.linear.gather [hbm4b:s25+s9], $0x1388, $0x38;
	[tilespmem:$0x1FF80] =	vst v63  }
0x10e: {  	_ = 	snop  }
0x10f: {  	[tilespmem:s31], [sflag:$0x2] =	stream.linear.gather [hbm4b:s10+s9], $0x1388, $0x38;
	[tilespmem:$0x1FF80] =	vst v63  }
0x110: {  	_ = 	snop  }
0x111: {  	[tilespmem:s4], [sflag:$0x2] =	stream.linear.gather [hbm4b:s13+s9], $0x1388, $0x38;
	[tilespmem:$0x1FF80] =	vst v63  }
0x112: {  	_ =	swait.ge [sflag:s0], $0xC380  }
0x113: {  	[sflag:s0] =	ssyncset.done $0x0  }
0x114: {  	[sflag:s0] =	ssyncadd.s32 $0xFFFF3C80  }
0x115: {  	_ =	swait.ge [sflag:s0], $0xC380  }
0x116: {  	[sflag:s0] =	ssyncset.done $0x0  }
0x117: {  	[sflag:s0] =	ssyncadd.s32 $0xFFFF3C80  }
0x118: {  	v1 =	vld [tilespmem:$0x1FF10]  }
0x119: {  	v2 =	vld [tilespmem:$0x1FF40];
	[tilespmem:s1], [sflag:$0x3] =	stream.linear.gather [hbm4b:s11+s9], $0x1388, $0x38  }
0x11a: {  	_ = 	snop  }
0x11b: {  	[tilespmem:s26], [sflag:$0x3] =	stream.linear.gather [hbm4b:s12+s9], $0x1388, $0x38;
	[tilespmem:$0x1FF80] =	vst v63  }
0x11c: {  	_ = 	snop  }
0x11d: {  	[tilespmem:s7], [sflag:$0x3] =	stream.linear.gather [hbm4b:s16+s9], $0x1388, $0x38;
	[tilespmem:$0x1FF80] =	vst v63  }
0x11e: {  	_ =	swait.ge [sflag:s3], $0x1388  }
0x11f: {  	[sflag:s3] =	ssyncset.done $0x0  }
0x120: {  	[sflag:s3] =	ssyncadd.s32 $0xFFFFEC78  }
0x121: {  	_ =	swait.ge [sflag:s3], $0x1388  }
0x122: {  	[sflag:s3] =	ssyncset.done $0x0  }
0x123: {  	[sflag:s3] =	ssyncadd.s32 $0xFFFFEC78  }
0x124: {  	_ =	swait.ge [sflag:s3], $0x1388  }
0x125: {  	[sflag:s3] =	ssyncset.done $0x0  }
0x126: {  	s25 =	simm.s32 $0x0;
	[sflag:s3] =	ssyncadd.s32 $0xFFFFEC78  }
0x127: {  	v3 =	vld [tilespmem:s25+$0x2800]  }
0x128: {  	v5 =	vld [tilespmem:s25+$0x0];
	_ =	sdelay $0x6  }
0x129: {  	v4 =	vld.idx.msk [tilespmem:v3+s30+$0x0], $0xffff  }
0x12a: {  	v6 =	vld.idx.msk [tilespmem:v5+s29+$0x0], $0xffff;
	_ =	sdelay $0x1  }
0x12b: {  	s28 =	simm.s32 $0x10  }
0x12c: {  	v3 =	vld [tilespmem:s28+$0x2800]  }
0x12d: {  	s9 =	simm.s32 $0x80;
	v5 =	vld [tilespmem:s25+$0x1D700]  }
.LBB2_12:
0x12e: {  	p0 =	sne.s32 s9, $0x4E00;
	v7 =	vld [tilespmem:s28+$0x0];
	v4 =	vsub.f32 v6, v4;
	_ =	sdelay $0x1  }
0x12f: {  	vm0 =	vgt.f32 v4, v1  }
0x130: {  	vm1 =	vgt.f32 v4, v2;
	v4 =	vsel vm0, $0x3, v0  }
0x131: {  	v6 =	vsel vm1, $0x3, v0;
	v4 =	vadd.s32 v5, v4  }
0x132: {  	v4 =	vadd.s32 v6, v4  }
0x133: {  	[tilespmem:s25+$0x1D700] =	vst v4;
	s25 =	smov.u32 s28  }
0x134: {  	v4 =	vld.idx.msk [tilespmem:v3+s30+$0x0], $0xffff  }
0x135: {  	v6 =	vld.idx.msk [tilespmem:v7+s29+$0x0], $0xffff  }
.Ltmp5:
0x136: {  	(pc) =	sbr.rel @p0 .LBB2_12-.Ltmp5, $4  }
0x137: {  	_ = 	snop  }
0x138: {  	s28 =	sshra.s32 s9, $0x2  }
0x139: {  	v3 =	vld [tilespmem:s28+$0x2800]  }
0x13a: {  	s9 =	sadd.s32 $0x40, s9;
	v5 =	vld [tilespmem:s25+$0x1D700]  }
0x13b: {  	v7 =	vld [tilespmem:s28+$0x0];
	v4 =	vsub.f32 v6, v4;
	_ =	sdelay $0x1  }
0x13c: {  	vm0 =	vgt.f32 v4, v1  }
0x13d: {  	vm1 =	vgt.f32 v4, v2;
	v4 =	vsel vm0, $0x3, v0  }
0x13e: {  	v6 =	vsel vm1, $0x3, v0;
	v4 =	vadd.s32 v5, v4  }
0x13f: {  	v4 =	vadd.s32 v6, v4  }
0x140: {  	[tilespmem:s25+$0x1D700] =	vst v4  }
0x141: {  	v3 =	vld.idx.msk [tilespmem:v3+s30+$0x0], $0xffff  }
0x142: {  	v4 =	vld.idx.msk [tilespmem:v7+s29+$0x0], $0xffff;
	_ =	sdelay $0x3  }
0x143: {  	v5 =	vld [tilespmem:s28+$0x1D700]  }
0x144: {  	v3 =	vsub.f32 v4, v3;
	_ =	sdelay $0x1  }
0x145: {  	vm14 =	vgt.f32 v3, v1  }
0x146: {  	vm15 =	vgt.f32 v3, v2;
	v3 =	vsel vm14, $0x3, v0  }
0x147: {  	v4 =	vsel vm15, $0x3, v0;
	v3 =	vadd.s32 v5, v3  }
0x148: {  	v3 =	vadd.s32 v4, v3  }
0x149: {  	s9 =	simm.s32 $0x0;
	[tilespmem:s28+$0x1D700] =	vst v3  }
0x14a: {  	[hbm4b:s13+s9] =	stream.linear.scatter [tilespmem:s4], [sflag:$0x4], $0x1388, $0x38;
	[tilespmem:$0x1FF80] =	vst v63  }
0x14b: {  	_ =	swait.ge [sflag:s5], $0x1388  }
0x14c: {  	[sflag:s5] =	ssyncset.done $0x0  }
0x14d: {  	[sflag:s5] =	ssyncadd.s32 $0xFFFFEC78  }
0x14e: {  	[tilespmem:s9], [sflag:$0x2] =	stream.linear.gather [hbm4b:s14+s9], $0x1388, $0x38;
	[tilespmem:$0x1FF80] =	vst v63  }
0x14f: {  	_ = 	snop  }
0x150: {  	[tilespmem:s31], [sflag:$0x2] =	stream.linear.gather [hbm4b:s15+s9], $0x1388, $0x38;
	[tilespmem:$0x1FF80] =	vst v63  }
0x151: {  	_ = 	snop  }
0x152: {  	[tilespmem:s4], [sflag:$0x2] =	stream.linear.gather [hbm4b:s19+s9], $0x1388, $0x38;
	[tilespmem:$0x1FF80] =	vst v63  }
0x153: {  	_ =	swait.ge [sflag:s6], $0x1388  }
0x154: {  	[sflag:s6] =	ssyncset.done $0x0  }
0x155: {  	[sflag:s6] =	ssyncadd.s32 $0xFFFFEC78  }
0x156: {  	_ =	swait.ge [sflag:s6], $0x1388  }
0x157: {  	[sflag:s6] =	ssyncset.done $0x0  }
0x158: {  	[sflag:s6] =	ssyncadd.s32 $0xFFFFEC78  }
0x159: {  	_ =	swait.ge [sflag:s6], $0x1388  }
0x15a: {  	[sflag:s6] =	ssyncset.done $0x0  }
0x15b: {  	s25 =	simm.s32 $0x0;
	[sflag:s6] =	ssyncadd.s32 $0xFFFFEC78  }
0x15c: {  	v3 =	vld [tilespmem:s25+$0x3C00]  }
0x15d: {  	v5 =	vld [tilespmem:s25+$0x1400];
	_ =	sdelay $0x6  }
0x15e: {  	v4 =	vld.idx.msk [tilespmem:v3+s30+$0x0], $0xffff  }
0x15f: {  	v6 =	vld.idx.msk [tilespmem:v5+s29+$0x0], $0xffff;
	_ =	sdelay $0x1  }
0x160: {  	s28 =	simm.s32 $0x10  }
0x161: {  	v3 =	vld [tilespmem:s28+$0x3C00]  }
0x162: {  	s9 =	simm.s32 $0x80;
	v5 =	vld [tilespmem:s25+$0x1EB00]  }
.LBB2_14:
0x163: {  	p0 =	sne.s32 s9, $0x4E00;
	v7 =	vld [tilespmem:s28+$0x1400];
	v4 =	vsub.f32 v6, v4;
	_ =	sdelay $0x1  }
0x164: {  	vm0 =	vgt.f32 v4, v1  }
0x165: {  	vm1 =	vgt.f32 v4, v2;
	v4 =	vsel vm0, $0x3, v0  }
0x166: {  	v6 =	vsel vm1, $0x3, v0;
	v4 =	vadd.s32 v5, v4  }
0x167: {  	v4 =	vadd.s32 v6, v4  }
0x168: {  	[tilespmem:s25+$0x1EB00] =	vst v4;
	s25 =	smov.u32 s28  }
0x169: {  	v4 =	vld.idx.msk [tilespmem:v3+s30+$0x0], $0xffff  }
0x16a: {  	v6 =	vld.idx.msk [tilespmem:v7+s29+$0x0], $0xffff  }
.Ltmp6:
0x16b: {  	(pc) =	sbr.rel @p0 .LBB2_14-.Ltmp6, $4  }
0x16c: {  	_ = 	snop  }
0x16d: {  	s28 =	sshra.s32 s9, $0x2  }
0x16e: {  	v3 =	vld [tilespmem:s28+$0x3C00]  }
0x16f: {  	s9 =	sadd.s32 $0x40, s9;
	v5 =	vld [tilespmem:s25+$0x1EB00]  }
0x170: {  	v7 =	vld [tilespmem:s28+$0x1400];
	v4 =	vsub.f32 v6, v4;
	_ =	sdelay $0x1  }
0x171: {  	vm0 =	vgt.f32 v4, v1  }
0x172: {  	vm1 =	vgt.f32 v4, v2;
	v4 =	vsel vm0, $0x3, v0  }
0x173: {  	v6 =	vsel vm1, $0x3, v0;
	v4 =	vadd.s32 v5, v4  }
0x174: {  	v4 =	vadd.s32 v6, v4  }
0x175: {  	[tilespmem:s25+$0x1EB00] =	vst v4  }
0x176: {  	v3 =	vld.idx.msk [tilespmem:v3+s30+$0x0], $0xffff  }
0x177: {  	v4 =	vld.idx.msk [tilespmem:v7+s29+$0x0], $0xffff;
	_ =	sdelay $0x3  }
0x178: {  	v5 =	vld [tilespmem:s28+$0x1EB00]  }
0x179: {  	v3 =	vsub.f32 v4, v3;
	_ =	sdelay $0x1  }
0x17a: {  	vm14 =	vgt.f32 v3, v1  }
0x17b: {  	vm15 =	vgt.f32 v3, v2;
	v3 =	vsel vm14, $0x3, v0  }
0x17c: {  	v4 =	vsel vm15, $0x3, v0;
	v3 =	vadd.s32 v5, v3  }
0x17d: {  	v3 =	vadd.s32 v4, v3  }
0x17e: {  	s9 =	simm.s32 $0x0;
	[tilespmem:s28+$0x1EB00] =	vst v3  }
0x17f: {  	[hbm4b:s16+s9] =	stream.linear.scatter [tilespmem:s7], [sflag:$0x5], $0x1388, $0x38;
	[tilespmem:$0x1FF80] =	vst v63  }
0x180: {  	_ =	swait.ge [sflag:s8], $0x1388  }
0x181: {  	[sflag:s8] =	ssyncset.done $0x0  }
0x182: {  	[sflag:s8] =	ssyncadd.s32 $0xFFFFEC78  }
0x183: {  	[tilespmem:s1], [sflag:$0x3] =	stream.linear.gather [hbm4b:s17+s9], $0x1388, $0x38;
	[tilespmem:$0x1FF80] =	vst v63  }
0x184: {  	_ = 	snop  }
0x185: {  	[tilespmem:s26], [sflag:$0x3] =	stream.linear.gather [hbm4b:s18+s9], $0x1388, $0x38;
	[tilespmem:$0x1FF80] =	vst v63  }
0x186: {  	_ = 	snop  }
0x187: {  	[tilespmem:s7], [sflag:$0x3] =	stream.linear.gather [hbm4b:s21+s9], $0x1388, $0x38;
	[tilespmem:$0x1FF80] =	vst v63  }
0x188: {  	_ =	swait.ge [sflag:s3], $0x1388  }
0x189: {  	[sflag:s3] =	ssyncset.done $0x0  }
0x18a: {  	[sflag:s3] =	ssyncadd.s32 $0xFFFFEC78  }
0x18b: {  	_ =	swait.ge [sflag:s3], $0x1388  }
0x18c: {  	[sflag:s3] =	ssyncset.done $0x0  }
0x18d: {  	[sflag:s3] =	ssyncadd.s32 $0xFFFFEC78  }
0x18e: {  	_ =	swait.ge [sflag:s3], $0x1388  }
0x18f: {  	[sflag:s3] =	ssyncset.done $0x0  }
0x190: {  	s25 =	simm.s32 $0x0;
	[sflag:s3] =	ssyncadd.s32 $0xFFFFEC78  }
0x191: {  	v3 =	vld [tilespmem:s25+$0x2800]  }
0x192: {  	v5 =	vld [tilespmem:s25+$0x0];
	_ =	sdelay $0x6  }
0x193: {  	v4 =	vld.idx.msk [tilespmem:v3+s30+$0x0], $0xffff  }
0x194: {  	v6 =	vld.idx.msk [tilespmem:v5+s29+$0x0], $0xffff;
	_ =	sdelay $0x1  }
0x195: {  	s28 =	simm.s32 $0x10  }
0x196: {  	v3 =	vld [tilespmem:s28+$0x2800]  }
0x197: {  	s9 =	simm.s32 $0x80;
	v5 =	vld [tilespmem:s25+$0x1D700]  }
.LBB2_16:
0x198: {  	p0 =	sne.s32 s9, $0x4E00;
	v7 =	vld [tilespmem:s28+$0x0];
	v4 =	vsub.f32 v6, v4;
	_ =	sdelay $0x1  }
0x199: {  	vm0 =	vgt.f32 v4, v1  }
0x19a: {  	vm1 =	vgt.f32 v4, v2;
	v4 =	vsel vm0, $0x3, v0  }
0x19b: {  	v6 =	vsel vm1, $0x3, v0;
	v4 =	vadd.s32 v5, v4  }
0x19c: {  	v4 =	vadd.s32 v6, v4  }
0x19d: {  	[tilespmem:s25+$0x1D700] =	vst v4;
	s25 =	smov.u32 s28  }
0x19e: {  	v4 =	vld.idx.msk [tilespmem:v3+s30+$0x0], $0xffff  }
0x19f: {  	v6 =	vld.idx.msk [tilespmem:v7+s29+$0x0], $0xffff  }
.Ltmp7:
0x1a0: {  	(pc) =	sbr.rel @p0 .LBB2_16-.Ltmp7, $4  }
0x1a1: {  	_ = 	snop  }
0x1a2: {  	s28 =	sshra.s32 s9, $0x2  }
0x1a3: {  	v3 =	vld [tilespmem:s28+$0x2800]  }
0x1a4: {  	s9 =	sadd.s32 $0x40, s9;
	v5 =	vld [tilespmem:s25+$0x1D700]  }
0x1a5: {  	v7 =	vld [tilespmem:s28+$0x0];
	v4 =	vsub.f32 v6, v4;
	_ =	sdelay $0x1  }
0x1a6: {  	vm0 =	vgt.f32 v4, v1  }
0x1a7: {  	vm1 =	vgt.f32 v4, v2;
	v4 =	vsel vm0, $0x3, v0  }
0x1a8: {  	v6 =	vsel vm1, $0x3, v0;
	v4 =	vadd.s32 v5, v4  }
0x1a9: {  	v4 =	vadd.s32 v6, v4  }
0x1aa: {  	[tilespmem:s25+$0x1D700] =	vst v4  }
0x1ab: {  	v3 =	vld.idx.msk [tilespmem:v3+s30+$0x0], $0xffff  }
0x1ac: {  	v4 =	vld.idx.msk [tilespmem:v7+s29+$0x0], $0xffff;
	_ =	sdelay $0x3  }
0x1ad: {  	v5 =	vld [tilespmem:s28+$0x1D700]  }
0x1ae: {  	v3 =	vsub.f32 v4, v3;
	_ =	sdelay $0x1  }
0x1af: {  	vm14 =	vgt.f32 v3, v1  }
0x1b0: {  	vm15 =	vgt.f32 v3, v2;
	v3 =	vsel vm14, $0x3, v0  }
0x1b1: {  	v4 =	vsel vm15, $0x3, v0;
	v3 =	vadd.s32 v5, v3  }
0x1b2: {  	v3 =	vadd.s32 v4, v3  }
0x1b3: {  	s9 =	simm.s32 $0x0;
	[tilespmem:s28+$0x1D700] =	vst v3  }
0x1b4: {  	[hbm4b:s19+s9] =	stream.linear.scatter [tilespmem:s4], [sflag:$0x4], $0x1388, $0x38;
	[tilespmem:$0x1FF80] =	vst v63  }
0x1b5: {  	_ =	swait.ge [sflag:s5], $0x1388  }
0x1b6: {  	[sflag:s5] =	ssyncset.done $0x0  }
0x1b7: {  	[sflag:s5] =	ssyncadd.s32 $0xFFFFEC78  }
0x1b8: {  	[tilespmem:s9], [sflag:$0x2] =	stream.linear.gather [hbm4b:s20+s9], $0x1388, $0x38;
	[tilespmem:$0x1FF80] =	vst v63  }
0x1b9: {  	_ = 	snop  }
0x1ba: {  	[tilespmem:s31], [sflag:$0x2] =	stream.linear.gather [hbm4b:s23+s9], $0x1388, $0x38;
	[tilespmem:$0x1FF80] =	vst v63  }
0x1bb: {  	_ = 	snop  }
0x1bc: {  	[tilespmem:s4], [sflag:$0x2] =	stream.linear.gather [hbm4b:s22+s9], $0x1388, $0x38;
	[tilespmem:$0x1FF80] =	vst v63  }
0x1bd: {  	_ =	swait.ge [sflag:s6], $0x1388  }
0x1be: {  	[sflag:s6] =	ssyncset.done $0x0  }
0x1bf: {  	[sflag:s6] =	ssyncadd.s32 $0xFFFFEC78  }
0x1c0: {  	_ =	swait.ge [sflag:s6], $0x1388  }
0x1c1: {  	[sflag:s6] =	ssyncset.done $0x0  }
0x1c2: {  	[sflag:s6] =	ssyncadd.s32 $0xFFFFEC78  }
0x1c3: {  	_ =	swait.ge [sflag:s6], $0x1388  }
0x1c4: {  	[sflag:s6] =	ssyncset.done $0x0  }
0x1c5: {  	s25 =	simm.s32 $0x0;
	[sflag:s6] =	ssyncadd.s32 $0xFFFFEC78  }
0x1c6: {  	v3 =	vld [tilespmem:s25+$0x3C00]  }
0x1c7: {  	v5 =	vld [tilespmem:s25+$0x1400];
	_ =	sdelay $0x6  }
0x1c8: {  	v4 =	vld.idx.msk [tilespmem:v3+s30+$0x0], $0xffff  }
0x1c9: {  	v6 =	vld.idx.msk [tilespmem:v5+s29+$0x0], $0xffff;
	_ =	sdelay $0x1  }
0x1ca: {  	s28 =	simm.s32 $0x10  }
0x1cb: {  	v3 =	vld [tilespmem:s28+$0x3C00]  }
0x1cc: {  	s9 =	simm.s32 $0x80;
	v5 =	vld [tilespmem:s25+$0x1EB00]  }
.LBB2_18:
0x1cd: {  	p0 =	sne.s32 s9, $0x4E00;
	v7 =	vld [tilespmem:s28+$0x1400];
	v4 =	vsub.f32 v6, v4;
	_ =	sdelay $0x1  }
0x1ce: {  	vm0 =	vgt.f32 v4, v1  }
0x1cf: {  	vm1 =	vgt.f32 v4, v2;
	v4 =	vsel vm0, $0x3, v0  }
0x1d0: {  	v6 =	vsel vm1, $0x3, v0;
	v4 =	vadd.s32 v5, v4  }
0x1d1: {  	v4 =	vadd.s32 v6, v4  }
0x1d2: {  	[tilespmem:s25+$0x1EB00] =	vst v4;
	s25 =	smov.u32 s28  }
0x1d3: {  	v4 =	vld.idx.msk [tilespmem:v3+s30+$0x0], $0xffff  }
0x1d4: {  	v6 =	vld.idx.msk [tilespmem:v7+s29+$0x0], $0xffff  }
.Ltmp8:
0x1d5: {  	(pc) =	sbr.rel @p0 .LBB2_18-.Ltmp8, $4  }
0x1d6: {  	_ = 	snop  }
0x1d7: {  	s28 =	sshra.s32 s9, $0x2  }
0x1d8: {  	v3 =	vld [tilespmem:s28+$0x3C00]  }
0x1d9: {  	s9 =	sadd.s32 $0x40, s9;
	v5 =	vld [tilespmem:s25+$0x1EB00]  }
0x1da: {  	v7 =	vld [tilespmem:s28+$0x1400];
	v4 =	vsub.f32 v6, v4;
	_ =	sdelay $0x1  }
0x1db: {  	vm0 =	vgt.f32 v4, v1  }
0x1dc: {  	vm1 =	vgt.f32 v4, v2;
	v4 =	vsel vm0, $0x3, v0  }
0x1dd: {  	v6 =	vsel vm1, $0x3, v0;
	v4 =	vadd.s32 v5, v4  }
0x1de: {  	v4 =	vadd.s32 v6, v4  }
0x1df: {  	[tilespmem:s25+$0x1EB00] =	vst v4  }
0x1e0: {  	v3 =	vld.idx.msk [tilespmem:v3+s30+$0x0], $0xffff  }
0x1e1: {  	v4 =	vld.idx.msk [tilespmem:v7+s29+$0x0], $0xffff;
	_ =	sdelay $0x3  }
0x1e2: {  	v5 =	vld [tilespmem:s28+$0x1EB00]  }
0x1e3: {  	v3 =	vsub.f32 v4, v3;
	_ =	sdelay $0x1  }
0x1e4: {  	vm14 =	vgt.f32 v3, v1  }
0x1e5: {  	vm15 =	vgt.f32 v3, v2;
	v3 =	vsel vm14, $0x3, v0  }
0x1e6: {  	v4 =	vsel vm15, $0x3, v0;
	v3 =	vadd.s32 v5, v3  }
0x1e7: {  	v3 =	vadd.s32 v4, v3  }
0x1e8: {  	s9 =	simm.s32 $0x0;
	[tilespmem:s28+$0x1EB00] =	vst v3  }
0x1e9: {  	[hbm4b:s21+s9] =	stream.linear.scatter [tilespmem:s7], [sflag:$0x5], $0x1388, $0x38;
	[tilespmem:$0x1FF80] =	vst v63  }
0x1ea: {  	_ =	swait.ge [sflag:s3], $0x1388  }
0x1eb: {  	[sflag:s3] =	ssyncset.done $0x0  }
0x1ec: {  	[sflag:s3] =	ssyncadd.s32 $0xFFFFEC78  }
0x1ed: {  	_ =	swait.ge [sflag:s3], $0x1388  }
0x1ee: {  	[sflag:s3] =	ssyncset.done $0x0  }
0x1ef: {  	[sflag:s3] =	ssyncadd.s32 $0xFFFFEC78  }
0x1f0: {  	_ =	swait.ge [sflag:s3], $0x1388  }
0x1f1: {  	[sflag:s3] =	ssyncset.done $0x0  }
0x1f2: {  	s25 =	simm.s32 $0x0;
	[sflag:s3] =	ssyncadd.s32 $0xFFFFEC78  }
0x1f3: {  	v3 =	vld [tilespmem:s25+$0x2800]  }
0x1f4: {  	v5 =	vld [tilespmem:s25+$0x0];
	_ =	sdelay $0x6  }
0x1f5: {  	v4 =	vld.idx.msk [tilespmem:v3+s30+$0x0], $0xffff  }
0x1f6: {  	v6 =	vld.idx.msk [tilespmem:v5+s29+$0x0], $0xffff;
	_ =	sdelay $0x1  }
0x1f7: {  	s28 =	simm.s32 $0x10  }
0x1f8: {  	v3 =	vld [tilespmem:s28+$0x2800]  }
0x1f9: {  	s9 =	simm.s32 $0x80;
	v5 =	vld [tilespmem:s25+$0x1D700]  }
.LBB2_20:
0x1fa: {  	p0 =	sne.s32 s9, $0x4E00;
	v7 =	vld [tilespmem:s28+$0x0];
	v4 =	vsub.f32 v6, v4;
	_ =	sdelay $0x1  }
0x1fb: {  	vm0 =	vgt.f32 v4, v1  }
0x1fc: {  	vm1 =	vgt.f32 v4, v2;
	v4 =	vsel vm0, $0x3, v0  }
0x1fd: {  	v6 =	vsel vm1, $0x3, v0;
	v4 =	vadd.s32 v5, v4  }
0x1fe: {  	v4 =	vadd.s32 v6, v4  }
0x1ff: {  	[tilespmem:s25+$0x1D700] =	vst v4;
	s25 =	smov.u32 s28  }
0x200: {  	v4 =	vld.idx.msk [tilespmem:v3+s30+$0x0], $0xffff  }
0x201: {  	v6 =	vld.idx.msk [tilespmem:v7+s29+$0x0], $0xffff  }
.Ltmp9:
0x202: {  	(pc) =	sbr.rel @p0 .LBB2_20-.Ltmp9, $4  }
0x203: {  	_ = 	snop  }
0x204: {  	s28 =	sshra.s32 s9, $0x2  }
0x205: {  	v3 =	vld [tilespmem:s28+$0x2800]  }
0x206: {  	s9 =	sadd.s32 $0x40, s9;
	v5 =	vld [tilespmem:s25+$0x1D700]  }
0x207: {  	v7 =	vld [tilespmem:s28+$0x0];
	v4 =	vsub.f32 v6, v4;
	_ =	sdelay $0x1  }
0x208: {  	vm0 =	vgt.f32 v4, v1  }
0x209: {  	vm1 =	vgt.f32 v4, v2;
	v4 =	vsel vm0, $0x3, v0  }
0x20a: {  	v6 =	vsel vm1, $0x3, v0;
	v4 =	vadd.s32 v5, v4  }
0x20b: {  	v4 =	vadd.s32 v6, v4  }
0x20c: {  	[tilespmem:s25+$0x1D700] =	vst v4  }
0x20d: {  	v3 =	vld.idx.msk [tilespmem:v3+s30+$0x0], $0xffff  }
0x20e: {  	v4 =	vld.idx.msk [tilespmem:v7+s29+$0x0], $0xffff;
	_ =	sdelay $0x3  }
0x20f: {  	v5 =	vld [tilespmem:s28+$0x1D700]  }
0x210: {  	v3 =	vsub.f32 v4, v3;
	_ =	sdelay $0x1  }
0x211: {  	vm14 =	vgt.f32 v3, v1  }
0x212: {  	vm15 =	vgt.f32 v3, v2;
	v1 =	vsel vm14, $0x3, v0  }
0x213: {  	v2 =	vsel vm15, $0x3, v0;
	v1 =	vadd.s32 v5, v1  }
0x214: {  	v1 =	vadd.s32 v2, v1  }
0x215: {  	s9 =	simm.s32 $0x0;
	[tilespmem:s28+$0x1D700] =	vst v1  }
0x216: {  	[hbm4b:s22+s9] =	stream.linear.scatter [tilespmem:s4], [sflag:$0x4], $0x1388, $0x38;
	[tilespmem:$0x1FF80] =	vst v63  }
0x217: {  	_ =	swait.ge [sflag:s8], $0x1388  }
0x218: {  	[sflag:s8] =	ssyncset.done $0x0  }
0x219: {  	[sflag:s8] =	ssyncadd.s32 $0xFFFFEC78  }
0x21a: {  	_ =	swait.ge [sflag:s5], $0x1388  }
0x21b: {  	[sflag:s5] =	ssyncset.done $0x0  }
0x21c: {  	s25 =	rddreg [dreg:$0x5];
	[sflag:s5] =	ssyncadd.s32 $0xFFFFEC78  }
0x21d: {  	[tilespmem:s29], [sflag:$0x1] =	stream.linear.gather [hbm4b:s25+s9], $0xC380, $0x38;
	[tilespmem:$0x1FF80] =	vst v63  }
0x21e: {  	s25 =	rddreg [dreg:$0x8]  }
0x21f: {  	[tilespmem:s30], [sflag:$0x1] =	stream.linear.gather [hbm4b:s25+s9], $0xC380, $0x38;
	[tilespmem:$0x1FF80] =	vst v63  }
0x220: {  	s25 =	rddreg [dreg:$0x9]  }
0x221: {  	[tilespmem:s9], [sflag:$0x2] =	stream.linear.gather [hbm4b:s25+s9], $0x1388, $0x38;
	[tilespmem:$0x1FF80] =	vst v63  }
0x222: {  	_ = 	snop  }
0x223: {  	[tilespmem:s31], [sflag:$0x2] =	stream.linear.gather [hbm4b:s10+s9], $0x1388, $0x38;
	[tilespmem:$0x1FF80] =	vst v63  }
0x224: {  	_ = 	snop  }
0x225: {  	[tilespmem:s4], [sflag:$0x2] =	stream.linear.gather [hbm4b:s13+s9], $0x1388, $0x38;
	[tilespmem:$0x1FF80] =	vst v63  }
0x226: {  	_ =	swait.ge [sflag:s0], $0xC380  }
0x227: {  	[sflag:s0] =	ssyncset.done $0x0  }
0x228: {  	[sflag:s0] =	ssyncadd.s32 $0xFFFF3C80  }
0x229: {  	_ =	swait.ge [sflag:s0], $0xC380  }
0x22a: {  	[sflag:s0] =	ssyncset.done $0x0  }
0x22b: {  	[sflag:s0] =	ssyncadd.s32 $0xFFFF3C80  }
0x22c: {  	v1 =	vld [tilespmem:$0x1FF20]  }
0x22d: {  	v2 =	vld [tilespmem:$0x1FF50];
	[tilespmem:s1], [sflag:$0x3] =	stream.linear.gather [hbm4b:s11+s9], $0x1388, $0x38  }
0x22e: {  	_ = 	snop  }
0x22f: {  	[tilespmem:s26], [sflag:$0x3] =	stream.linear.gather [hbm4b:s12+s9], $0x1388, $0x38;
	[tilespmem:$0x1FF80] =	vst v63  }
0x230: {  	_ = 	snop  }
0x231: {  	[tilespmem:s7], [sflag:$0x3] =	stream.linear.gather [hbm4b:s16+s9], $0x1388, $0x38;
	[tilespmem:$0x1FF80] =	vst v63  }
0x232: {  	_ =	swait.ge [sflag:s3], $0x1388  }
0x233: {  	[sflag:s3] =	ssyncset.done $0x0  }
0x234: {  	[sflag:s3] =	ssyncadd.s32 $0xFFFFEC78  }
0x235: {  	_ =	swait.ge [sflag:s3], $0x1388  }
0x236: {  	[sflag:s3] =	ssyncset.done $0x0  }
0x237: {  	[sflag:s3] =	ssyncadd.s32 $0xFFFFEC78  }
0x238: {  	_ =	swait.ge [sflag:s3], $0x1388  }
0x239: {  	[sflag:s3] =	ssyncset.done $0x0  }
0x23a: {  	s25 =	simm.s32 $0x0;
	[sflag:s3] =	ssyncadd.s32 $0xFFFFEC78  }
0x23b: {  	v3 =	vld [tilespmem:s25+$0x2800]  }
0x23c: {  	v5 =	vld [tilespmem:s25+$0x0];
	_ =	sdelay $0x6  }
0x23d: {  	v4 =	vld.idx.msk [tilespmem:v3+s30+$0x0], $0xffff  }
0x23e: {  	v6 =	vld.idx.msk [tilespmem:v5+s29+$0x0], $0xffff;
	_ =	sdelay $0x1  }
0x23f: {  	s28 =	simm.s32 $0x10  }
0x240: {  	v3 =	vld [tilespmem:s28+$0x2800]  }
0x241: {  	s9 =	simm.s32 $0x80;
	v5 =	vld [tilespmem:s25+$0x1D700]  }
.LBB2_22:
0x242: {  	p0 =	sne.s32 s9, $0x4E00;
	v7 =	vld [tilespmem:s28+$0x0];
	v4 =	vsub.f32 v6, v4;
	_ =	sdelay $0x1  }
0x243: {  	vm0 =	vgt.f32 v4, v1  }
0x244: {  	vm1 =	vgt.f32 v4, v2;
	v4 =	vsel vm0, $0x1, v0  }
0x245: {  	v6 =	vsel vm1, $0x1, v0;
	v4 =	vadd.s32 v4, v5  }
0x246: {  	v4 =	vadd.s32 v6, v4  }
0x247: {  	[tilespmem:s25+$0x1D700] =	vst v4;
	s25 =	smov.u32 s28  }
0x248: {  	v4 =	vld.idx.msk [tilespmem:v3+s30+$0x0], $0xffff  }
0x249: {  	v6 =	vld.idx.msk [tilespmem:v7+s29+$0x0], $0xffff  }
.Ltmp10:
0x24a: {  	(pc) =	sbr.rel @p0 .LBB2_22-.Ltmp10, $4  }
0x24b: {  	_ = 	snop  }
0x24c: {  	s28 =	sshra.s32 s9, $0x2  }
0x24d: {  	v3 =	vld [tilespmem:s28+$0x2800]  }
0x24e: {  	s9 =	sadd.s32 $0x40, s9;
	v5 =	vld [tilespmem:s25+$0x1D700]  }
0x24f: {  	v7 =	vld [tilespmem:s28+$0x0];
	v4 =	vsub.f32 v6, v4;
	_ =	sdelay $0x1  }
0x250: {  	vm0 =	vgt.f32 v4, v1  }
0x251: {  	vm1 =	vgt.f32 v4, v2;
	v4 =	vsel vm0, $0x1, v0  }
0x252: {  	v6 =	vsel vm1, $0x1, v0;
	v4 =	vadd.s32 v4, v5  }
0x253: {  	v4 =	vadd.s32 v6, v4  }
0x254: {  	[tilespmem:s25+$0x1D700] =	vst v4  }
0x255: {  	v3 =	vld.idx.msk [tilespmem:v3+s30+$0x0], $0xffff  }
0x256: {  	v4 =	vld.idx.msk [tilespmem:v7+s29+$0x0], $0xffff;
	_ =	sdelay $0x3  }
0x257: {  	v5 =	vld [tilespmem:s28+$0x1D700]  }
0x258: {  	v3 =	vsub.f32 v4, v3;
	_ =	sdelay $0x1  }
0x259: {  	vm14 =	vgt.f32 v3, v1  }
0x25a: {  	vm15 =	vgt.f32 v3, v2;
	v3 =	vsel vm14, $0x1, v0  }
0x25b: {  	v4 =	vsel vm15, $0x1, v0;
	v3 =	vadd.s32 v3, v5  }
0x25c: {  	v3 =	vadd.s32 v4, v3  }
0x25d: {  	s9 =	simm.s32 $0x0;
	[tilespmem:s28+$0x1D700] =	vst v3  }
0x25e: {  	[hbm4b:s13+s9] =	stream.linear.scatter [tilespmem:s4], [sflag:$0x4], $0x1388, $0x38;
	[tilespmem:$0x1FF80] =	vst v63  }
0x25f: {  	_ =	swait.ge [sflag:s5], $0x1388  }
0x260: {  	[sflag:s5] =	ssyncset.done $0x0  }
0x261: {  	[sflag:s5] =	ssyncadd.s32 $0xFFFFEC78  }
0x262: {  	[tilespmem:s9], [sflag:$0x2] =	stream.linear.gather [hbm4b:s14+s9], $0x1388, $0x38;
	[tilespmem:$0x1FF80] =	vst v63  }
0x263: {  	_ = 	snop  }
0x264: {  	[tilespmem:s31], [sflag:$0x2] =	stream.linear.gather [hbm4b:s15+s9], $0x1388, $0x38;
	[tilespmem:$0x1FF80] =	vst v63  }
0x265: {  	_ = 	snop  }
0x266: {  	[tilespmem:s4], [sflag:$0x2] =	stream.linear.gather [hbm4b:s19+s9], $0x1388, $0x38;
	[tilespmem:$0x1FF80] =	vst v63  }
0x267: {  	_ =	swait.ge [sflag:s6], $0x1388  }
0x268: {  	[sflag:s6] =	ssyncset.done $0x0  }
0x269: {  	[sflag:s6] =	ssyncadd.s32 $0xFFFFEC78  }
0x26a: {  	_ =	swait.ge [sflag:s6], $0x1388  }
0x26b: {  	[sflag:s6] =	ssyncset.done $0x0  }
0x26c: {  	[sflag:s6] =	ssyncadd.s32 $0xFFFFEC78  }
0x26d: {  	_ =	swait.ge [sflag:s6], $0x1388  }
0x26e: {  	[sflag:s6] =	ssyncset.done $0x0  }
0x26f: {  	s25 =	simm.s32 $0x0;
	[sflag:s6] =	ssyncadd.s32 $0xFFFFEC78  }
0x270: {  	v3 =	vld [tilespmem:s25+$0x3C00]  }
0x271: {  	v5 =	vld [tilespmem:s25+$0x1400];
	_ =	sdelay $0x6  }
0x272: {  	v4 =	vld.idx.msk [tilespmem:v3+s30+$0x0], $0xffff  }
0x273: {  	v6 =	vld.idx.msk [tilespmem:v5+s29+$0x0], $0xffff;
	_ =	sdelay $0x1  }
0x274: {  	s28 =	simm.s32 $0x10  }
0x275: {  	v3 =	vld [tilespmem:s28+$0x3C00]  }
0x276: {  	s9 =	simm.s32 $0x80;
	v5 =	vld [tilespmem:s25+$0x1EB00]  }
.LBB2_24:
0x277: {  	p0 =	sne.s32 s9, $0x4E00;
	v7 =	vld [tilespmem:s28+$0x1400];
	v4 =	vsub.f32 v6, v4;
	_ =	sdelay $0x1  }
0x278: {  	vm0 =	vgt.f32 v4, v1  }
0x279: {  	vm1 =	vgt.f32 v4, v2;
	v4 =	vsel vm0, $0x1, v0  }
0x27a: {  	v6 =	vsel vm1, $0x1, v0;
	v4 =	vadd.s32 v4, v5  }
0x27b: {  	v4 =	vadd.s32 v6, v4  }
0x27c: {  	[tilespmem:s25+$0x1EB00] =	vst v4;
	s25 =	smov.u32 s28  }
0x27d: {  	v4 =	vld.idx.msk [tilespmem:v3+s30+$0x0], $0xffff  }
0x27e: {  	v6 =	vld.idx.msk [tilespmem:v7+s29+$0x0], $0xffff  }
.Ltmp11:
0x27f: {  	(pc) =	sbr.rel @p0 .LBB2_24-.Ltmp11, $4  }
0x280: {  	_ = 	snop  }
0x281: {  	s28 =	sshra.s32 s9, $0x2  }
0x282: {  	v3 =	vld [tilespmem:s28+$0x3C00]  }
0x283: {  	s9 =	sadd.s32 $0x40, s9;
	v5 =	vld [tilespmem:s25+$0x1EB00]  }
0x284: {  	v7 =	vld [tilespmem:s28+$0x1400];
	v4 =	vsub.f32 v6, v4;
	_ =	sdelay $0x1  }
0x285: {  	vm0 =	vgt.f32 v4, v1  }
0x286: {  	vm1 =	vgt.f32 v4, v2;
	v4 =	vsel vm0, $0x1, v0  }
0x287: {  	v6 =	vsel vm1, $0x1, v0;
	v4 =	vadd.s32 v4, v5  }
0x288: {  	v4 =	vadd.s32 v6, v4  }
0x289: {  	[tilespmem:s25+$0x1EB00] =	vst v4  }
0x28a: {  	v3 =	vld.idx.msk [tilespmem:v3+s30+$0x0], $0xffff  }
0x28b: {  	v4 =	vld.idx.msk [tilespmem:v7+s29+$0x0], $0xffff;
	_ =	sdelay $0x3  }
0x28c: {  	v5 =	vld [tilespmem:s28+$0x1EB00]  }
0x28d: {  	v3 =	vsub.f32 v4, v3;
	_ =	sdelay $0x1  }
0x28e: {  	vm14 =	vgt.f32 v3, v1  }
0x28f: {  	vm15 =	vgt.f32 v3, v2;
	v3 =	vsel vm14, $0x1, v0  }
0x290: {  	v4 =	vsel vm15, $0x1, v0;
	v3 =	vadd.s32 v3, v5  }
0x291: {  	v3 =	vadd.s32 v4, v3  }
0x292: {  	s9 =	simm.s32 $0x0;
	[tilespmem:s28+$0x1EB00] =	vst v3  }
0x293: {  	[hbm4b:s16+s9] =	stream.linear.scatter [tilespmem:s7], [sflag:$0x5], $0x1388, $0x38;
	[tilespmem:$0x1FF80] =	vst v63  }
0x294: {  	_ =	swait.ge [sflag:s8], $0x1388  }
0x295: {  	[sflag:s8] =	ssyncset.done $0x0  }
0x296: {  	[sflag:s8] =	ssyncadd.s32 $0xFFFFEC78  }
0x297: {  	[tilespmem:s1], [sflag:$0x3] =	stream.linear.gather [hbm4b:s17+s9], $0x1388, $0x38;
	[tilespmem:$0x1FF80] =	vst v63  }
0x298: {  	_ = 	snop  }
0x299: {  	[tilespmem:s26], [sflag:$0x3] =	stream.linear.gather [hbm4b:s18+s9], $0x1388, $0x38;
	[tilespmem:$0x1FF80] =	vst v63  }
0x29a: {  	_ = 	snop  }
0x29b: {  	[tilespmem:s7], [sflag:$0x3] =	stream.linear.gather [hbm4b:s21+s9], $0x1388, $0x38;
	[tilespmem:$0x1FF80] =	vst v63  }
0x29c: {  	_ =	swait.ge [sflag:s3], $0x1388  }
0x29d: {  	[sflag:s3] =	ssyncset.done $0x0  }
0x29e: {  	[sflag:s3] =	ssyncadd.s32 $0xFFFFEC78  }
0x29f: {  	_ =	swait.ge [sflag:s3], $0x1388  }
0x2a0: {  	[sflag:s3] =	ssyncset.done $0x0  }
0x2a1: {  	[sflag:s3] =	ssyncadd.s32 $0xFFFFEC78  }
0x2a2: {  	_ =	swait.ge [sflag:s3], $0x1388  }
0x2a3: {  	[sflag:s3] =	ssyncset.done $0x0  }
0x2a4: {  	s25 =	simm.s32 $0x0;
	[sflag:s3] =	ssyncadd.s32 $0xFFFFEC78  }
0x2a5: {  	v3 =	vld [tilespmem:s25+$0x2800]  }
0x2a6: {  	v5 =	vld [tilespmem:s25+$0x0];
	_ =	sdelay $0x6  }
0x2a7: {  	v4 =	vld.idx.msk [tilespmem:v3+s30+$0x0], $0xffff  }
0x2a8: {  	v6 =	vld.idx.msk [tilespmem:v5+s29+$0x0], $0xffff;
	_ =	sdelay $0x1  }
0x2a9: {  	s28 =	simm.s32 $0x10  }
0x2aa: {  	v3 =	vld [tilespmem:s28+$0x2800]  }
0x2ab: {  	s9 =	simm.s32 $0x80;
	v5 =	vld [tilespmem:s25+$0x1D700]  }
.LBB2_26:
0x2ac: {  	p0 =	sne.s32 s9, $0x4E00;
	v7 =	vld [tilespmem:s28+$0x0];
	v4 =	vsub.f32 v6, v4;
	_ =	sdelay $0x1  }
0x2ad: {  	vm0 =	vgt.f32 v4, v1  }
0x2ae: {  	vm1 =	vgt.f32 v4, v2;
	v4 =	vsel vm0, $0x1, v0  }
0x2af: {  	v6 =	vsel vm1, $0x1, v0;
	v4 =	vadd.s32 v4, v5  }
0x2b0: {  	v4 =	vadd.s32 v6, v4  }
0x2b1: {  	[tilespmem:s25+$0x1D700] =	vst v4;
	s25 =	smov.u32 s28  }
0x2b2: {  	v4 =	vld.idx.msk [tilespmem:v3+s30+$0x0], $0xffff  }
0x2b3: {  	v6 =	vld.idx.msk [tilespmem:v7+s29+$0x0], $0xffff  }
.Ltmp12:
0x2b4: {  	(pc) =	sbr.rel @p0 .LBB2_26-.Ltmp12, $4  }
0x2b5: {  	_ = 	snop  }
0x2b6: {  	s28 =	sshra.s32 s9, $0x2  }
0x2b7: {  	v3 =	vld [tilespmem:s28+$0x2800]  }
0x2b8: {  	s9 =	sadd.s32 $0x40, s9;
	v5 =	vld [tilespmem:s25+$0x1D700]  }
0x2b9: {  	v7 =	vld [tilespmem:s28+$0x0];
	v4 =	vsub.f32 v6, v4;
	_ =	sdelay $0x1  }
0x2ba: {  	vm0 =	vgt.f32 v4, v1  }
0x2bb: {  	vm1 =	vgt.f32 v4, v2;
	v4 =	vsel vm0, $0x1, v0  }
0x2bc: {  	v6 =	vsel vm1, $0x1, v0;
	v4 =	vadd.s32 v4, v5  }
0x2bd: {  	v4 =	vadd.s32 v6, v4  }
0x2be: {  	[tilespmem:s25+$0x1D700] =	vst v4  }
0x2bf: {  	v3 =	vld.idx.msk [tilespmem:v3+s30+$0x0], $0xffff  }
0x2c0: {  	v4 =	vld.idx.msk [tilespmem:v7+s29+$0x0], $0xffff;
	_ =	sdelay $0x3  }
0x2c1: {  	v5 =	vld [tilespmem:s28+$0x1D700]  }
0x2c2: {  	v3 =	vsub.f32 v4, v3;
	_ =	sdelay $0x1  }
0x2c3: {  	vm14 =	vgt.f32 v3, v1  }
0x2c4: {  	vm15 =	vgt.f32 v3, v2;
	v3 =	vsel vm14, $0x1, v0  }
0x2c5: {  	v4 =	vsel vm15, $0x1, v0;
	v3 =	vadd.s32 v3, v5  }
0x2c6: {  	v3 =	vadd.s32 v4, v3  }
0x2c7: {  	s9 =	simm.s32 $0x0;
	[tilespmem:s28+$0x1D700] =	vst v3  }
0x2c8: {  	[hbm4b:s19+s9] =	stream.linear.scatter [tilespmem:s4], [sflag:$0x4], $0x1388, $0x38;
	[tilespmem:$0x1FF80] =	vst v63  }
0x2c9: {  	_ =	swait.ge [sflag:s5], $0x1388  }
0x2ca: {  	[sflag:s5] =	ssyncset.done $0x0  }
0x2cb: {  	[sflag:s5] =	ssyncadd.s32 $0xFFFFEC78  }
0x2cc: {  	[tilespmem:s9], [sflag:$0x2] =	stream.linear.gather [hbm4b:s20+s9], $0x1388, $0x38;
	[tilespmem:$0x1FF80] =	vst v63  }
0x2cd: {  	_ = 	snop  }
0x2ce: {  	[tilespmem:s31], [sflag:$0x2] =	stream.linear.gather [hbm4b:s23+s9], $0x1388, $0x38;
	[tilespmem:$0x1FF80] =	vst v63  }
0x2cf: {  	_ = 	snop  }
0x2d0: {  	[tilespmem:s4], [sflag:$0x2] =	stream.linear.gather [hbm4b:s22+s9], $0x1388, $0x38;
	[tilespmem:$0x1FF80] =	vst v63  }
0x2d1: {  	_ =	swait.ge [sflag:s6], $0x1388  }
0x2d2: {  	[sflag:s6] =	ssyncset.done $0x0  }
0x2d3: {  	[sflag:s6] =	ssyncadd.s32 $0xFFFFEC78  }
0x2d4: {  	_ =	swait.ge [sflag:s6], $0x1388  }
0x2d5: {  	[sflag:s6] =	ssyncset.done $0x0  }
0x2d6: {  	[sflag:s6] =	ssyncadd.s32 $0xFFFFEC78  }
0x2d7: {  	_ =	swait.ge [sflag:s6], $0x1388  }
0x2d8: {  	[sflag:s6] =	ssyncset.done $0x0  }
0x2d9: {  	s25 =	simm.s32 $0x0;
	[sflag:s6] =	ssyncadd.s32 $0xFFFFEC78  }
0x2da: {  	v3 =	vld [tilespmem:s25+$0x3C00]  }
0x2db: {  	v5 =	vld [tilespmem:s25+$0x1400];
	_ =	sdelay $0x6  }
0x2dc: {  	v4 =	vld.idx.msk [tilespmem:v3+s30+$0x0], $0xffff  }
0x2dd: {  	v6 =	vld.idx.msk [tilespmem:v5+s29+$0x0], $0xffff;
	_ =	sdelay $0x1  }
0x2de: {  	s28 =	simm.s32 $0x10  }
0x2df: {  	v3 =	vld [tilespmem:s28+$0x3C00]  }
0x2e0: {  	s9 =	simm.s32 $0x80;
	v5 =	vld [tilespmem:s25+$0x1EB00]  }
.LBB2_28:
0x2e1: {  	p0 =	sne.s32 s9, $0x4E00;
	v7 =	vld [tilespmem:s28+$0x1400];
	v4 =	vsub.f32 v6, v4;
	_ =	sdelay $0x1  }
0x2e2: {  	vm0 =	vgt.f32 v4, v1  }
0x2e3: {  	vm1 =	vgt.f32 v4, v2;
	v4 =	vsel vm0, $0x1, v0  }
0x2e4: {  	v6 =	vsel vm1, $0x1, v0;
	v4 =	vadd.s32 v4, v5  }
0x2e5: {  	v4 =	vadd.s32 v6, v4  }
0x2e6: {  	[tilespmem:s25+$0x1EB00] =	vst v4;
	s25 =	smov.u32 s28  }
0x2e7: {  	v4 =	vld.idx.msk [tilespmem:v3+s30+$0x0], $0xffff  }
0x2e8: {  	v6 =	vld.idx.msk [tilespmem:v7+s29+$0x0], $0xffff  }
.Ltmp13:
0x2e9: {  	(pc) =	sbr.rel @p0 .LBB2_28-.Ltmp13, $4  }
0x2ea: {  	_ = 	snop  }
0x2eb: {  	s28 =	sshra.s32 s9, $0x2  }
0x2ec: {  	v3 =	vld [tilespmem:s28+$0x3C00]  }
0x2ed: {  	s9 =	sadd.s32 $0x40, s9;
	v5 =	vld [tilespmem:s25+$0x1EB00]  }
0x2ee: {  	v7 =	vld [tilespmem:s28+$0x1400];
	v4 =	vsub.f32 v6, v4;
	_ =	sdelay $0x1  }
0x2ef: {  	vm0 =	vgt.f32 v4, v1  }
0x2f0: {  	vm1 =	vgt.f32 v4, v2;
	v4 =	vsel vm0, $0x1, v0  }
0x2f1: {  	v6 =	vsel vm1, $0x1, v0;
	v4 =	vadd.s32 v4, v5  }
0x2f2: {  	v4 =	vadd.s32 v6, v4  }
0x2f3: {  	[tilespmem:s25+$0x1EB00] =	vst v4  }
0x2f4: {  	v3 =	vld.idx.msk [tilespmem:v3+s30+$0x0], $0xffff  }
0x2f5: {  	v4 =	vld.idx.msk [tilespmem:v7+s29+$0x0], $0xffff;
	_ =	sdelay $0x3  }
0x2f6: {  	v5 =	vld [tilespmem:s28+$0x1EB00]  }
0x2f7: {  	v3 =	vsub.f32 v4, v3;
	_ =	sdelay $0x1  }
0x2f8: {  	vm14 =	vgt.f32 v3, v1  }
0x2f9: {  	vm15 =	vgt.f32 v3, v2;
	v3 =	vsel vm14, $0x1, v0  }
0x2fa: {  	v4 =	vsel vm15, $0x1, v0;
	v3 =	vadd.s32 v3, v5  }
0x2fb: {  	v3 =	vadd.s32 v4, v3  }
0x2fc: {  	s9 =	simm.s32 $0x0;
	[tilespmem:s28+$0x1EB00] =	vst v3  }
0x2fd: {  	[hbm4b:s21+s9] =	stream.linear.scatter [tilespmem:s7], [sflag:$0x5], $0x1388, $0x38;
	[tilespmem:$0x1FF80] =	vst v63  }
0x2fe: {  	_ =	swait.ge [sflag:s3], $0x1388  }
0x2ff: {  	[sflag:s3] =	ssyncset.done $0x0  }
0x300: {  	[sflag:s3] =	ssyncadd.s32 $0xFFFFEC78  }
0x301: {  	_ =	swait.ge [sflag:s3], $0x1388  }
0x302: {  	[sflag:s3] =	ssyncset.done $0x0  }
0x303: {  	[sflag:s3] =	ssyncadd.s32 $0xFFFFEC78  }
0x304: {  	_ =	swait.ge [sflag:s3], $0x1388  }
0x305: {  	[sflag:s3] =	ssyncset.done $0x0  }
0x306: {  	s25 =	simm.s32 $0x0;
	[sflag:s3] =	ssyncadd.s32 $0xFFFFEC78  }
0x307: {  	v3 =	vld [tilespmem:s25+$0x2800]  }
0x308: {  	v5 =	vld [tilespmem:s25+$0x0];
	_ =	sdelay $0x6  }
0x309: {  	v4 =	vld.idx.msk [tilespmem:v3+s30+$0x0], $0xffff  }
0x30a: {  	v6 =	vld.idx.msk [tilespmem:v5+s29+$0x0], $0xffff;
	_ =	sdelay $0x1  }
0x30b: {  	s28 =	simm.s32 $0x10  }
0x30c: {  	v3 =	vld [tilespmem:s28+$0x2800]  }
0x30d: {  	s9 =	simm.s32 $0x80;
	v5 =	vld [tilespmem:s25+$0x1D700]  }
.LBB2_30:
0x30e: {  	p0 =	sne.s32 s9, $0x4E00;
	v7 =	vld [tilespmem:s28+$0x0];
	v4 =	vsub.f32 v6, v4;
	_ =	sdelay $0x1  }
0x30f: {  	vm0 =	vgt.f32 v4, v1  }
0x310: {  	vm1 =	vgt.f32 v4, v2;
	v4 =	vsel vm0, $0x1, v0  }
0x311: {  	v6 =	vsel vm1, $0x1, v0;
	v4 =	vadd.s32 v4, v5  }
0x312: {  	v4 =	vadd.s32 v6, v4  }
0x313: {  	[tilespmem:s25+$0x1D700] =	vst v4;
	s25 =	smov.u32 s28  }
0x314: {  	v4 =	vld.idx.msk [tilespmem:v3+s30+$0x0], $0xffff  }
0x315: {  	v6 =	vld.idx.msk [tilespmem:v7+s29+$0x0], $0xffff  }
.Ltmp14:
0x316: {  	(pc) =	sbr.rel @p0 .LBB2_30-.Ltmp14, $4  }
0x317: {  	_ = 	snop  }
0x318: {  	s28 =	sshra.s32 s9, $0x2  }
0x319: {  	v3 =	vld [tilespmem:s28+$0x2800]  }
0x31a: {  	s9 =	sadd.s32 $0x40, s9;
	v5 =	vld [tilespmem:s25+$0x1D700]  }
0x31b: {  	v7 =	vld [tilespmem:s28+$0x0];
	v4 =	vsub.f32 v6, v4;
	_ =	sdelay $0x1  }
0x31c: {  	vm0 =	vgt.f32 v4, v1  }
0x31d: {  	vm1 =	vgt.f32 v4, v2;
	v61 =	vsel vm0, $0x1, v0  }
0x31e: {  	v62 =	vsel vm1, $0x1, v0;
	v4 =	vadd.s32 v61, v5  }
0x31f: {  	v4 =	vadd.s32 v62, v4  }
0x320: {  	[tilespmem:s25+$0x1D700] =	vst v4  }
0x321: {  	v3 =	vld.idx.msk [tilespmem:v3+s30+$0x0], $0xffff  }
0x322: {  	v4 =	vld.idx.msk [tilespmem:v7+s29+$0x0], $0xffff;
	_ =	sdelay $0x3  }
0x323: {  	v63 =	vld [tilespmem:s28+$0x1D700]  }
0x324: {  	v3 =	vsub.f32 v4, v3;
	_ =	sdelay $0x1  }
0x325: {  	vm14 =	vgt.f32 v3, v1  }
0x326: {  	vm15 =	vgt.f32 v3, v2;
	v1 =	vsel vm14, $0x1, v0  }
0x327: {  	v2 =	vsel vm15, $0x1, v0;
	v1 =	vadd.s32 v1, v63  }
0x328: {  	v1 =	vadd.s32 v2, v1  }
0x329: {  	[tilespmem:s28+$0x1D700] =	vst v1  }
0x32a: {  	[hbm4b:s22+s2] =	stream.linear.scatter [tilespmem:s4], [sflag:$0x4], $0x1388, $0x38;
	[tilespmem:$0x1FF80] =	vst v63  }
0x32b: {  	_ =	swait.ge [sflag:s8], $0x1388  }
0x32c: {  	[sflag:s8] =	ssyncset.done $0x0  }
0x32d: {  	[sflag:s8] =	ssyncadd.s32 $0xFFFFEC78  }
0x32e: {  	_ =	swait.ge [sflag:s5], $0x1388  }
0x32f: {  	s24 =	sadd.s32 $0x1, s24;
	s9 =	rddreg [dreg:$0xb]  }
0x330: {  	p0 =	sne.s32 s24, s9  }
.Ltmp15:
0x331: {  	_ = 	snop;
	(pc) =	sbr.rel @p0 .LBB2_1-.Ltmp15, $3  }
0x332: {  	_ =	sdelay $0x1  }
0x333: {  	[sflag:s5] =	ssyncset.done $0x0  }
0x334: {  	[sflag:s5] =	ssyncadd.s32 $0xFFFFEC78  }
0x335: {  	_ =	sfence.sel $0x180000  }
0x336: {  	[bflag:$0x0] =	sbarrier.arrive $0xFFFF  }
0x337: {  	_ =	strace $0x90000047  }
0x338: {  	s0 =	stileid.u32;
	[bflag:$0x2] =	sbarrier.arrive $0xFFFF  }
0x339: {  	p0 =	sne.s32 s0, $0x0;
	s0 =	rddreg [dreg:$0x2]  }
0x33a: {  	s0 =	sadd.s32 @!p0 $0x100000, s0  }
0x33b: {  	[sflag:s0] =	ssyncadd.tile.s32 @!p0 $0x1;
	_ =	shalt  }
.Lfunc_end2:
_tile_overlayer_lowered:
.L_overlay_start_2:
0x33c: {  	(tag) =	ssettag $0x2  }
0x33d: {  	s0 =	rddreg [dreg:$0x0];
	s2 =	stileid.u32  }
0x33e: {  	s1 =	rddreg [dreg:$0x1];
	p0 =	sne.s32 s2, $0x0  }
0x33f: {  	s3 =	rddreg [dreg:$0x2];
	[bflag:$0x3] =	sbarrier.arrive $0xFFFF;
	s2 =	simm.s32 @!p0 $0x1C06  }
0x340: {  	[timem:s3], [sflag:s2] =	dma.local @!p0 [hbm:s0], s1  }
0x341: {  	s0 =	simm.s32 @!p0 $0x6  }
0x342: {  	_ =	swait.ge @!p0 [sflag:s0], s1  }
0x343: {  	s1 =	ssub.s32 @!p0 $0x0, s1;
	[sflag:s0] =	ssyncset.done @!p0 $0x0  }
0x344: {  	[sflag:s0] =	ssyncadd.s32 @!p0 s1  }
0x345: {  	[bflag:$0x3] =	sbarrier.arrive $0xFFFF  }
0x346: {  	_ =	shalt  }

</sc_bundles>
